<compile_context>
chip_gen: v7x
topology: tpu7x:2x2x1
jax: 0.10.2.dev20260603
libtpu: 0.0.44.dev20260713+nightly
codegen_flags: <defaults>
</compile_context>

<pallas_src>
import functools

import jax
import jax.numpy as jnp
from jax import lax
from jax.experimental import pallas as pl
from jax.experimental.pallas import tpu as pltpu
from jax.experimental.pallas import tpu_sc as plsc

F32 = jnp.float32
BN = 1024
BNJ = 2048
NG = 128
HI = jax.lax.Precision.DEFAULT


def _edge_rowagg(table, src2d, dst2d, zeros):
    npad, w = table.shape
    b = src2d.shape[1]
    e = src2d.shape[0] * b
    nc, ns = 2, 16
    nblk = e // (nc * ns * b)
    rps = npad // ns
    assert e % (nc * ns * b) == 0 and npad % ns == 0 and rps % 8 == 0

    mesh = plsc.VectorSubcoreMesh(core_axis_name="c", subcore_axis_name="s")

    @functools.partial(
        pl.kernel,
        out_type=jax.ShapeDtypeStruct((nc * npad, w), F32),
        mesh=mesh,
        scratch_types=[
            pltpu.VMEM_SHARED((npad, w), F32),
            pltpu.VMEM((nblk, b), jnp.int32),
            pltpu.VMEM((nblk, b), jnp.int32),
            pltpu.VMEM((2, b, w), F32),
            pltpu.SemaphoreType.DMA,
        ],
        compiler_params=pltpu.CompilerParams(use_tc_tiling_on_sc=False),
    )
    def agg(tab_hbm, src_hbm, dst_hbm, z_hbm, out_hbm, acc, src_v,
            dst_v, rows, sem_g):
        c = lax.axis_index("c")
        s = lax.axis_index("s")
        r0 = pl.multiple_of(s * rps, 8)
        pltpu.sync_copy(z_hbm.at[pl.ds(r0, rps)], acc.at[pl.ds(r0, rps)])
        blk0 = (c * ns + s) * nblk
        pltpu.sync_copy(src_hbm.at[pl.ds(blk0, nblk)], src_v)
        pltpu.sync_copy(dst_hbm.at[pl.ds(blk0, nblk)], dst_v)
        plsc.subcore_barrier()

        pltpu.async_copy(tab_hbm.at[src_v.at[0]], rows.at[0], sem_g)

        def body(j, carry):
            jm = lax.rem(j, 2)
            pltpu.make_async_copy(tab_hbm.at[src_v.at[j]], rows.at[jm],
                                  sem_g).wait()

            @pl.when(j + 1 < nblk)
            def _():
                pltpu.async_copy(tab_hbm.at[src_v.at[j + 1]],
                                 rows.at[1 - jm], sem_g)

            pltpu.sync_copy(rows.at[jm], acc.at[dst_v.at[j]], add=True)
            return carry

        lax.fori_loop(0, nblk, body, 0)
        plsc.subcore_barrier()
        o0 = pl.multiple_of(c * npad + s * rps, 8)
        pltpu.sync_copy(acc.at[pl.ds(r0, rps)], out_hbm.at[pl.ds(o0, rps)])

    return agg(table, src2d, dst2d, zeros).reshape(nc, npad, w)


def _tc_pre(xp, w1, w2, bias):
    npad, f = xp.shape
    h = w1.shape[1]
    nb = npad // BN

    def body(x_ref, w1_ref, w2_ref, b_ref, y_ref, r_ref):
        xb = x_ref[...]
        y = jnp.dot(xb, w1_ref[...], precision=HI,
                    preferred_element_type=F32)
        y_ref[...] = jnp.concatenate([y, jnp.ones((BN, 16), F32)], axis=1)
        r_ref[...] = jnp.dot(xb, w2_ref[...], precision=HI,
                             preferred_element_type=F32) + b_ref[...]

    return pl.pallas_call(
        body,
        grid=(nb,),
        in_specs=[
            pl.BlockSpec((BN, f), lambda i: (i, 0)),
            pl.BlockSpec((f, h), lambda i: (0, 0)),
            pl.BlockSpec((f, h), lambda i: (0, 0)),
            pl.BlockSpec((1, h), lambda i: (0, 0)),
        ],
        out_specs=[
            pl.BlockSpec((BN, h + 16), lambda i: (i, 0)),
            pl.BlockSpec((BN, h), lambda i: (i, 0)),
        ],
        out_shape=[
            jax.ShapeDtypeStruct((npad, h + 16), F32),
            jax.ShapeDtypeStruct((npad, h), F32),
        ],
    )(xp, w1, w2, bias)


def _combine_h(sp_ref, dp_ref, r_ref, nm):
    sfull = sp_ref[0] + sp_ref[1]
    if dp_ref is None:
        s = sfull[:, 0:64]
        d = sfull[:, 64:65]
    else:
        s = sfull
        d = dp_ref[0][:, 64:65] + dp_ref[1][:, 64:65]
    if nm is None:
        return jnp.maximum(s / jnp.maximum(d, 1.0) + r_ref[...], 0.0)
    return jnp.maximum(s * nm / jnp.maximum(d * nm, 1.0) + r_ref[...],
                       0.0) * nm


def _onehot(br):
    gcol = lax.broadcasted_iota(jnp.int32, (NG, 1), 0).astype(F32)
    return jnp.where(gcol == br, 1.0, 0.0)


def _tc_combine1(sp, r, b_row, w1n, w2n, bn):
    npad, h = r.shape
    nb = npad // BN

    def body(sp_ref, r_ref, br_ref, w1_ref, w2_ref, bn_ref,
             y_ref, r2_ref, xs_ref, cnt_ref):
        i = pl.program_id(0)
        hb = _combine_h(sp_ref, None, r_ref, None)
        y_ref[...] = jnp.dot(hb, w1_ref[...], precision=HI,
                             preferred_element_type=F32)
        r2_ref[...] = jnp.dot(hb, w2_ref[...], precision=HI,
                              preferred_element_type=F32) + bn_ref[...]
        og = _onehot(br_ref[...])

        @pl.when(i == 0)
        def _():
            xs_ref[...] = jnp.zeros_like(xs_ref)
            cnt_ref[...] = jnp.zeros_like(cnt_ref)

        xs_ref[...] += jnp.dot(og, hb, precision=HI,
                               preferred_element_type=F32)
        cnt_ref[...] += jnp.sum(og, axis=1, keepdims=True)

    return pl.pallas_call(
        body,
        grid=(nb,),
        in_specs=[
            pl.BlockSpec((2, BN, h + 16), lambda i: (0, i, 0)),
            pl.BlockSpec((BN, h), lambda i: (i, 0)),
            pl.BlockSpec((1, BN), lambda i: (0, i)),
            pl.BlockSpec((h, h), lambda i: (0, 0)),
            pl.BlockSpec((h, h), lambda i: (0, 0)),
            pl.BlockSpec((1, h), lambda i: (0, 0)),
        ],
        out_specs=[
            pl.BlockSpec((BN, h), lambda i: (i, 0)),
            pl.BlockSpec((BN, h), lambda i: (i, 0)),
            pl.BlockSpec((NG, h), lambda i: (0, 0)),
            pl.BlockSpec((NG, 1), lambda i: (0, 0)),
        ],
        out_shape=[
            jax.ShapeDtypeStruct((npad, h), F32),
            jax.ShapeDtypeStruct((npad, h), F32),
            jax.ShapeDtypeStruct((NG, h), F32),
            jax.ShapeDtypeStruct((NG, 1), F32),
        ],
    )(sp, r, b_row, w1n, w2n, bn)


def _tc_combine2(sp, dp, r, b_row, pw_row):
    npad, h = r.shape
    nb = npad // BN

    def body(sp_ref, dp_ref, r_ref, br_ref, pw_ref, h_ref, z_ref, xs_ref):
        i = pl.program_id(0)
        hb = _combine_h(sp_ref, dp_ref, r_ref, None)
        h_ref[...] = hb
        pw = pw_ref[...]
        nrm = jnp.sqrt(jnp.sum(pw * pw))
        z_ref[...] = jnp.sum(hb * pw, axis=1, keepdims=True) / nrm
        og = _onehot(br_ref[...])

        @pl.when(i == 0)
        def _():
            xs_ref[...] = jnp.zeros_like(xs_ref)

        xs_ref[...] += jnp.dot(og, hb, precision=HI,
                               preferred_element_type=F32)

    return pl.pallas_call(
        body,
        grid=(nb,),
        in_specs=[
            pl.BlockSpec((2, BN, h), lambda i: (0, i, 0)),
            pl.BlockSpec((2, BN, h + 16), lambda i: (0, i, 0)),
            pl.BlockSpec((BN, h), lambda i: (i, 0)),
            pl.BlockSpec((1, BN), lambda i: (0, i)),
            pl.BlockSpec((1, h), lambda i: (0, 0)),
        ],
        out_specs=[
            pl.BlockSpec((BN, h), lambda i: (i, 0)),
            pl.BlockSpec((BN, 1), lambda i: (i, 0)),
            pl.BlockSpec((NG, h), lambda i: (0, 0)),
        ],
        out_shape=[
            jax.ShapeDtypeStruct((npad, h), F32),
            jax.ShapeDtypeStruct((npad, 1), F32),
            jax.ShapeDtypeStruct((NG, h), F32),
        ],
    )(sp, dp, r, b_row, pw_row)


def _tc_rank(z_col, z_row, b_col, b_row):
    npad = z_col.shape[0]
    nbi, nbj = npad // BN, npad // BNJ

    def body(zi_ref, bi_ref, zj_ref, bj_ref, rk_ref):
        i = pl.program_id(0)
        j = pl.program_id(1)

        @pl.when(j == 0)
        def _():
            rk_ref[...] = jnp.zeros_like(rk_ref)

        bi = bi_ref[...]
        bj = bj_ref[...]
        overlap = jnp.logical_and(bj[0, 0] <= bi[BN - 1, 0],
                                  bj[0, BNJ - 1] >= bi[0, 0])

        @pl.when(overlap)
        def _():
            zi = zi_ref[...]
            zj = zj_ref[...]
            beq = bi == bj
            gi = (i * BN + lax.broadcasted_iota(jnp.int32, (BN, 1), 0)
                  ).astype(F32)
            gj = (j * BNJ + lax.broadcasted_iota(jnp.int32, (1, BNJ), 1)
                  ).astype(F32)
            ahead = (zj > zi) | ((zj == zi) & (gj < gi))
            cmat = jnp.where(beq & ahead, 1.0, 0.0)
            rk_ref[...] += jnp.sum(cmat, axis=1, keepdims=True)

    return pl.pallas_call(
        body,
        grid=(nbi, nbj),
        in_specs=[
            pl.BlockSpec((BN, 1), lambda i, j: (i, 0)),
            pl.BlockSpec((BN, 1), lambda i, j: (i, 0)),
            pl.BlockSpec((1, BNJ), lambda i, j: (0, j)),
            pl.BlockSpec((1, BNJ), lambda i, j: (0, j)),
        ],
        out_specs=pl.BlockSpec((BN, 1), lambda i, j: (i, 0)),
        out_shape=jax.ShapeDtypeStruct((npad, 1), F32),
    )(z_col, b_col, z_row, b_row)


def _tc_topk(h2, z, rank, cnt_row, b_col, w1n, w2n, bn):
    npad, h = h2.shape
    nb = npad // BN

    def body(h_ref, z_ref, rk_ref, cnt_ref, bc_ref, w1_ref, w2_ref, bn_ref,
             y_ref, r2_ref, nm_ref):
        grow = lax.broadcasted_iota(jnp.int32, (1, NG), 1).astype(F32)
        ogt = jnp.where(bc_ref[...] == grow, 1.0, 0.0)
        k_row = jnp.ceil(0.8 * cnt_ref[...])
        k_node = jnp.sum(ogt * k_row, axis=1, keepdims=True)
        nm = jnp.where(rk_ref[...] < k_node, 1.0, 0.0)
        x3 = h_ref[...] * (jnp.tanh(z_ref[...]) * nm)
        y = jnp.dot(x3, w1_ref[...], precision=HI,
                    preferred_element_type=F32)
        y_ref[...] = jnp.concatenate(
            [y, jnp.broadcast_to(nm, (BN, 16))], axis=1)
        r2_ref[...] = jnp.dot(x3, w2_ref[...], precision=HI,
                              preferred_element_type=F32) + bn_ref[...]
        nm_ref[...] = nm

    return pl.pallas_call(
        body,
        grid=(nb,),
        in_specs=[
            pl.BlockSpec((BN, h), lambda i: (i, 0)),
            pl.BlockSpec((BN, 1), lambda i: (i, 0)),
            pl.BlockSpec((BN, 1), lambda i: (i, 0)),
            pl.BlockSpec((1, NG), lambda i: (0, 0)),
            pl.BlockSpec((BN, 1), lambda i: (i, 0)),
            pl.BlockSpec((h, h), lambda i: (0, 0)),
            pl.BlockSpec((h, h), lambda i: (0, 0)),
            pl.BlockSpec((1, h), lambda i: (0, 0)),
        ],
        out_specs=[
            pl.BlockSpec((BN, h + 16), lambda i: (i, 0)),
            pl.BlockSpec((BN, h), lambda i: (i, 0)),
            pl.BlockSpec((BN, 1), lambda i: (i, 0)),
        ],
        out_shape=[
            jax.ShapeDtypeStruct((npad, h + 16), F32),
            jax.ShapeDtypeStruct((npad, h), F32),
            jax.ShapeDtypeStruct((npad, 1), F32),
        ],
    )(h2, z, rank, cnt_row, b_col, w1n, w2n, bn)


def _tc_combine3(sp, r, nmask, b_row, w1n, w2n, bn):
    npad, h = r.shape
    nb = npad // BN

    def body(sp_ref, r_ref, nm_ref, br_ref, w1_ref, w2_ref, bn_ref,
             y_ref, r2_ref, xs_ref, cnt_ref):
        i = pl.program_id(0)
        nm = nm_ref[...]
        hb = _combine_h(sp_ref, None, r_ref, nm)
        y_ref[...] = jnp.dot(hb, w1_ref[...], precision=HI,
                             preferred_element_type=F32)
        r2_ref[...] = jnp.dot(hb, w2_ref[...], precision=HI,
                              preferred_element_type=F32) + bn_ref[...]
        og = _onehot(br_ref[...])

        @pl.when(i == 0)
        def _():
            xs_ref[...] = jnp.zeros_like(xs_ref)
            cnt_ref[...] = jnp.zeros_like(cnt_ref)

        xs_ref[...] += jnp.dot(og, hb, precision=HI,
                               preferred_element_type=F32)
        cnt_ref[...] += jnp.dot(og, nm, precision=HI,
                                preferred_element_type=F32)

    return pl.pallas_call(
        body,
        grid=(nb,),
        in_specs=[
            pl.BlockSpec((2, BN, h + 16), lambda i: (0, i, 0)),
            pl.BlockSpec((BN, h), lambda i: (i, 0)),
            pl.BlockSpec((BN, 1), lambda i: (i, 0)),
            pl.BlockSpec((1, BN), lambda i: (0, i)),
            pl.BlockSpec((h, h), lambda i: (0, 0)),
            pl.BlockSpec((h, h), lambda i: (0, 0)),
            pl.BlockSpec((1, h), lambda i: (0, 0)),
        ],
        out_specs=[
            pl.BlockSpec((BN, h), lambda i: (i, 0)),
            pl.BlockSpec((BN, h), lambda i: (i, 0)),
            pl.BlockSpec((NG, h), lambda i: (0, 0)),
            pl.BlockSpec((NG, 1), lambda i: (0, 0)),
        ],
        out_shape=[
            jax.ShapeDtypeStruct((npad, h), F32),
            jax.ShapeDtypeStruct((npad, h), F32),
            jax.ShapeDtypeStruct((NG, h), F32),
            jax.ShapeDtypeStruct((NG, 1), F32),
        ],
    )(sp, r, nmask, b_row, w1n, w2n, bn)


def _tc_combine4(sp, dp, r, nmask, b_row):
    npad, h = r.shape
    nb = npad // BN

    def body(sp_ref, dp_ref, r_ref, nm_ref, br_ref, xs_ref):
        i = pl.program_id(0)
        hb = _combine_h(sp_ref, dp_ref, r_ref, nm_ref[...])
        og = _onehot(br_ref[...])

        @pl.when(i == 0)
        def _():
            xs_ref[...] = jnp.zeros_like(xs_ref)

        xs_ref[...] += jnp.dot(og, hb, precision=HI,
                               preferred_element_type=F32)

    return pl.pallas_call(
        body,
        grid=(nb,),
        in_specs=[
            pl.BlockSpec((2, BN, h), lambda i: (0, i, 0)),
            pl.BlockSpec((2, BN, h + 16), lambda i: (0, i, 0)),
            pl.BlockSpec((BN, h), lambda i: (i, 0)),
            pl.BlockSpec((BN, 1), lambda i: (i, 0)),
            pl.BlockSpec((1, BN), lambda i: (0, i)),
        ],
        out_specs=pl.BlockSpec((NG, h), lambda i: (0, 0)),
        out_shape=jax.ShapeDtypeStruct((NG, h), F32),
    )(sp, dp, r, nmask, b_row)


def _tc_head(xs0, xs1, xs2, xs3, cnt0, cnt1, l1w, l1b, l2wp, l2bp):
    def body(a0, a1, a2, a3, c0, c1, w1, b1, w2, b2, o_ref):
        c0v = jnp.maximum(c0[...], 1.0)
        c1v = jnp.maximum(c1[...], 1.0)
        hcat = jnp.concatenate(
            [a0[...] / c0v, a1[...] / c0v, a2[...] / c1v, a3[...] / c1v],
            axis=1)
        t = jnp.maximum(jnp.dot(hcat, w1[...], precision=HI,
                                preferred_element_type=F32) + b1[...], 0.0)
        lg = jnp.dot(t, w2[...], precision=HI,
                     preferred_element_type=F32) + b2[...]
        colv = lax.broadcasted_iota(jnp.int32, (NG, 128), 1) < 16
        lgm = jnp.where(colv, lg, -1e30)
        m = jnp.max(lgm, axis=1, keepdims=True)
        p = jnp.where(colv, jnp.exp(lgm - m), 0.0)
        lse = jnp.log(jnp.sum(p, axis=1, keepdims=True))
        o_ref[...] = lgm - m - lse

    return pl.pallas_call(
        body,
        out_shape=jax.ShapeDtypeStruct((NG, 128), F32),
    )(xs0, xs1, xs2, xs3, cnt0, cnt1, l1w, l1b, l2wp, l2bp)


def kernel(x, edge_index, batch, c1_wr, c1_wro, c1_b, c2_wr, c2_wro, c2_b,
           c3_wr, c3_wro, c3_b, c4_wr, c4_wro, c4_b, p0_w, p1_w,
           l1_w, l1_b, l2_w, l2_b):
    n, f = x.shape
    h = c1_wr.shape[1]
    npad = ((n + BNJ - 1) // BNJ) * BNJ
    pad = npad - n

    xp = jnp.pad(x, ((0, pad), (0, 0)))
    bf = jnp.pad(batch.astype(F32), (0, pad), constant_values=1e9)
    b_row = bf.reshape(1, npad)
    b_col = bf.reshape(npad, 1)
    eb = 125
    src2d = edge_index[0].reshape(-1, eb)
    dst2d = edge_index[1].reshape(-1, eb)
    zeros80 = jnp.zeros((npad, h + 16), F32)
    zeros64 = zeros80[:, :h]

    y1, r1 = _tc_pre(xp, c1_wr, c1_wro, c1_b.reshape(1, h))
    s1p = _edge_rowagg(y1, src2d, dst2d, zeros80)
    y2, r2, xs0, cnt0 = _tc_combine1(s1p, r1, b_row, c2_wr, c2_wro,
                                     c2_b.reshape(1, h))
    s2p = _edge_rowagg(y2, src2d, dst2d, zeros64)
    h2, z, xs1 = _tc_combine2(s2p, s1p, r2, b_row, p0_w.reshape(1, h))
    rank = _tc_rank(z, z.reshape(1, npad), b_col, b_row)
    y3, r3, nmask = _tc_topk(h2, z, rank, cnt0.reshape(1, NG), b_col,
                             c3_wr, c3_wro, c3_b.reshape(1, h))
    s3p = _edge_rowagg(y3, src2d, dst2d, zeros80)
    y4, r4, xs2, cnt1 = _tc_combine3(s3p, r3, nmask, b_row,
                                     c4_wr, c4_wro, c4_b.reshape(1, h))
    s4p = _edge_rowagg(y4, src2d, dst2d, zeros64)
    xs3 = _tc_combine4(s4p, s3p, r4, nmask, b_row)

    c = l2_w.shape[1]
    l2wp = jnp.pad(l2_w, ((0, 0), (0, 128 - c)))
    l2bp = jnp.pad(l2_b.reshape(1, c), ((0, 0), (0, 128 - c)))
    out = _tc_head(xs0, xs1, xs2, xs3, cnt0, cnt1, l1_w,
                   l1_b.reshape(1, h), l2wp, l2bp)
    return out[:, :c]

# --- scband reference (transcript-rebuilt; emitter-appended) ---
"""Pipeline reference for scband-top-k-9912784519967 (READ-ONLY COPY).

The authoritative reference and input builder live on the scoring server;
editing this copy changes nothing except your own understanding.
"""

import jax, jax.numpy as jnp
import numpy as np

N = 10000
E = 320000
F_IN = 128
H = 64
G = 128
C = 16
RATIO = 0.8


def setup_inputs(seed: int = 0) -> dict:
    key = jax.random.key(seed)
    ks = jax.random.split(key, 24)
    s = 0.05
    inp = {}
    inp["x"] = jax.random.normal(ks[0], (N, F_IN), dtype=jnp.float32)
    inp["edge_index"] = jax.random.randint(ks[1], (2, E), 0, N, dtype=jnp.int32)
    inp["batch"] = jnp.sort(jax.random.randint(ks[2], (N,), 0, G, dtype=jnp.int32))
    inp["c1_wr"] = jax.random.normal(ks[3], (F_IN, H), dtype=jnp.float32) * s
    inp["c1_wro"] = jax.random.normal(ks[4], (F_IN, H), dtype=jnp.float32) * s
    inp["c1_b"] = jax.random.normal(ks[5], (H,), dtype=jnp.float32) * s
    inp["c2_wr"] = jax.random.normal(ks[6], (H, H), dtype=jnp.float32) * s
    inp["c2_wro"] = jax.random.normal(ks[7], (H, H), dtype=jnp.float32) * s
    inp["c2_b"] = jax.random.normal(ks[8], (H,), dtype=jnp.float32) * s
    inp["c3_wr"] = jax.random.normal(ks[9], (H, H), dtype=jnp.float32) * s
    inp["c3_wro"] = jax.random.normal(ks[10], (H, H), dtype=jnp.float32) * s
    inp["c3_b"] = jax.random.normal(ks[11], (H,), dtype=jnp.float32) * s
    inp["c4_wr"] = jax.random.normal(ks[12], (H, H), dtype=jnp.float32) * s
    inp["c4_wro"] = jax.random.normal(ks[13], (H, H), dtype=jnp.float32) * s
    inp["c4_b"] = jax.random.normal(ks[14], (H,), dtype=jnp.float32) * s
    inp["p0_w"] = jax.random.normal(ks[15], (H,), dtype=jnp.float32) * s + 0.01
    inp["p1_w"] = jax.random.normal(ks[16], (H,), dtype=jnp.float32) * s + 0.01
    inp["l1_w"] = jax.random.normal(ks[17], (4 * H, H), dtype=jnp.float32) * s
    inp["l1_b"] = jax.random.normal(ks[18], (H,), dtype=jnp.float32) * s
    inp["l2_w"] = jax.random.normal(ks[19], (H, C), dtype=jnp.float32) * s
    inp["l2_b"] = jax.random.normal(ks[20], (C,), dtype=jnp.float32) * s
    return inp


def _gmp(x, batch, nmask):
    # global mean pool over kept nodes only
    s = jax.ops.segment_sum(x, batch, num_segments=G)
    cnt = jax.ops.segment_sum(nmask, batch, num_segments=G)
    return s / jnp.maximum(cnt, 1.0)[:, None]


def _conv(x, src, dst, emask, W1, W2, b):
    # GraphConv with aggr='mean': mean-aggregate neighbor feats, then linear; plus root linear
    msg = x[src] * emask[:, None]
    agg = jax.ops.segment_sum(msg, dst, num_segments=x.shape[0])
    deg = jax.ops.segment_sum(emask, dst, num_segments=x.shape[0])
    agg = agg / jnp.maximum(deg, 1.0)[:, None]
    return agg @ W1 + x @ W2 + b


def _topk(x, batch, nmask, w):
    # TopKPooling: score = tanh(x.w / ||w||); keep top ceil(ratio*n_i) per graph (mask formulation)
    score = jnp.tanh((x @ w) / jnp.linalg.norm(w))
    masked = jnp.where(nmask > 0.5, score, -1e30)
    order = jnp.lexsort((-masked, batch))
    counts = jnp.bincount(batch, length=G)
    start = jnp.cumsum(counts) - counts
    rank_sorted = jnp.arange(x.shape[0]) - start[batch[order]]
    rank = jnp.zeros((x.shape[0],), dtype=jnp.int32).at[order].set(rank_sorted.astype(jnp.int32))
    kept = jax.ops.segment_sum(nmask, batch, num_segments=G)
    k = jnp.ceil(RATIO * kept).astype(jnp.int32)
    new_mask = jnp.where((rank < k[batch]) & (nmask > 0.5), 1.0, 0.0)
    x_new = x * score[:, None] * new_mask[:, None]
    return x_new, new_mask


def reference(x, edge_index, batch, c1_wr, c1_wro, c1_b, c2_wr, c2_wro, c2_b,
              c3_wr, c3_wro, c3_b, c4_wr, c4_wro, c4_b, p0_w, p1_w,
              l1_w, l1_b, l2_w, l2_b):
    src, dst = edge_index[0], edge_index[1]
    nmask = jnp.ones((x.shape[0],), jnp.float32)
    emask = jnp.ones((src.shape[0],), jnp.float32)
    x = jax.nn.relu(_conv(x, src, dst, emask, c1_wr, c1_wro, c1_b)) * nmask[:, None]
    xs = [_gmp(x, batch, nmask)]
    convs = [(c2_wr, c2_wro, c2_b), (c3_wr, c3_wro, c3_b), (c4_wr, c4_wro, c4_b)]
    pools = [p0_w, p1_w]
    for i, (W1, W2, b) in enumerate(convs):
        x = jax.nn.relu(_conv(x, src, dst, emask, W1, W2, b)) * nmask[:, None]
        xs.append(_gmp(x, batch, nmask))
        if i % 2 == 0 and i < len(convs) - 1:
            x, nmask = _topk(x, batch, nmask, pools[i // 2])
            emask = nmask[src] * nmask[dst]
    h = jnp.concatenate(xs, axis=-1)
    h = jax.nn.relu(h @ l1_w + l1_b)
    # dropout is identity in eval mode
    h = h @ l2_w + l2_b
    return jax.nn.log_softmax(h, axis=-1)

if __name__ == "__main__":
    import jax
    _d = setup_inputs()
    print(jax.jit(kernel)(*tuple(_d.values())))

</pallas_src>

<mosaic_0001>
#map = affine_map<(d0, d1) -> (0, 0)>
module attributes {stable_mosaic.version = 14 : i64} {
  func.func @agg(%arg0: i32, %arg1: i32, %arg2: memref<10240x80xf32, #tpu.memory_space<hbm>>, %arg3: memref<2560x125xi32, #tpu.memory_space<hbm>>, %arg4: memref<2560x125xi32, #tpu.memory_space<hbm>>, %arg5: memref<10240x80xf32, #tpu.memory_space<hbm>>, %arg6: memref<20480x80xf32, #tpu.memory_space<hbm>>, %arg7: memref<10240x80xf32, #tpu.memory_space<vmem_shared>>, %arg8: memref<80x125xi32, #tpu.memory_space<vmem>>, %arg9: memref<80x125xi32, #tpu.memory_space<vmem>>, %arg10: memref<2x125x80xf32, #tpu.memory_space<vmem>>, %arg11: memref<!tpu.dma_semaphore, #tpu.memory_space<semaphore_mem>>) attributes {dimension_semantics = [#tpu.dimension_semantics<core_parallel>, #tpu.dimension_semantics<subcore_parallel>], iteration_bounds = array<i64: 2, 16>, scalar_prefetch = 0 : i64, scratch_operands = 5 : i64, tpu.core_type = #tpu.core_type<sc_vector_subcore>, window_params = [{transform_indices = #map}, {transform_indices = #map}, {transform_indices = #map}, {transform_indices = #map}, {transform_indices = #map}]} {
    %mul3A = arith.constant 640 : i32
    %mul3A_0 = arith.muli %arg1, %mul3A : i32
    %multiple_of3A = tpu.assume_multiple %mul3A_0, 8 : i32
    "tpu.region"() ({
      %run_scoped3A = tpu.sem_alloc : memref<!tpu.dma_semaphore, #tpu.memory_space<semaphore_mem>>
      %dma_start3A_28 = arith.constant 0 : i32
      %dma_start3A_29 = tpu.memref_slice %arg7[%multiple_of3A, %dma_start3A_28] : memref<10240x80xf32, #tpu.memory_space<vmem_shared>> -> memref<640x80xf32, #tpu.memory_space<vmem_shared>>
      %dma_start3A_30 = arith.constant 0 : i32
      %dma_start3A_31 = tpu.memref_slice %arg5[%multiple_of3A, %dma_start3A_30] : memref<10240x80xf32, #tpu.memory_space<hbm>> -> memref<640x80xf32, #tpu.memory_space<hbm>>
      tpu.enqueue_dma source(%dma_start3A_31 : memref<640x80xf32, #tpu.memory_space<hbm>>) target(%dma_start3A_29 : memref<640x80xf32, #tpu.memory_space<vmem_shared>>) target_semaphore(%run_scoped3A : memref<!tpu.dma_semaphore, #tpu.memory_space<semaphore_mem>>)
      %dma_wait3A = arith.constant 0 : i32
      %dma_wait3A_32 = tpu.memref_slice %arg7[%multiple_of3A, %dma_wait3A] : memref<10240x80xf32, #tpu.memory_space<vmem_shared>> -> memref<640x80xf32, #tpu.memory_space<vmem_shared>>
      %dma_wait3A_33 = arith.constant 0 : i32
      %dma_wait3A_34 = tpu.memref_slice %arg5[%multiple_of3A, %dma_wait3A_33] : memref<10240x80xf32, #tpu.memory_space<hbm>> -> memref<640x80xf32, #tpu.memory_space<hbm>>
      tpu.wait_dma2 semaphore(%run_scoped3A : memref<!tpu.dma_semaphore, #tpu.memory_space<semaphore_mem>>) src(%dma_wait3A_34 : memref<640x80xf32, #tpu.memory_space<hbm>>) dst(%dma_wait3A_32 : memref<640x80xf32, #tpu.memory_space<vmem_shared>>)
      tpu.yield
    }) : () -> ()
    %mul3A_1 = arith.constant 16 : i32
    %mul3A_2 = arith.muli %arg0, %mul3A_1 : i32
    %add3A = arith.addi %mul3A_2, %arg1 : i32
    %mul3A_3 = arith.constant 80 : i32
    %mul3A_4 = arith.muli %add3A, %mul3A_3 : i32
    "tpu.region"() ({
      %run_scoped3A = tpu.sem_alloc : memref<!tpu.dma_semaphore, #tpu.memory_space<semaphore_mem>>
      %dma_start3A_28 = arith.constant 0 : i32
      %dma_start3A_29 = tpu.memref_slice %arg3[%mul3A_4, %dma_start3A_28] : memref<2560x125xi32, #tpu.memory_space<hbm>> -> memref<80x125xi32, #tpu.memory_space<hbm>>
      %dma_start3A_30 = arith.constant 0 : i32
      %dma_start3A_31 = tpu.memref_slice %arg3[%mul3A_4, %dma_start3A_30] : memref<2560x125xi32, #tpu.memory_space<hbm>> -> memref<80x125xi32, #tpu.memory_space<hbm>>
      tpu.enqueue_dma source(%dma_start3A_31 : memref<80x125xi32, #tpu.memory_space<hbm>>) target(%arg8 : memref<80x125xi32, #tpu.memory_space<vmem>>) target_semaphore(%run_scoped3A : memref<!tpu.dma_semaphore, #tpu.memory_space<semaphore_mem>>)
      %dma_wait3A = arith.constant 0 : i32
      %dma_wait3A_32 = tpu.memref_slice %arg3[%mul3A_4, %dma_wait3A] : memref<2560x125xi32, #tpu.memory_space<hbm>> -> memref<80x125xi32, #tpu.memory_space<hbm>>
      %dma_wait3A_33 = arith.constant 0 : i32
      %dma_wait3A_34 = tpu.memref_slice %arg3[%mul3A_4, %dma_wait3A_33] : memref<2560x125xi32, #tpu.memory_space<hbm>> -> memref<80x125xi32, #tpu.memory_space<hbm>>
      tpu.wait_dma2 semaphore(%run_scoped3A : memref<!tpu.dma_semaphore, #tpu.memory_space<semaphore_mem>>) src(%dma_wait3A_34 : memref<80x125xi32, #tpu.memory_space<hbm>>) dst(%arg8 : memref<80x125xi32, #tpu.memory_space<vmem>>)
      tpu.yield
    }) : () -> ()
    "tpu.region"() ({
      %run_scoped3A = tpu.sem_alloc : memref<!tpu.dma_semaphore, #tpu.memory_space<semaphore_mem>>
      %dma_start3A_28 = arith.constant 0 : i32
      %dma_start3A_29 = tpu.memref_slice %arg4[%mul3A_4, %dma_start3A_28] : memref<2560x125xi32, #tpu.memory_space<hbm>> -> memref<80x125xi32, #tpu.memory_space<hbm>>
      %dma_start3A_30 = arith.constant 0 : i32
      %dma_start3A_31 = tpu.memref_slice %arg4[%mul3A_4, %dma_start3A_30] : memref<2560x125xi32, #tpu.memory_space<hbm>> -> memref<80x125xi32, #tpu.memory_space<hbm>>
      tpu.enqueue_dma source(%dma_start3A_31 : memref<80x125xi32, #tpu.memory_space<hbm>>) target(%arg9 : memref<80x125xi32, #tpu.memory_space<vmem>>) target_semaphore(%run_scoped3A : memref<!tpu.dma_semaphore, #tpu.memory_space<semaphore_mem>>)
      %dma_wait3A = arith.constant 0 : i32
      %dma_wait3A_32 = tpu.memref_slice %arg4[%mul3A_4, %dma_wait3A] : memref<2560x125xi32, #tpu.memory_space<hbm>> -> memref<80x125xi32, #tpu.memory_space<hbm>>
      %dma_wait3A_33 = arith.constant 0 : i32
      %dma_wait3A_34 = tpu.memref_slice %arg4[%mul3A_4, %dma_wait3A_33] : memref<2560x125xi32, #tpu.memory_space<hbm>> -> memref<80x125xi32, #tpu.memory_space<hbm>>
      tpu.wait_dma2 semaphore(%run_scoped3A : memref<!tpu.dma_semaphore, #tpu.memory_space<semaphore_mem>>) src(%dma_wait3A_34 : memref<80x125xi32, #tpu.memory_space<hbm>>) dst(%arg9 : memref<80x125xi32, #tpu.memory_space<vmem>>)
      tpu.yield
    }) : () -> ()
    %barrier3A = arith.constant 0 : index
    tpu.barrier barrier_id(%barrier3A)
    %dma_start3A = arith.constant 0 : i32
    %dma_start3A_5 = arith.constant 0 : i32
    %dma_start3A_6 = arith.constant 0 : i32
    %dma_start3A_7 = arith.constant 0 : i32
    %dma_start3A_8 = tpu.memref_slice %arg10[%dma_start3A_5, %dma_start3A_6, %dma_start3A_7] : memref<2x125x80xf32, #tpu.memory_space<vmem>> -> memref<1x125x80xf32, #tpu.memory_space<vmem>>
    %dma_start3A_9 = tpu.memref_squeeze %dma_start3A_8 : memref<1x125x80xf32, #tpu.memory_space<vmem>> -> memref<125x80xf32, #tpu.memory_space<vmem>>
    %dma_start3A_10 = arith.constant 0 : i32
    %dma_start3A_11 = tpu.memref_slice %arg8[%dma_start3A, %dma_start3A_10] : memref<80x125xi32, #tpu.memory_space<vmem>> -> memref<1x125xi32, #tpu.memory_space<vmem>>
    %dma_start3A_12 = tpu.memref_squeeze %dma_start3A_11 : memref<1x125xi32, #tpu.memory_space<vmem>> -> memref<125xi32, #tpu.memory_space<vmem>>
    %dma_start3A_13 = arith.constant 0 : i32
    %dma_start3A_14 = arith.constant 0 : i32
    %dma_start3A_15 = tpu.memref_slice %arg2[%dma_start3A_13, %dma_start3A_14] : memref<10240x80xf32, #tpu.memory_space<hbm>> -> memref<10240x80xf32, #tpu.memory_space<hbm>>
    tpu.enqueue_indirect_dma source(%dma_start3A_15 : memref<10240x80xf32, #tpu.memory_space<hbm>>) target(%dma_start3A_9 : memref<125x80xf32, #tpu.memory_space<vmem>>) offsets(%dma_start3A_12 : memref<125xi32, #tpu.memory_space<vmem>>) semaphore(%arg11 : memref<!tpu.dma_semaphore, #tpu.memory_space<semaphore_mem>>)
    %scan3A = arith.constant 0 : i32
    %scan3A_16 = arith.constant 0 : i32
    %scan3A_17 = arith.constant 80 : i32
    %scan3A_18 = arith.addi %scan3A_16, %scan3A_17 : i32
    %scan3A_19 = arith.constant 1 : i32
    scf.for %scan3A_28 = %scan3A_16 to %scan3A_18 step %scan3A_19  : i32 {
      %rem3A = arith.constant 2 : i32
      %rem3A_29 = arith.remsi %scan3A_28, %rem3A : i32
      %dma_wait3A = arith.constant 0 : i32
      %dma_wait3A_30 = arith.constant 0 : i32
      %dma_wait3A_31 = tpu.memref_slice %arg10[%rem3A_29, %dma_wait3A, %dma_wait3A_30] : memref<2x125x80xf32, #tpu.memory_space<vmem>> -> memref<1x125x80xf32, #tpu.memory_space<vmem>>
      %dma_wait3A_32 = tpu.memref_squeeze %dma_wait3A_31 : memref<1x125x80xf32, #tpu.memory_space<vmem>> -> memref<125x80xf32, #tpu.memory_space<vmem>>
      %dma_wait3A_33 = arith.constant 0 : i32
      %dma_wait3A_34 = tpu.memref_slice %arg8[%scan3A_28, %dma_wait3A_33] : memref<80x125xi32, #tpu.memory_space<vmem>> -> memref<1x125xi32, #tpu.memory_space<vmem>>
      %dma_wait3A_35 = tpu.memref_squeeze %dma_wait3A_34 : memref<1x125xi32, #tpu.memory_space<vmem>> -> memref<125xi32, #tpu.memory_space<vmem>>
      %dma_wait3A_36 = arith.constant 0 : i32
      %dma_wait3A_37 = arith.constant 0 : i32
      %dma_wait3A_38 = tpu.memref_slice %arg2[%dma_wait3A_36, %dma_wait3A_37] : memref<10240x80xf32, #tpu.memory_space<hbm>> -> memref<10240x80xf32, #tpu.memory_space<hbm>>
      tpu.wait_indirect_dma semaphore(%arg11 : memref<!tpu.dma_semaphore, #tpu.memory_space<semaphore_mem>>) src(%dma_wait3A_38 : memref<10240x80xf32, #tpu.memory_space<hbm>>) dst(%dma_wait3A_32 : memref<125x80xf32, #tpu.memory_space<vmem>>)
      %add3A_39 = arith.constant 1 : i32
      %add3A_40 = arith.addi %scan3A_28, %add3A_39 : i32
      %lt3A = arith.constant 80 : i32
      %lt3A_41 = arith.cmpi slt, %add3A_40, %lt3A : i32
      %convert_element_type3A = arith.extui %lt3A_41 : i1 to i32
      %cond3A = arith.constant 0 : i32
      %cond3A_42 = arith.cmpi ne, %convert_element_type3A, %cond3A : i32
      scf.if %cond3A_42 {
        %add3A_43 = arith.constant 1 : i32
        %add3A_44 = arith.addi %scan3A_28, %add3A_43 : i32
        %sub3A = arith.constant 1 : i32
        %sub3A_45 = arith.subi %sub3A, %rem3A_29 : i32
        %dma_start3A_46 = arith.constant 0 : i32
        %dma_start3A_47 = arith.constant 0 : i32
        %dma_start3A_48 = tpu.memref_slice %arg10[%sub3A_45, %dma_start3A_46, %dma_start3A_47] : memref<2x125x80xf32, #tpu.memory_space<vmem>> -> memref<1x125x80xf32, #tpu.memory_space<vmem>>
        %dma_start3A_49 = tpu.memref_squeeze %dma_start3A_48 : memref<1x125x80xf32, #tpu.memory_space<vmem>> -> memref<125x80xf32, #tpu.memory_space<vmem>>
        %dma_start3A_50 = arith.constant 0 : i32
        %dma_start3A_51 = tpu.memref_slice %arg8[%add3A_44, %dma_start3A_50] : memref<80x125xi32, #tpu.memory_space<vmem>> -> memref<1x125xi32, #tpu.memory_space<vmem>>
        %dma_start3A_52 = tpu.memref_squeeze %dma_start3A_51 : memref<1x125xi32, #tpu.memory_space<vmem>> -> memref<125xi32, #tpu.memory_space<vmem>>
        %dma_start3A_53 = arith.constant 0 : i32
        %dma_start3A_54 = arith.constant 0 : i32
        %dma_start3A_55 = tpu.memref_slice %arg2[%dma_start3A_53, %dma_start3A_54] : memref<10240x80xf32, #tpu.memory_space<hbm>> -> memref<10240x80xf32, #tpu.memory_space<hbm>>
        tpu.enqueue_indirect_dma source(%dma_start3A_55 : memref<10240x80xf32, #tpu.memory_space<hbm>>) target(%dma_start3A_49 : memref<125x80xf32, #tpu.memory_space<vmem>>) offsets(%dma_start3A_52 : memref<125xi32, #tpu.memory_space<vmem>>) semaphore(%arg11 : memref<!tpu.dma_semaphore, #tpu.memory_space<semaphore_mem>>)
      } else {
      }
      "tpu.region"() ({
        %run_scoped3A = tpu.sem_alloc : memref<!tpu.dma_semaphore, #tpu.memory_space<semaphore_mem>>
        %dma_start3A_43 = arith.constant 0 : i32
        %dma_start3A_44 = arith.constant 0 : i32
        %dma_start3A_45 = tpu.memref_slice %arg10[%rem3A_29, %dma_start3A_43, %dma_start3A_44] : memref<2x125x80xf32, #tpu.memory_space<vmem>> -> memref<1x125x80xf32, #tpu.memory_space<vmem>>
        %dma_start3A_46 = tpu.memref_squeeze %dma_start3A_45 : memref<1x125x80xf32, #tpu.memory_space<vmem>> -> memref<125x80xf32, #tpu.memory_space<vmem>>
        %dma_start3A_47 = arith.constant 0 : i32
        %dma_start3A_48 = tpu.memref_slice %arg9[%scan3A_28, %dma_start3A_47] : memref<80x125xi32, #tpu.memory_space<vmem>> -> memref<1x125xi32, #tpu.memory_space<vmem>>
        %dma_start3A_49 = tpu.memref_squeeze %dma_start3A_48 : memref<1x125xi32, #tpu.memory_space<vmem>> -> memref<125xi32, #tpu.memory_space<vmem>>
        %dma_start3A_50 = arith.constant 0 : i32
        %dma_start3A_51 = arith.constant 0 : i32
        %dma_start3A_52 = tpu.memref_slice %arg7[%dma_start3A_50, %dma_start3A_51] : memref<10240x80xf32, #tpu.memory_space<vmem_shared>> -> memref<10240x80xf32, #tpu.memory_space<vmem_shared>>
        tpu.enqueue_indirect_dma source(%dma_start3A_46 : memref<125x80xf32, #tpu.memory_space<vmem>>) target(%dma_start3A_52 : memref<10240x80xf32, #tpu.memory_space<vmem_shared>>) offsets(%dma_start3A_49 : memref<125xi32, #tpu.memory_space<vmem>>) semaphore(%run_scoped3A : memref<!tpu.dma_semaphore, #tpu.memory_space<semaphore_mem>>) {add = true}
        %dma_wait3A_53 = arith.constant 0 : i32
        %dma_wait3A_54 = arith.constant 0 : i32
        %dma_wait3A_55 = tpu.memref_slice %arg10[%rem3A_29, %dma_wait3A_53, %dma_wait3A_54] : memref<2x125x80xf32, #tpu.memory_space<vmem>> -> memref<1x125x80xf32, #tpu.memory_space<vmem>>
        %dma_wait3A_56 = tpu.memref_squeeze %dma_wait3A_55 : memref<1x125x80xf32, #tpu.memory_space<vmem>> -> memref<125x80xf32, #tpu.memory_space<vmem>>
        %dma_wait3A_57 = arith.constant 0 : i32
        %dma_wait3A_58 = tpu.memref_slice %arg9[%scan3A_28, %dma_wait3A_57] : memref<80x125xi32, #tpu.memory_space<vmem>> -> memref<1x125xi32, #tpu.memory_space<vmem>>
        %dma_wait3A_59 = tpu.memref_squeeze %dma_wait3A_58 : memref<1x125xi32, #tpu.memory_space<vmem>> -> memref<125xi32, #tpu.memory_space<vmem>>
        %dma_wait3A_60 = arith.constant 0 : i32
        %dma_wait3A_61 = arith.constant 0 : i32
        %dma_wait3A_62 = tpu.memref_slice %arg7[%dma_wait3A_60, %dma_wait3A_61] : memref<10240x80xf32, #tpu.memory_space<vmem_shared>> -> memref<10240x80xf32, #tpu.memory_space<vmem_shared>>
        tpu.wait_indirect_dma semaphore(%run_scoped3A : memref<!tpu.dma_semaphore, #tpu.memory_space<semaphore_mem>>) src(%dma_wait3A_56 : memref<125x80xf32, #tpu.memory_space<vmem>>) dst(%dma_wait3A_62 : memref<10240x80xf32, #tpu.memory_space<vmem_shared>>)
        tpu.yield
      }) : () -> ()
    }
    %scan3A_20 = arith.constant 80 : i32
    %barrier3A_21 = arith.constant 0 : index
    tpu.barrier barrier_id(%barrier3A_21)
    %mul3A_22 = arith.constant 10240 : i32
    %mul3A_23 = arith.muli %arg0, %mul3A_22 : i32
    %mul3A_24 = arith.constant 640 : i32
    %mul3A_25 = arith.muli %arg1, %mul3A_24 : i32
    %add3A_26 = arith.addi %mul3A_23, %mul3A_25 : i32
    %multiple_of3A_27 = tpu.assume_multiple %add3A_26, 8 : i32
    "tpu.region"() ({
      %run_scoped3A = tpu.sem_alloc : memref<!tpu.dma_semaphore, #tpu.memory_space<semaphore_mem>>
      %dma_start3A_28 = arith.constant 0 : i32
      %dma_start3A_29 = tpu.memref_slice %arg6[%multiple_of3A_27, %dma_start3A_28] : memref<20480x80xf32, #tpu.memory_space<hbm>> -> memref<640x80xf32, #tpu.memory_space<hbm>>
      %dma_start3A_30 = arith.constant 0 : i32
      %dma_start3A_31 = tpu.memref_slice %arg7[%multiple_of3A, %dma_start3A_30] : memref<10240x80xf32, #tpu.memory_space<vmem_shared>> -> memref<640x80xf32, #tpu.memory_space<vmem_shared>>
      tpu.enqueue_dma source(%dma_start3A_31 : memref<640x80xf32, #tpu.memory_space<vmem_shared>>) target(%dma_start3A_29 : memref<640x80xf32, #tpu.memory_space<hbm>>) target_semaphore(%run_scoped3A : memref<!tpu.dma_semaphore, #tpu.memory_space<semaphore_mem>>)
      %dma_wait3A = arith.constant 0 : i32
      %dma_wait3A_32 = tpu.memref_slice %arg6[%multiple_of3A_27, %dma_wait3A] : memref<20480x80xf32, #tpu.memory_space<hbm>> -> memref<640x80xf32, #tpu.memory_space<hbm>>
      %dma_wait3A_33 = arith.constant 0 : i32
      %dma_wait3A_34 = tpu.memref_slice %arg7[%multiple_of3A, %dma_wait3A_33] : memref<10240x80xf32, #tpu.memory_space<vmem_shared>> -> memref<640x80xf32, #tpu.memory_space<vmem_shared>>
      tpu.wait_dma2 semaphore(%run_scoped3A : memref<!tpu.dma_semaphore, #tpu.memory_space<semaphore_mem>>) src(%dma_wait3A_34 : memref<640x80xf32, #tpu.memory_space<vmem_shared>>) dst(%dma_wait3A_32 : memref<640x80xf32, #tpu.memory_space<hbm>>)
      tpu.yield
    }) : () -> ()
    return
  }
}

#map = affine_map<(d0, d1) -> (0, 0)>
module attributes {stable_mosaic.version = 14 : i64} {
  func.func @agg(%arg0: i32, %arg1: i32, %arg2: memref<10240x80xf32, #tpu.memory_space<hbm>>, %arg3: memref<2560x125xi32, #tpu.memory_space<hbm>>, %arg4: memref<2560x125xi32, #tpu.memory_space<hbm>>, %arg5: memref<10240x80xf32, #tpu.memory_space<hbm>>, %arg6: memref<20480x80xf32, #tpu.memory_space<hbm>>, %arg7: memref<10240x80xf32, #tpu.memory_space<vmem_shared>>, %arg8: memref<80x125xi32, #tpu.memory_space<vmem>>, %arg9: memref<80x125xi32, #tpu.memory_space<vmem>>, %arg10: memref<2x125x80xf32, #tpu.memory_space<vmem>>, %arg11: memref<!tpu.dma_semaphore, #tpu.memory_space<semaphore_mem>>) attributes {dimension_semantics = [#tpu.dimension_semantics<core_parallel>, #tpu.dimension_semantics<subcore_parallel>], iteration_bounds = array<i64: 2, 16>, scalar_prefetch = 0 : i64, scratch_operands = 5 : i64, tpu.core_type = #tpu.core_type<sc_vector_subcore>, window_params = [{transform_indices = #map}, {transform_indices = #map}, {transform_indices = #map}, {transform_indices = #map}, {transform_indices = #map}]} {
    %mul3A = arith.constant 640 : i32
    %mul3A_0 = arith.muli %arg1, %mul3A : i32
    %multiple_of3A = tpu.assume_multiple %mul3A_0, 8 : i32
    "tpu.region"() ({
      %run_scoped3A = tpu.sem_alloc : memref<!tpu.dma_semaphore, #tpu.memory_space<semaphore_mem>>
      %dma_start3A_28 = arith.constant 0 : i32
      %dma_start3A_29 = tpu.memref_slice %arg7[%multiple_of3A, %dma_start3A_28] : memref<10240x80xf32, #tpu.memory_space<vmem_shared>> -> memref<640x80xf32, #tpu.memory_space<vmem_shared>>
      %dma_start3A_30 = arith.constant 0 : i32
      %dma_start3A_31 = tpu.memref_slice %arg5[%multiple_of3A, %dma_start3A_30] : memref<10240x80xf32, #tpu.memory_space<hbm>> -> memref<640x80xf32, #tpu.memory_space<hbm>>
      tpu.enqueue_dma source(%dma_start3A_31 : memref<640x80xf32, #tpu.memory_space<hbm>>) target(%dma_start3A_29 : memref<640x80xf32, #tpu.memory_space<vmem_shared>>) target_semaphore(%run_scoped3A : memref<!tpu.dma_semaphore, #tpu.memory_space<semaphore_mem>>)
      %dma_wait3A = arith.constant 0 : i32
      %dma_wait3A_32 = tpu.memref_slice %arg7[%multiple_of3A, %dma_wait3A] : memref<10240x80xf32, #tpu.memory_space<vmem_shared>> -> memref<640x80xf32, #tpu.memory_space<vmem_shared>>
      %dma_wait3A_33 = arith.constant 0 : i32
      %dma_wait3A_34 = tpu.memref_slice %arg5[%multiple_of3A, %dma_wait3A_33] : memref<10240x80xf32, #tpu.memory_space<hbm>> -> memref<640x80xf32, #tpu.memory_space<hbm>>
      tpu.wait_dma2 semaphore(%run_scoped3A : memref<!tpu.dma_semaphore, #tpu.memory_space<semaphore_mem>>) src(%dma_wait3A_34 : memref<640x80xf32, #tpu.memory_space<hbm>>) dst(%dma_wait3A_32 : memref<640x80xf32, #tpu.memory_space<vmem_shared>>)
      tpu.yield
    }) : () -> ()
    %mul3A_1 = arith.constant 16 : i32
    %mul3A_2 = arith.muli %arg0, %mul3A_1 : i32
    %add3A = arith.addi %mul3A_2, %arg1 : i32
    %mul3A_3 = arith.constant 80 : i32
    %mul3A_4 = arith.muli %add3A, %mul3A_3 : i32
    "tpu.region"() ({
      %run_scoped3A = tpu.sem_alloc : memref<!tpu.dma_semaphore, #tpu.memory_space<semaphore_mem>>
      %dma_start3A_28 = arith.constant 0 : i32
      %dma_start3A_29 = tpu.memref_slice %arg3[%mul3A_4, %dma_start3A_28] : memref<2560x125xi32, #tpu.memory_space<hbm>> -> memref<80x125xi32, #tpu.memory_space<hbm>>
      %dma_start3A_30 = arith.constant 0 : i32
      %dma_start3A_31 = tpu.memref_slice %arg3[%mul3A_4, %dma_start3A_30] : memref<2560x125xi32, #tpu.memory_space<hbm>> -> memref<80x125xi32, #tpu.memory_space<hbm>>
      tpu.enqueue_dma source(%dma_start3A_31 : memref<80x125xi32, #tpu.memory_space<hbm>>) target(%arg8 : memref<80x125xi32, #tpu.memory_space<vmem>>) target_semaphore(%run_scoped3A : memref<!tpu.dma_semaphore, #tpu.memory_space<semaphore_mem>>)
      %dma_wait3A = arith.constant 0 : i32
      %dma_wait3A_32 = tpu.memref_slice %arg3[%mul3A_4, %dma_wait3A] : memref<2560x125xi32, #tpu.memory_space<hbm>> -> memref<80x125xi32, #tpu.memory_space<hbm>>
      %dma_wait3A_33 = arith.constant 0 : i32
      %dma_wait3A_34 = tpu.memref_slice %arg3[%mul3A_4, %dma_wait3A_33] : memref<2560x125xi32, #tpu.memory_space<hbm>> -> memref<80x125xi32, #tpu.memory_space<hbm>>
      tpu.wait_dma2 semaphore(%run_scoped3A : memref<!tpu.dma_semaphore, #tpu.memory_space<semaphore_mem>>) src(%dma_wait3A_34 : memref<80x125xi32, #tpu.memory_space<hbm>>) dst(%arg8 : memref<80x125xi32, #tpu.memory_space<vmem>>)
      tpu.yield
    }) : () -> ()
    "tpu.region"() ({
      %run_scoped3A = tpu.sem_alloc : memref<!tpu.dma_semaphore, #tpu.memory_space<semaphore_mem>>
      %dma_start3A_28 = arith.constant 0 : i32
      %dma_start3A_29 = tpu.memref_slice %arg4[%mul3A_4, %dma_start3A_28] : memref<2560x125xi32, #tpu.memory_space<hbm>> -> memref<80x125xi32, #tpu.memory_space<hbm>>
      %dma_start3A_30 = arith.constant 0 : i32
      %dma_start3A_31 = tpu.memref_slice %arg4[%mul3A_4, %dma_start3A_30] : memref<2560x125xi32, #tpu.memory_space<hbm>> -> memref<80x125xi32, #tpu.memory_space<hbm>>
      tpu.enqueue_dma source(%dma_start3A_31 : memref<80x125xi32, #tpu.memory_space<hbm>>) target(%arg9 : memref<80x125xi32, #tpu.memory_space<vmem>>) target_semaphore(%run_scoped3A : memref<!tpu.dma_semaphore, #tpu.memory_space<semaphore_mem>>)
      %dma_wait3A = arith.constant 0 : i32
      %dma_wait3A_32 = tpu.memref_slice %arg4[%mul3A_4, %dma_wait3A] : memref<2560x125xi32, #tpu.memory_space<hbm>> -> memref<80x125xi32, #tpu.memory_space<hbm>>
      %dma_wait3A_33 = arith.constant 0 : i32
      %dma_wait3A_34 = tpu.memref_slice %arg4[%mul3A_4, %dma_wait3A_33] : memref<2560x125xi32, #tpu.memory_space<hbm>> -> memref<80x125xi32, #tpu.memory_space<hbm>>
      tpu.wait_dma2 semaphore(%run_scoped3A : memref<!tpu.dma_semaphore, #tpu.memory_space<semaphore_mem>>) src(%dma_wait3A_34 : memref<80x125xi32, #tpu.memory_space<hbm>>) dst(%arg9 : memref<80x125xi32, #tpu.memory_space<vmem>>)
      tpu.yield
    }) : () -> ()
    %barrier3A = arith.constant 0 : index
    tpu.barrier barrier_id(%barrier3A)
    %dma_start3A = arith.constant 0 : i32
    %dma_start3A_5 = arith.constant 0 : i32
    %dma_start3A_6 = arith.constant 0 : i32
    %dma_start3A_7 = arith.constant 0 : i32
    %dma_start3A_8 = tpu.memref_slice %arg10[%dma_start3A_5, %dma_start3A_6, %dma_start3A_7] : memref<2x125x80xf32, #tpu.memory_space<vmem>> -> memref<1x125x80xf32, #tpu.memory_space<vmem>>
    %dma_start3A_9 = tpu.memref_squeeze %dma_start3A_8 : memref<1x125x80xf32, #tpu.memory_space<vmem>> -> memref<125x80xf32, #tpu.memory_space<vmem>>
    %dma_start3A_10 = arith.constant 0 : i32
    %dma_start3A_11 = tpu.memref_slice %arg8[%dma_start3A, %dma_start3A_10] : memref<80x125xi32, #tpu.memory_space<vmem>> -> memref<1x125xi32, #tpu.memory_space<vmem>>
    %dma_start3A_12 = tpu.memref_squeeze %dma_start3A_11 : memref<1x125xi32, #tpu.memory_space<vmem>> -> memref<125xi32, #tpu.memory_space<vmem>>
    %dma_start3A_13 = arith.constant 0 : i32
    %dma_start3A_14 = arith.constant 0 : i32
    %dma_start3A_15 = tpu.memref_slice %arg2[%dma_start3A_13, %dma_start3A_14] : memref<10240x80xf32, #tpu.memory_space<hbm>> -> memref<10240x80xf32, #tpu.memory_space<hbm>>
    tpu.enqueue_indirect_dma source(%dma_start3A_15 : memref<10240x80xf32, #tpu.memory_space<hbm>>) target(%dma_start3A_9 : memref<125x80xf32, #tpu.memory_space<vmem>>) offsets(%dma_start3A_12 : memref<125xi32, #tpu.memory_space<vmem>>) semaphore(%arg11 : memref<!tpu.dma_semaphore, #tpu.memory_space<semaphore_mem>>)
    %scan3A = arith.constant 0 : i32
    %scan3A_16 = arith.constant 0 : i32
    %scan3A_17 = arith.constant 80 : i32
    %scan3A_18 = arith.addi %scan3A_16, %scan3A_17 : i32
    %scan3A_19 = arith.constant 1 : i32
    scf.for %scan3A_28 = %scan3A_16 to %scan3A_18 step %scan3A_19  : i32 {
      %rem3A = arith.constant 2 : i32
      %rem3A_29 = arith.remsi %scan3A_28, %rem3A : i32
      %dma_wait3A = arith.constant 0 : i32
      %dma_wait3A_30 = arith.constant 0 : i32
      %dma_wait3A_31 = tpu.memref_slice %arg10[%rem3A_29, %dma_wait3A, %dma_wait3A_30] : memref<2x125x80xf32, #tpu.memory_space<vmem>> -> memref<1x125x80xf32, #tpu.memory_space<vmem>>
      %dma_wait3A_32 = tpu.memref_squeeze %dma_wait3A_31 : memref<1x125x80xf32, #tpu.memory_space<vmem>> -> memref<125x80xf32, #tpu.memory_space<vmem>>
      %dma_wait3A_33 = arith.constant 0 : i32
      %dma_wait3A_34 = tpu.memref_slice %arg8[%scan3A_28, %dma_wait3A_33] : memref<80x125xi32, #tpu.memory_space<vmem>> -> memref<1x125xi32, #tpu.memory_space<vmem>>
      %dma_wait3A_35 = tpu.memref_squeeze %dma_wait3A_34 : memref<1x125xi32, #tpu.memory_space<vmem>> -> memref<125xi32, #tpu.memory_space<vmem>>
      %dma_wait3A_36 = arith.constant 0 : i32
      %dma_wait3A_37 = arith.constant 0 : i32
      %dma_wait3A_38 = tpu.memref_slice %arg2[%dma_wait3A_36, %dma_wait3A_37] : memref<10240x80xf32, #tpu.memory_space<hbm>> -> memref<10240x80xf32, #tpu.memory_space<hbm>>
      tpu.wait_indirect_dma semaphore(%arg11 : memref<!tpu.dma_semaphore, #tpu.memory_space<semaphore_mem>>) src(%dma_wait3A_38 : memref<10240x80xf32, #tpu.memory_space<hbm>>) dst(%dma_wait3A_32 : memref<125x80xf32, #tpu.memory_space<vmem>>)
      %add3A_39 = arith.constant 1 : i32
      %add3A_40 = arith.addi %scan3A_28, %add3A_39 : i32
      %lt3A = arith.constant 80 : i32
      %lt3A_41 = arith.cmpi slt, %add3A_40, %lt3A : i32
      %convert_element_type3A = arith.extui %lt3A_41 : i1 to i32
      %cond3A = arith.constant 0 : i32
      %cond3A_42 = arith.cmpi ne, %convert_element_type3A, %cond3A : i32
      scf.if %cond3A_42 {
        %add3A_43 = arith.constant 1 : i32
        %add3A_44 = arith.addi %scan3A_28, %add3A_43 : i32
        %sub3A = arith.constant 1 : i32
        %sub3A_45 = arith.subi %sub3A, %rem3A_29 : i32
        %dma_start3A_46 = arith.constant 0 : i32
        %dma_start3A_47 = arith.constant 0 : i32
        %dma_start3A_48 = tpu.memref_slice %arg10[%sub3A_45, %dma_start3A_46, %dma_start3A_47] : memref<2x125x80xf32, #tpu.memory_space<vmem>> -> memref<1x125x80xf32, #tpu.memory_space<vmem>>
        %dma_start3A_49 = tpu.memref_squeeze %dma_start3A_48 : memref<1x125x80xf32, #tpu.memory_space<vmem>> -> memref<125x80xf32, #tpu.memory_space<vmem>>
        %dma_start3A_50 = arith.constant 0 : i32
        %dma_start3A_51 = tpu.memref_slice %arg8[%add3A_44, %dma_start3A_50] : memref<80x125xi32, #tpu.memory_space<vmem>> -> memref<1x125xi32, #tpu.memory_space<vmem>>
        %dma_start3A_52 = tpu.memref_squeeze %dma_start3A_51 : memref<1x125xi32, #tpu.memory_space<vmem>> -> memref<125xi32, #tpu.memory_space<vmem>>
        %dma_start3A_53 = arith.constant 0 : i32
        %dma_start3A_54 = arith.constant 0 : i32
        %dma_start3A_55 = tpu.memref_slice %arg2[%dma_start3A_53, %dma_start3A_54] : memref<10240x80xf32, #tpu.memory_space<hbm>> -> memref<10240x80xf32, #tpu.memory_space<hbm>>
        tpu.enqueue_indirect_dma source(%dma_start3A_55 : memref<10240x80xf32, #tpu.memory_space<hbm>>) target(%dma_start3A_49 : memref<125x80xf32, #tpu.memory_space<vmem>>) offsets(%dma_start3A_52 : memref<125xi32, #tpu.memory_space<vmem>>) semaphore(%arg11 : memref<!tpu.dma_semaphore, #tpu.memory_space<semaphore_mem>>)
      } else {
      }
      "tpu.region"() ({
        %run_scoped3A = tpu.sem_alloc : memref<!tpu.dma_semaphore, #tpu.memory_space<semaphore_mem>>
        %dma_start3A_43 = arith.constant 0 : i32
        %dma_start3A_44 = arith.constant 0 : i32
        %dma_start3A_45 = tpu.memref_slice %arg10[%rem3A_29, %dma_start3A_43, %dma_start3A_44] : memref<2x125x80xf32, #tpu.memory_space<vmem>> -> memref<1x125x80xf32, #tpu.memory_space<vmem>>
        %dma_start3A_46 = tpu.memref_squeeze %dma_start3A_45 : memref<1x125x80xf32, #tpu.memory_space<vmem>> -> memref<125x80xf32, #tpu.memory_space<vmem>>
        %dma_start3A_47 = arith.constant 0 : i32
        %dma_start3A_48 = tpu.memref_slice %arg9[%scan3A_28, %dma_start3A_47] : memref<80x125xi32, #tpu.memory_space<vmem>> -> memref<1x125xi32, #tpu.memory_space<vmem>>
        %dma_start3A_49 = tpu.memref_squeeze %dma_start3A_48 : memref<1x125xi32, #tpu.memory_space<vmem>> -> memref<125xi32, #tpu.memory_space<vmem>>
        %dma_start3A_50 = arith.constant 0 : i32
        %dma_start3A_51 = arith.constant 0 : i32
        %dma_start3A_52 = tpu.memref_slice %arg7[%dma_start3A_50, %dma_start3A_51] : memref<10240x80xf32, #tpu.memory_space<vmem_shared>> -> memref<10240x80xf32, #tpu.memory_space<vmem_shared>>
        tpu.enqueue_indirect_dma source(%dma_start3A_46 : memref<125x80xf32, #tpu.memory_space<vmem>>) target(%dma_start3A_52 : memref<10240x80xf32, #tpu.memory_space<vmem_shared>>) offsets(%dma_start3A_49 : memref<125xi32, #tpu.memory_space<vmem>>) semaphore(%run_scoped3A : memref<!tpu.dma_semaphore, #tpu.memory_space<semaphore_mem>>) {add = true}
        %dma_wait3A_53 = arith.constant 0 : i32
        %dma_wait3A_54 = arith.constant 0 : i32
        %dma_wait3A_55 = tpu.memref_slice %arg10[%rem3A_29, %dma_wait3A_53, %dma_wait3A_54] : memref<2x125x80xf32, #tpu.memory_space<vmem>> -> memref<1x125x80xf32, #tpu.memory_space<vmem>>
        %dma_wait3A_56 = tpu.memref_squeeze %dma_wait3A_55 : memref<1x125x80xf32, #tpu.memory_space<vmem>> -> memref<125x80xf32, #tpu.memory_space<vmem>>
        %dma_wait3A_57 = arith.constant 0 : i32
        %dma_wait3A_58 = tpu.memref_slice %arg9[%scan3A_28, %dma_wait3A_57] : memref<80x125xi32, #tpu.memory_space<vmem>> -> memref<1x125xi32, #tpu.memory_space<vmem>>
        %dma_wait3A_59 = tpu.memref_squeeze %dma_wait3A_58 : memref<1x125xi32, #tpu.memory_space<vmem>> -> memref<125xi32, #tpu.memory_space<vmem>>
        %dma_wait3A_60 = arith.constant 0 : i32
        %dma_wait3A_61 = arith.constant 0 : i32
        %dma_wait3A_62 = tpu.memref_slice %arg7[%dma_wait3A_60, %dma_wait3A_61] : memref<10240x80xf32, #tpu.memory_space<vmem_shared>> -> memref<10240x80xf32, #tpu.memory_space<vmem_shared>>
        tpu.wait_indirect_dma semaphore(%run_scoped3A : memref<!tpu.dma_semaphore, #tpu.memory_space<semaphore_mem>>) src(%dma_wait3A_56 : memref<125x80xf32, #tpu.memory_space<vmem>>) dst(%dma_wait3A_62 : memref<10240x80xf32, #tpu.memory_space<vmem_shared>>)
        tpu.yield
      }) : () -> ()
    }
    %scan3A_20 = arith.constant 80 : i32
    %barrier3A_21 = arith.constant 0 : index
    tpu.barrier barrier_id(%barrier3A_21)
    %mul3A_22 = arith.constant 10240 : i32
    %mul3A_23 = arith.muli %arg0, %mul3A_22 : i32
    %mul3A_24 = arith.constant 640 : i32
    %mul3A_25 = arith.muli %arg1, %mul3A_24 : i32
    %add3A_26 = arith.addi %mul3A_23, %mul3A_25 : i32
    %multiple_of3A_27 = tpu.assume_multiple %add3A_26, 8 : i32
    "tpu.region"() ({
      %run_scoped3A = tpu.sem_alloc : memref<!tpu.dma_semaphore, #tpu.memory_space<semaphore_mem>>
      %dma_start3A_28 = arith.constant 0 : i32
      %dma_start3A_29 = tpu.memref_slice %arg6[%multiple_of3A_27, %dma_start3A_28] : memref<20480x80xf32, #tpu.memory_space<hbm>> -> memref<640x80xf32, #tpu.memory_space<hbm>>
      %dma_start3A_30 = arith.constant 0 : i32
      %dma_start3A_31 = tpu.memref_slice %arg7[%multiple_of3A, %dma_start3A_30] : memref<10240x80xf32, #tpu.memory_space<vmem_shared>> -> memref<640x80xf32, #tpu.memory_space<vmem_shared>>
      tpu.enqueue_dma source(%dma_start3A_31 : memref<640x80xf32, #tpu.memory_space<vmem_shared>>) target(%dma_start3A_29 : memref<640x80xf32, #tpu.memory_space<hbm>>) target_semaphore(%run_scoped3A : memref<!tpu.dma_semaphore, #tpu.memory_space<semaphore_mem>>)
      %dma_wait3A = arith.constant 0 : i32
      %dma_wait3A_32 = tpu.memref_slice %arg6[%multiple_of3A_27, %dma_wait3A] : memref<20480x80xf32, #tpu.memory_space<hbm>> -> memref<640x80xf32, #tpu.memory_space<hbm>>
      %dma_wait3A_33 = arith.constant 0 : i32
      %dma_wait3A_34 = tpu.memref_slice %arg7[%multiple_of3A, %dma_wait3A_33] : memref<10240x80xf32, #tpu.memory_space<vmem_shared>> -> memref<640x80xf32, #tpu.memory_space<vmem_shared>>
      tpu.wait_dma2 semaphore(%run_scoped3A : memref<!tpu.dma_semaphore, #tpu.memory_space<semaphore_mem>>) src(%dma_wait3A_34 : memref<640x80xf32, #tpu.memory_space<vmem_shared>>) dst(%dma_wait3A_32 : memref<640x80xf32, #tpu.memory_space<hbm>>)
      tpu.yield
    }) : () -> ()
    return
  }
}

#map = affine_map<(d0, d1) -> (0, 0)>
module attributes {stable_mosaic.version = 14 : i64} {
  func.func @agg(%arg0: i32, %arg1: i32, %arg2: memref<10240x64xf32, #tpu.memory_space<hbm>>, %arg3: memref<2560x125xi32, #tpu.memory_space<hbm>>, %arg4: memref<2560x125xi32, #tpu.memory_space<hbm>>, %arg5: memref<10240x64xf32, #tpu.memory_space<hbm>>, %arg6: memref<20480x64xf32, #tpu.memory_space<hbm>>, %arg7: memref<10240x64xf32, #tpu.memory_space<vmem_shared>>, %arg8: memref<80x125xi32, #tpu.memory_space<vmem>>, %arg9: memref<80x125xi32, #tpu.memory_space<vmem>>, %arg10: memref<2x125x64xf32, #tpu.memory_space<vmem>>, %arg11: memref<!tpu.dma_semaphore, #tpu.memory_space<semaphore_mem>>) attributes {dimension_semantics = [#tpu.dimension_semantics<core_parallel>, #tpu.dimension_semantics<subcore_parallel>], iteration_bounds = array<i64: 2, 16>, scalar_prefetch = 0 : i64, scratch_operands = 5 : i64, tpu.core_type = #tpu.core_type<sc_vector_subcore>, window_params = [{transform_indices = #map}, {transform_indices = #map}, {transform_indices = #map}, {transform_indices = #map}, {transform_indices = #map}]} {
    %mul3A = arith.constant 640 : i32
    %mul3A_0 = arith.muli %arg1, %mul3A : i32
    %multiple_of3A = tpu.assume_multiple %mul3A_0, 8 : i32
    "tpu.region"() ({
      %run_scoped3A = tpu.sem_alloc : memref<!tpu.dma_semaphore, #tpu.memory_space<semaphore_mem>>
      %dma_start3A_28 = arith.constant 0 : i32
      %dma_start3A_29 = tpu.memref_slice %arg7[%multiple_of3A, %dma_start3A_28] : memref<10240x64xf32, #tpu.memory_space<vmem_shared>> -> memref<640x64xf32, #tpu.memory_space<vmem_shared>>
      %dma_start3A_30 = arith.constant 0 : i32
      %dma_start3A_31 = tpu.memref_slice %arg5[%multiple_of3A, %dma_start3A_30] : memref<10240x64xf32, #tpu.memory_space<hbm>> -> memref<640x64xf32, #tpu.memory_space<hbm>>
      tpu.enqueue_dma source(%dma_start3A_31 : memref<640x64xf32, #tpu.memory_space<hbm>>) target(%dma_start3A_29 : memref<640x64xf32, #tpu.memory_space<vmem_shared>>) target_semaphore(%run_scoped3A : memref<!tpu.dma_semaphore, #tpu.memory_space<semaphore_mem>>)
      %dma_wait3A = arith.constant 0 : i32
      %dma_wait3A_32 = tpu.memref_slice %arg7[%multiple_of3A, %dma_wait3A] : memref<10240x64xf32, #tpu.memory_space<vmem_shared>> -> memref<640x64xf32, #tpu.memory_space<vmem_shared>>
      %dma_wait3A_33 = arith.constant 0 : i32
      %dma_wait3A_34 = tpu.memref_slice %arg5[%multiple_of3A, %dma_wait3A_33] : memref<10240x64xf32, #tpu.memory_space<hbm>> -> memref<640x64xf32, #tpu.memory_space<hbm>>
      tpu.wait_dma2 semaphore(%run_scoped3A : memref<!tpu.dma_semaphore, #tpu.memory_space<semaphore_mem>>) src(%dma_wait3A_34 : memref<640x64xf32, #tpu.memory_space<hbm>>) dst(%dma_wait3A_32 : memref<640x64xf32, #tpu.memory_space<vmem_shared>>)
      tpu.yield
    }) : () -> ()
    %mul3A_1 = arith.constant 16 : i32
    %mul3A_2 = arith.muli %arg0, %mul3A_1 : i32
    %add3A = arith.addi %mul3A_2, %arg1 : i32
    %mul3A_3 = arith.constant 80 : i32
    %mul3A_4 = arith.muli %add3A, %mul3A_3 : i32
    "tpu.region"() ({
      %run_scoped3A = tpu.sem_alloc : memref<!tpu.dma_semaphore, #tpu.memory_space<semaphore_mem>>
      %dma_start3A_28 = arith.constant 0 : i32
      %dma_start3A_29 = tpu.memref_slice %arg3[%mul3A_4, %dma_start3A_28] : memref<2560x125xi32, #tpu.memory_space<hbm>> -> memref<80x125xi32, #tpu.memory_space<hbm>>
      %dma_start3A_30 = arith.constant 0 : i32
      %dma_start3A_31 = tpu.memref_slice %arg3[%mul3A_4, %dma_start3A_30] : memref<2560x125xi32, #tpu.memory_space<hbm>> -> memref<80x125xi32, #tpu.memory_space<hbm>>
      tpu.enqueue_dma source(%dma_start3A_31 : memref<80x125xi32, #tpu.memory_space<hbm>>) target(%arg8 : memref<80x125xi32, #tpu.memory_space<vmem>>) target_semaphore(%run_scoped3A : memref<!tpu.dma_semaphore, #tpu.memory_space<semaphore_mem>>)
      %dma_wait3A = arith.constant 0 : i32
      %dma_wait3A_32 = tpu.memref_slice %arg3[%mul3A_4, %dma_wait3A] : memref<2560x125xi32, #tpu.memory_space<hbm>> -> memref<80x125xi32, #tpu.memory_space<hbm>>
      %dma_wait3A_33 = arith.constant 0 : i32
      %dma_wait3A_34 = tpu.memref_slice %arg3[%mul3A_4, %dma_wait3A_33] : memref<2560x125xi32, #tpu.memory_space<hbm>> -> memref<80x125xi32, #tpu.memory_space<hbm>>
      tpu.wait_dma2 semaphore(%run_scoped3A : memref<!tpu.dma_semaphore, #tpu.memory_space<semaphore_mem>>) src(%dma_wait3A_34 : memref<80x125xi32, #tpu.memory_space<hbm>>) dst(%arg8 : memref<80x125xi32, #tpu.memory_space<vmem>>)
      tpu.yield
    }) : () -> ()
    "tpu.region"() ({
      %run_scoped3A = tpu.sem_alloc : memref<!tpu.dma_semaphore, #tpu.memory_space<semaphore_mem>>
      %dma_start3A_28 = arith.constant 0 : i32
      %dma_start3A_29 = tpu.memref_slice %arg4[%mul3A_4, %dma_start3A_28] : memref<2560x125xi32, #tpu.memory_space<hbm>> -> memref<80x125xi32, #tpu.memory_space<hbm>>
      %dma_start3A_30 = arith.constant 0 : i32
      %dma_start3A_31 = tpu.memref_slice %arg4[%mul3A_4, %dma_start3A_30] : memref<2560x125xi32, #tpu.memory_space<hbm>> -> memref<80x125xi32, #tpu.memory_space<hbm>>
      tpu.enqueue_dma source(%dma_start3A_31 : memref<80x125xi32, #tpu.memory_space<hbm>>) target(%arg9 : memref<80x125xi32, #tpu.memory_space<vmem>>) target_semaphore(%run_scoped3A : memref<!tpu.dma_semaphore, #tpu.memory_space<semaphore_mem>>)
      %dma_wait3A = arith.constant 0 : i32
      %dma_wait3A_32 = tpu.memref_slice %arg4[%mul3A_4, %dma_wait3A] : memref<2560x125xi32, #tpu.memory_space<hbm>> -> memref<80x125xi32, #tpu.memory_space<hbm>>
      %dma_wait3A_33 = arith.constant 0 : i32
      %dma_wait3A_34 = tpu.memref_slice %arg4[%mul3A_4, %dma_wait3A_33] : memref<2560x125xi32, #tpu.memory_space<hbm>> -> memref<80x125xi32, #tpu.memory_space<hbm>>
      tpu.wait_dma2 semaphore(%run_scoped3A : memref<!tpu.dma_semaphore, #tpu.memory_space<semaphore_mem>>) src(%dma_wait3A_34 : memref<80x125xi32, #tpu.memory_space<hbm>>) dst(%arg9 : memref<80x125xi32, #tpu.memory_space<vmem>>)
      tpu.yield
    }) : () -> ()
    %barrier3A = arith.constant 0 : index
    tpu.barrier barrier_id(%barrier3A)
    %dma_start3A = arith.constant 0 : i32
    %dma_start3A_5 = arith.constant 0 : i32
    %dma_start3A_6 = arith.constant 0 : i32
    %dma_start3A_7 = arith.constant 0 : i32
    %dma_start3A_8 = tpu.memref_slice %arg10[%dma_start3A_5, %dma_start3A_6, %dma_start3A_7] : memref<2x125x64xf32, #tpu.memory_space<vmem>> -> memref<1x125x64xf32, #tpu.memory_space<vmem>>
    %dma_start3A_9 = tpu.memref_squeeze %dma_start3A_8 : memref<1x125x64xf32, #tpu.memory_space<vmem>> -> memref<125x64xf32, #tpu.memory_space<vmem>>
    %dma_start3A_10 = arith.constant 0 : i32
    %dma_start3A_11 = tpu.memref_slice %arg8[%dma_start3A, %dma_start3A_10] : memref<80x125xi32, #tpu.memory_space<vmem>> -> memref<1x125xi32, #tpu.memory_space<vmem>>
    %dma_start3A_12 = tpu.memref_squeeze %dma_start3A_11 : memref<1x125xi32, #tpu.memory_space<vmem>> -> memref<125xi32, #tpu.memory_space<vmem>>
    %dma_start3A_13 = arith.constant 0 : i32
    %dma_start3A_14 = arith.constant 0 : i32
    %dma_start3A_15 = tpu.memref_slice %arg2[%dma_start3A_13, %dma_start3A_14] : memref<10240x64xf32, #tpu.memory_space<hbm>> -> memref<10240x64xf32, #tpu.memory_space<hbm>>
    tpu.enqueue_indirect_dma source(%dma_start3A_15 : memref<10240x64xf32, #tpu.memory_space<hbm>>) target(%dma_start3A_9 : memref<125x64xf32, #tpu.memory_space<vmem>>) offsets(%dma_start3A_12 : memref<125xi32, #tpu.memory_space<vmem>>) semaphore(%arg11 : memref<!tpu.dma_semaphore, #tpu.memory_space<semaphore_mem>>)
    %scan3A = arith.constant 0 : i32
    %scan3A_16 = arith.constant 0 : i32
    %scan3A_17 = arith.constant 80 : i32
    %scan3A_18 = arith.addi %scan3A_16, %scan3A_17 : i32
    %scan3A_19 = arith.constant 1 : i32
    scf.for %scan3A_28 = %scan3A_16 to %scan3A_18 step %scan3A_19  : i32 {
      %rem3A = arith.constant 2 : i32
      %rem3A_29 = arith.remsi %scan3A_28, %rem3A : i32
      %dma_wait3A = arith.constant 0 : i32
      %dma_wait3A_30 = arith.constant 0 : i32
      %dma_wait3A_31 = tpu.memref_slice %arg10[%rem3A_29, %dma_wait3A, %dma_wait3A_30] : memref<2x125x64xf32, #tpu.memory_space<vmem>> -> memref<1x125x64xf32, #tpu.memory_space<vmem>>
      %dma_wait3A_32 = tpu.memref_squeeze %dma_wait3A_31 : memref<1x125x64xf32, #tpu.memory_space<vmem>> -> memref<125x64xf32, #tpu.memory_space<vmem>>
      %dma_wait3A_33 = arith.constant 0 : i32
      %dma_wait3A_34 = tpu.memref_slice %arg8[%scan3A_28, %dma_wait3A_33] : memref<80x125xi32, #tpu.memory_space<vmem>> -> memref<1x125xi32, #tpu.memory_space<vmem>>
      %dma_wait3A_35 = tpu.memref_squeeze %dma_wait3A_34 : memref<1x125xi32, #tpu.memory_space<vmem>> -> memref<125xi32, #tpu.memory_space<vmem>>
      %dma_wait3A_36 = arith.constant 0 : i32
      %dma_wait3A_37 = arith.constant 0 : i32
      %dma_wait3A_38 = tpu.memref_slice %arg2[%dma_wait3A_36, %dma_wait3A_37] : memref<10240x64xf32, #tpu.memory_space<hbm>> -> memref<10240x64xf32, #tpu.memory_space<hbm>>
      tpu.wait_indirect_dma semaphore(%arg11 : memref<!tpu.dma_semaphore, #tpu.memory_space<semaphore_mem>>) src(%dma_wait3A_38 : memref<10240x64xf32, #tpu.memory_space<hbm>>) dst(%dma_wait3A_32 : memref<125x64xf32, #tpu.memory_space<vmem>>)
      %add3A_39 = arith.constant 1 : i32
      %add3A_40 = arith.addi %scan3A_28, %add3A_39 : i32
      %lt3A = arith.constant 80 : i32
      %lt3A_41 = arith.cmpi slt, %add3A_40, %lt3A : i32
      %convert_element_type3A = arith.extui %lt3A_41 : i1 to i32
      %cond3A = arith.constant 0 : i32
      %cond3A_42 = arith.cmpi ne, %convert_element_type3A, %cond3A : i32
      scf.if %cond3A_42 {
        %add3A_43 = arith.constant 1 : i32
        %add3A_44 = arith.addi %scan3A_28, %add3A_43 : i32
        %sub3A = arith.constant 1 : i32
        %sub3A_45 = arith.subi %sub3A, %rem3A_29 : i32
        %dma_start3A_46 = arith.constant 0 : i32
        %dma_start3A_47 = arith.constant 0 : i32
        %dma_start3A_48 = tpu.memref_slice %arg10[%sub3A_45, %dma_start3A_46, %dma_start3A_47] : memref<2x125x64xf32, #tpu.memory_space<vmem>> -> memref<1x125x64xf32, #tpu.memory_space<vmem>>
        %dma_start3A_49 = tpu.memref_squeeze %dma_start3A_48 : memref<1x125x64xf32, #tpu.memory_space<vmem>> -> memref<125x64xf32, #tpu.memory_space<vmem>>
        %dma_start3A_50 = arith.constant 0 : i32
        %dma_start3A_51 = tpu.memref_slice %arg8[%add3A_44, %dma_start3A_50] : memref<80x125xi32, #tpu.memory_space<vmem>> -> memref<1x125xi32, #tpu.memory_space<vmem>>
        %dma_start3A_52 = tpu.memref_squeeze %dma_start3A_51 : memref<1x125xi32, #tpu.memory_space<vmem>> -> memref<125xi32, #tpu.memory_space<vmem>>
        %dma_start3A_53 = arith.constant 0 : i32
        %dma_start3A_54 = arith.constant 0 : i32
        %dma_start3A_55 = tpu.memref_slice %arg2[%dma_start3A_53, %dma_start3A_54] : memref<10240x64xf32, #tpu.memory_space<hbm>> -> memref<10240x64xf32, #tpu.memory_space<hbm>>
        tpu.enqueue_indirect_dma source(%dma_start3A_55 : memref<10240x64xf32, #tpu.memory_space<hbm>>) target(%dma_start3A_49 : memref<125x64xf32, #tpu.memory_space<vmem>>) offsets(%dma_start3A_52 : memref<125xi32, #tpu.memory_space<vmem>>) semaphore(%arg11 : memref<!tpu.dma_semaphore, #tpu.memory_space<semaphore_mem>>)
      } else {
      }
      "tpu.region"() ({
        %run_scoped3A = tpu.sem_alloc : memref<!tpu.dma_semaphore, #tpu.memory_space<semaphore_mem>>
        %dma_start3A_43 = arith.constant 0 : i32
        %dma_start3A_44 = arith.constant 0 : i32
        %dma_start3A_45 = tpu.memref_slice %arg10[%rem3A_29, %dma_start3A_43, %dma_start3A_44] : memref<2x125x64xf32, #tpu.memory_space<vmem>> -> memref<1x125x64xf32, #tpu.memory_space<vmem>>
        %dma_start3A_46 = tpu.memref_squeeze %dma_start3A_45 : memref<1x125x64xf32, #tpu.memory_space<vmem>> -> memref<125x64xf32, #tpu.memory_space<vmem>>
        %dma_start3A_47 = arith.constant 0 : i32
        %dma_start3A_48 = tpu.memref_slice %arg9[%scan3A_28, %dma_start3A_47] : memref<80x125xi32, #tpu.memory_space<vmem>> -> memref<1x125xi32, #tpu.memory_space<vmem>>
        %dma_start3A_49 = tpu.memref_squeeze %dma_start3A_48 : memref<1x125xi32, #tpu.memory_space<vmem>> -> memref<125xi32, #tpu.memory_space<vmem>>
        %dma_start3A_50 = arith.constant 0 : i32
        %dma_start3A_51 = arith.constant 0 : i32
        %dma_start3A_52 = tpu.memref_slice %arg7[%dma_start3A_50, %dma_start3A_51] : memref<10240x64xf32, #tpu.memory_space<vmem_shared>> -> memref<10240x64xf32, #tpu.memory_space<vmem_shared>>
        tpu.enqueue_indirect_dma source(%dma_start3A_46 : memref<125x64xf32, #tpu.memory_space<vmem>>) target(%dma_start3A_52 : memref<10240x64xf32, #tpu.memory_space<vmem_shared>>) offsets(%dma_start3A_49 : memref<125xi32, #tpu.memory_space<vmem>>) semaphore(%run_scoped3A : memref<!tpu.dma_semaphore, #tpu.memory_space<semaphore_mem>>) {add = true}
        %dma_wait3A_53 = arith.constant 0 : i32
        %dma_wait3A_54 = arith.constant 0 : i32
        %dma_wait3A_55 = tpu.memref_slice %arg10[%rem3A_29, %dma_wait3A_53, %dma_wait3A_54] : memref<2x125x64xf32, #tpu.memory_space<vmem>> -> memref<1x125x64xf32, #tpu.memory_space<vmem>>
        %dma_wait3A_56 = tpu.memref_squeeze %dma_wait3A_55 : memref<1x125x64xf32, #tpu.memory_space<vmem>> -> memref<125x64xf32, #tpu.memory_space<vmem>>
        %dma_wait3A_57 = arith.constant 0 : i32
        %dma_wait3A_58 = tpu.memref_slice %arg9[%scan3A_28, %dma_wait3A_57] : memref<80x125xi32, #tpu.memory_space<vmem>> -> memref<1x125xi32, #tpu.memory_space<vmem>>
        %dma_wait3A_59 = tpu.memref_squeeze %dma_wait3A_58 : memref<1x125xi32, #tpu.memory_space<vmem>> -> memref<125xi32, #tpu.memory_space<vmem>>
        %dma_wait3A_60 = arith.constant 0 : i32
        %dma_wait3A_61 = arith.constant 0 : i32
        %dma_wait3A_62 = tpu.memref_slice %arg7[%dma_wait3A_60, %dma_wait3A_61] : memref<10240x64xf32, #tpu.memory_space<vmem_shared>> -> memref<10240x64xf32, #tpu.memory_space<vmem_shared>>
        tpu.wait_indirect_dma semaphore(%run_scoped3A : memref<!tpu.dma_semaphore, #tpu.memory_space<semaphore_mem>>) src(%dma_wait3A_56 : memref<125x64xf32, #tpu.memory_space<vmem>>) dst(%dma_wait3A_62 : memref<10240x64xf32, #tpu.memory_space<vmem_shared>>)
        tpu.yield
      }) : () -> ()
    }
    %scan3A_20 = arith.constant 80 : i32
    %barrier3A_21 = arith.constant 0 : index
    tpu.barrier barrier_id(%barrier3A_21)
    %mul3A_22 = arith.constant 10240 : i32
    %mul3A_23 = arith.muli %arg0, %mul3A_22 : i32
    %mul3A_24 = arith.constant 640 : i32
    %mul3A_25 = arith.muli %arg1, %mul3A_24 : i32
    %add3A_26 = arith.addi %mul3A_23, %mul3A_25 : i32
    %multiple_of3A_27 = tpu.assume_multiple %add3A_26, 8 : i32
    "tpu.region"() ({
      %run_scoped3A = tpu.sem_alloc : memref<!tpu.dma_semaphore, #tpu.memory_space<semaphore_mem>>
      %dma_start3A_28 = arith.constant 0 : i32
      %dma_start3A_29 = tpu.memref_slice %arg6[%multiple_of3A_27, %dma_start3A_28] : memref<20480x64xf32, #tpu.memory_space<hbm>> -> memref<640x64xf32, #tpu.memory_space<hbm>>
      %dma_start3A_30 = arith.constant 0 : i32
      %dma_start3A_31 = tpu.memref_slice %arg7[%multiple_of3A, %dma_start3A_30] : memref<10240x64xf32, #tpu.memory_space<vmem_shared>> -> memref<640x64xf32, #tpu.memory_space<vmem_shared>>
      tpu.enqueue_dma source(%dma_start3A_31 : memref<640x64xf32, #tpu.memory_space<vmem_shared>>) target(%dma_start3A_29 : memref<640x64xf32, #tpu.memory_space<hbm>>) target_semaphore(%run_scoped3A : memref<!tpu.dma_semaphore, #tpu.memory_space<semaphore_mem>>)
      %dma_wait3A = arith.constant 0 : i32
      %dma_wait3A_32 = tpu.memref_slice %arg6[%multiple_of3A_27, %dma_wait3A] : memref<20480x64xf32, #tpu.memory_space<hbm>> -> memref<640x64xf32, #tpu.memory_space<hbm>>
      %dma_wait3A_33 = arith.constant 0 : i32
      %dma_wait3A_34 = tpu.memref_slice %arg7[%multiple_of3A, %dma_wait3A_33] : memref<10240x64xf32, #tpu.memory_space<vmem_shared>> -> memref<640x64xf32, #tpu.memory_space<vmem_shared>>
      tpu.wait_dma2 semaphore(%run_scoped3A : memref<!tpu.dma_semaphore, #tpu.memory_space<semaphore_mem>>) src(%dma_wait3A_34 : memref<640x64xf32, #tpu.memory_space<vmem_shared>>) dst(%dma_wait3A_32 : memref<640x64xf32, #tpu.memory_space<hbm>>)
      tpu.yield
    }) : () -> ()
    return
  }
}

#map = affine_map<(d0, d1) -> (0, 0)>
module attributes {stable_mosaic.version = 14 : i64} {
  func.func @agg(%arg0: i32, %arg1: i32, %arg2: memref<10240x64xf32, #tpu.memory_space<hbm>>, %arg3: memref<2560x125xi32, #tpu.memory_space<hbm>>, %arg4: memref<2560x125xi32, #tpu.memory_space<hbm>>, %arg5: memref<10240x64xf32, #tpu.memory_space<hbm>>, %arg6: memref<20480x64xf32, #tpu.memory_space<hbm>>, %arg7: memref<10240x64xf32, #tpu.memory_space<vmem_shared>>, %arg8: memref<80x125xi32, #tpu.memory_space<vmem>>, %arg9: memref<80x125xi32, #tpu.memory_space<vmem>>, %arg10: memref<2x125x64xf32, #tpu.memory_space<vmem>>, %arg11: memref<!tpu.dma_semaphore, #tpu.memory_space<semaphore_mem>>) attributes {dimension_semantics = [#tpu.dimension_semantics<core_parallel>, #tpu.dimension_semantics<subcore_parallel>], iteration_bounds = array<i64: 2, 16>, scalar_prefetch = 0 : i64, scratch_operands = 5 : i64, tpu.core_type = #tpu.core_type<sc_vector_subcore>, window_params = [{transform_indices = #map}, {transform_indices = #map}, {transform_indices = #map}, {transform_indices = #map}, {transform_indices = #map}]} {
    %mul3A = arith.constant 640 : i32
    %mul3A_0 = arith.muli %arg1, %mul3A : i32
    %multiple_of3A = tpu.assume_multiple %mul3A_0, 8 : i32
    "tpu.region"() ({
      %run_scoped3A = tpu.sem_alloc : memref<!tpu.dma_semaphore, #tpu.memory_space<semaphore_mem>>
      %dma_start3A_28 = arith.constant 0 : i32
      %dma_start3A_29 = tpu.memref_slice %arg7[%multiple_of3A, %dma_start3A_28] : memref<10240x64xf32, #tpu.memory_space<vmem_shared>> -> memref<640x64xf32, #tpu.memory_space<vmem_shared>>
      %dma_start3A_30 = arith.constant 0 : i32
      %dma_start3A_31 = tpu.memref_slice %arg5[%multiple_of3A, %dma_start3A_30] : memref<10240x64xf32, #tpu.memory_space<hbm>> -> memref<640x64xf32, #tpu.memory_space<hbm>>
      tpu.enqueue_dma source(%dma_start3A_31 : memref<640x64xf32, #tpu.memory_space<hbm>>) target(%dma_start3A_29 : memref<640x64xf32, #tpu.memory_space<vmem_shared>>) target_semaphore(%run_scoped3A : memref<!tpu.dma_semaphore, #tpu.memory_space<semaphore_mem>>)
      %dma_wait3A = arith.constant 0 : i32
      %dma_wait3A_32 = tpu.memref_slice %arg7[%multiple_of3A, %dma_wait3A] : memref<10240x64xf32, #tpu.memory_space<vmem_shared>> -> memref<640x64xf32, #tpu.memory_space<vmem_shared>>
      %dma_wait3A_33 = arith.constant 0 : i32
      %dma_wait3A_34 = tpu.memref_slice %arg5[%multiple_of3A, %dma_wait3A_33] : memref<10240x64xf32, #tpu.memory_space<hbm>> -> memref<640x64xf32, #tpu.memory_space<hbm>>
      tpu.wait_dma2 semaphore(%run_scoped3A : memref<!tpu.dma_semaphore, #tpu.memory_space<semaphore_mem>>) src(%dma_wait3A_34 : memref<640x64xf32, #tpu.memory_space<hbm>>) dst(%dma_wait3A_32 : memref<640x64xf32, #tpu.memory_space<vmem_shared>>)
      tpu.yield
    }) : () -> ()
    %mul3A_1 = arith.constant 16 : i32
    %mul3A_2 = arith.muli %arg0, %mul3A_1 : i32
    %add3A = arith.addi %mul3A_2, %arg1 : i32
    %mul3A_3 = arith.constant 80 : i32
    %mul3A_4 = arith.muli %add3A, %mul3A_3 : i32
    "tpu.region"() ({
      %run_scoped3A = tpu.sem_alloc : memref<!tpu.dma_semaphore, #tpu.memory_space<semaphore_mem>>
      %dma_start3A_28 = arith.constant 0 : i32
      %dma_start3A_29 = tpu.memref_slice %arg3[%mul3A_4, %dma_start3A_28] : memref<2560x125xi32, #tpu.memory_space<hbm>> -> memref<80x125xi32, #tpu.memory_space<hbm>>
      %dma_start3A_30 = arith.constant 0 : i32
      %dma_start3A_31 = tpu.memref_slice %arg3[%mul3A_4, %dma_start3A_30] : memref<2560x125xi32, #tpu.memory_space<hbm>> -> memref<80x125xi32, #tpu.memory_space<hbm>>
      tpu.enqueue_dma source(%dma_start3A_31 : memref<80x125xi32, #tpu.memory_space<hbm>>) target(%arg8 : memref<80x125xi32, #tpu.memory_space<vmem>>) target_semaphore(%run_scoped3A : memref<!tpu.dma_semaphore, #tpu.memory_space<semaphore_mem>>)
      %dma_wait3A = arith.constant 0 : i32
      %dma_wait3A_32 = tpu.memref_slice %arg3[%mul3A_4, %dma_wait3A] : memref<2560x125xi32, #tpu.memory_space<hbm>> -> memref<80x125xi32, #tpu.memory_space<hbm>>
      %dma_wait3A_33 = arith.constant 0 : i32
      %dma_wait3A_34 = tpu.memref_slice %arg3[%mul3A_4, %dma_wait3A_33] : memref<2560x125xi32, #tpu.memory_space<hbm>> -> memref<80x125xi32, #tpu.memory_space<hbm>>
      tpu.wait_dma2 semaphore(%run_scoped3A : memref<!tpu.dma_semaphore, #tpu.memory_space<semaphore_mem>>) src(%dma_wait3A_34 : memref<80x125xi32, #tpu.memory_space<hbm>>) dst(%arg8 : memref<80x125xi32, #tpu.memory_space<vmem>>)
      tpu.yield
    }) : () -> ()
    "tpu.region"() ({
      %run_scoped3A = tpu.sem_alloc : memref<!tpu.dma_semaphore, #tpu.memory_space<semaphore_mem>>
      %dma_start3A_28 = arith.constant 0 : i32
      %dma_start3A_29 = tpu.memref_slice %arg4[%mul3A_4, %dma_start3A_28] : memref<2560x125xi32, #tpu.memory_space<hbm>> -> memref<80x125xi32, #tpu.memory_space<hbm>>
      %dma_start3A_30 = arith.constant 0 : i32
      %dma_start3A_31 = tpu.memref_slice %arg4[%mul3A_4, %dma_start3A_30] : memref<2560x125xi32, #tpu.memory_space<hbm>> -> memref<80x125xi32, #tpu.memory_space<hbm>>
      tpu.enqueue_dma source(%dma_start3A_31 : memref<80x125xi32, #tpu.memory_space<hbm>>) target(%arg9 : memref<80x125xi32, #tpu.memory_space<vmem>>) target_semaphore(%run_scoped3A : memref<!tpu.dma_semaphore, #tpu.memory_space<semaphore_mem>>)
      %dma_wait3A = arith.constant 0 : i32
      %dma_wait3A_32 = tpu.memref_slice %arg4[%mul3A_4, %dma_wait3A] : memref<2560x125xi32, #tpu.memory_space<hbm>> -> memref<80x125xi32, #tpu.memory_space<hbm>>
      %dma_wait3A_33 = arith.constant 0 : i32
      %dma_wait3A_34 = tpu.memref_slice %arg4[%mul3A_4, %dma_wait3A_33] : memref<2560x125xi32, #tpu.memory_space<hbm>> -> memref<80x125xi32, #tpu.memory_space<hbm>>
      tpu.wait_dma2 semaphore(%run_scoped3A : memref<!tpu.dma_semaphore, #tpu.memory_space<semaphore_mem>>) src(%dma_wait3A_34 : memref<80x125xi32, #tpu.memory_space<hbm>>) dst(%arg9 : memref<80x125xi32, #tpu.memory_space<vmem>>)
      tpu.yield
    }) : () -> ()
    %barrier3A = arith.constant 0 : index
    tpu.barrier barrier_id(%barrier3A)
    %dma_start3A = arith.constant 0 : i32
    %dma_start3A_5 = arith.constant 0 : i32
    %dma_start3A_6 = arith.constant 0 : i32
    %dma_start3A_7 = arith.constant 0 : i32
    %dma_start3A_8 = tpu.memref_slice %arg10[%dma_start3A_5, %dma_start3A_6, %dma_start3A_7] : memref<2x125x64xf32, #tpu.memory_space<vmem>> -> memref<1x125x64xf32, #tpu.memory_space<vmem>>
    %dma_start3A_9 = tpu.memref_squeeze %dma_start3A_8 : memref<1x125x64xf32, #tpu.memory_space<vmem>> -> memref<125x64xf32, #tpu.memory_space<vmem>>
    %dma_start3A_10 = arith.constant 0 : i32
    %dma_start3A_11 = tpu.memref_slice %arg8[%dma_start3A, %dma_start3A_10] : memref<80x125xi32, #tpu.memory_space<vmem>> -> memref<1x125xi32, #tpu.memory_space<vmem>>
    %dma_start3A_12 = tpu.memref_squeeze %dma_start3A_11 : memref<1x125xi32, #tpu.memory_space<vmem>> -> memref<125xi32, #tpu.memory_space<vmem>>
    %dma_start3A_13 = arith.constant 0 : i32
    %dma_start3A_14 = arith.constant 0 : i32
    %dma_start3A_15 = tpu.memref_slice %arg2[%dma_start3A_13, %dma_start3A_14] : memref<10240x64xf32, #tpu.memory_space<hbm>> -> memref<10240x64xf32, #tpu.memory_space<hbm>>
    tpu.enqueue_indirect_dma source(%dma_start3A_15 : memref<10240x64xf32, #tpu.memory_space<hbm>>) target(%dma_start3A_9 : memref<125x64xf32, #tpu.memory_space<vmem>>) offsets(%dma_start3A_12 : memref<125xi32, #tpu.memory_space<vmem>>) semaphore(%arg11 : memref<!tpu.dma_semaphore, #tpu.memory_space<semaphore_mem>>)
    %scan3A = arith.constant 0 : i32
    %scan3A_16 = arith.constant 0 : i32
    %scan3A_17 = arith.constant 80 : i32
    %scan3A_18 = arith.addi %scan3A_16, %scan3A_17 : i32
    %scan3A_19 = arith.constant 1 : i32
    scf.for %scan3A_28 = %scan3A_16 to %scan3A_18 step %scan3A_19  : i32 {
      %rem3A = arith.constant 2 : i32
      %rem3A_29 = arith.remsi %scan3A_28, %rem3A : i32
      %dma_wait3A = arith.constant 0 : i32
      %dma_wait3A_30 = arith.constant 0 : i32
      %dma_wait3A_31 = tpu.memref_slice %arg10[%rem3A_29, %dma_wait3A, %dma_wait3A_30] : memref<2x125x64xf32, #tpu.memory_space<vmem>> -> memref<1x125x64xf32, #tpu.memory_space<vmem>>
      %dma_wait3A_32 = tpu.memref_squeeze %dma_wait3A_31 : memref<1x125x64xf32, #tpu.memory_space<vmem>> -> memref<125x64xf32, #tpu.memory_space<vmem>>
      %dma_wait3A_33 = arith.constant 0 : i32
      %dma_wait3A_34 = tpu.memref_slice %arg8[%scan3A_28, %dma_wait3A_33] : memref<80x125xi32, #tpu.memory_space<vmem>> -> memref<1x125xi32, #tpu.memory_space<vmem>>
      %dma_wait3A_35 = tpu.memref_squeeze %dma_wait3A_34 : memref<1x125xi32, #tpu.memory_space<vmem>> -> memref<125xi32, #tpu.memory_space<vmem>>
      %dma_wait3A_36 = arith.constant 0 : i32
      %dma_wait3A_37 = arith.constant 0 : i32
      %dma_wait3A_38 = tpu.memref_slice %arg2[%dma_wait3A_36, %dma_wait3A_37] : memref<10240x64xf32, #tpu.memory_space<hbm>> -> memref<10240x64xf32, #tpu.memory_space<hbm>>
      tpu.wait_indirect_dma semaphore(%arg11 : memref<!tpu.dma_semaphore, #tpu.memory_space<semaphore_mem>>) src(%dma_wait3A_38 : memref<10240x64xf32, #tpu.memory_space<hbm>>) dst(%dma_wait3A_32 : memref<125x64xf32, #tpu.memory_space<vmem>>)
      %add3A_39 = arith.constant 1 : i32
      %add3A_40 = arith.addi %scan3A_28, %add3A_39 : i32
      %lt3A = arith.constant 80 : i32
      %lt3A_41 = arith.cmpi slt, %add3A_40, %lt3A : i32
      %convert_element_type3A = arith.extui %lt3A_41 : i1 to i32
      %cond3A = arith.constant 0 : i32
      %cond3A_42 = arith.cmpi ne, %convert_element_type3A, %cond3A : i32
      scf.if %cond3A_42 {
        %add3A_43 = arith.constant 1 : i32
        %add3A_44 = arith.addi %scan3A_28, %add3A_43 : i32
        %sub3A = arith.constant 1 : i32
        %sub3A_45 = arith.subi %sub3A, %rem3A_29 : i32
        %dma_start3A_46 = arith.constant 0 : i32
        %dma_start3A_47 = arith.constant 0 : i32
        %dma_start3A_48 = tpu.memref_slice %arg10[%sub3A_45, %dma_start3A_46, %dma_start3A_47] : memref<2x125x64xf32, #tpu.memory_space<vmem>> -> memref<1x125x64xf32, #tpu.memory_space<vmem>>
        %dma_start3A_49 = tpu.memref_squeeze %dma_start3A_48 : memref<1x125x64xf32, #tpu.memory_space<vmem>> -> memref<125x64xf32, #tpu.memory_space<vmem>>
        %dma_start3A_50 = arith.constant 0 : i32
        %dma_start3A_51 = tpu.memref_slice %arg8[%add3A_44, %dma_start3A_50] : memref<80x125xi32, #tpu.memory_space<vmem>> -> memref<1x125xi32, #tpu.memory_space<vmem>>
        %dma_start3A_52 = tpu.memref_squeeze %dma_start3A_51 : memref<1x125xi32, #tpu.memory_space<vmem>> -> memref<125xi32, #tpu.memory_space<vmem>>
        %dma_start3A_53 = arith.constant 0 : i32
        %dma_start3A_54 = arith.constant 0 : i32
        %dma_start3A_55 = tpu.memref_slice %arg2[%dma_start3A_53, %dma_start3A_54] : memref<10240x64xf32, #tpu.memory_space<hbm>> -> memref<10240x64xf32, #tpu.memory_space<hbm>>
        tpu.enqueue_indirect_dma source(%dma_start3A_55 : memref<10240x64xf32, #tpu.memory_space<hbm>>) target(%dma_start3A_49 : memref<125x64xf32, #tpu.memory_space<vmem>>) offsets(%dma_start3A_52 : memref<125xi32, #tpu.memory_space<vmem>>) semaphore(%arg11 : memref<!tpu.dma_semaphore, #tpu.memory_space<semaphore_mem>>)
      } else {
      }
      "tpu.region"() ({
        %run_scoped3A = tpu.sem_alloc : memref<!tpu.dma_semaphore, #tpu.memory_space<semaphore_mem>>
        %dma_start3A_43 = arith.constant 0 : i32
        %dma_start3A_44 = arith.constant 0 : i32
        %dma_start3A_45 = tpu.memref_slice %arg10[%rem3A_29, %dma_start3A_43, %dma_start3A_44] : memref<2x125x64xf32, #tpu.memory_space<vmem>> -> memref<1x125x64xf32, #tpu.memory_space<vmem>>
        %dma_start3A_46 = tpu.memref_squeeze %dma_start3A_45 : memref<1x125x64xf32, #tpu.memory_space<vmem>> -> memref<125x64xf32, #tpu.memory_space<vmem>>
        %dma_start3A_47 = arith.constant 0 : i32
        %dma_start3A_48 = tpu.memref_slice %arg9[%scan3A_28, %dma_start3A_47] : memref<80x125xi32, #tpu.memory_space<vmem>> -> memref<1x125xi32, #tpu.memory_space<vmem>>
        %dma_start3A_49 = tpu.memref_squeeze %dma_start3A_48 : memref<1x125xi32, #tpu.memory_space<vmem>> -> memref<125xi32, #tpu.memory_space<vmem>>
        %dma_start3A_50 = arith.constant 0 : i32
        %dma_start3A_51 = arith.constant 0 : i32
        %dma_start3A_52 = tpu.memref_slice %arg7[%dma_start3A_50, %dma_start3A_51] : memref<10240x64xf32, #tpu.memory_space<vmem_shared>> -> memref<10240x64xf32, #tpu.memory_space<vmem_shared>>
        tpu.enqueue_indirect_dma source(%dma_start3A_46 : memref<125x64xf32, #tpu.memory_space<vmem>>) target(%dma_start3A_52 : memref<10240x64xf32, #tpu.memory_space<vmem_shared>>) offsets(%dma_start3A_49 : memref<125xi32, #tpu.memory_space<vmem>>) semaphore(%run_scoped3A : memref<!tpu.dma_semaphore, #tpu.memory_space<semaphore_mem>>) {add = true}
        %dma_wait3A_53 = arith.constant 0 : i32
        %dma_wait3A_54 = arith.constant 0 : i32
        %dma_wait3A_55 = tpu.memref_slice %arg10[%rem3A_29, %dma_wait3A_53, %dma_wait3A_54] : memref<2x125x64xf32, #tpu.memory_space<vmem>> -> memref<1x125x64xf32, #tpu.memory_space<vmem>>
        %dma_wait3A_56 = tpu.memref_squeeze %dma_wait3A_55 : memref<1x125x64xf32, #tpu.memory_space<vmem>> -> memref<125x64xf32, #tpu.memory_space<vmem>>
        %dma_wait3A_57 = arith.constant 0 : i32
        %dma_wait3A_58 = tpu.memref_slice %arg9[%scan3A_28, %dma_wait3A_57] : memref<80x125xi32, #tpu.memory_space<vmem>> -> memref<1x125xi32, #tpu.memory_space<vmem>>
        %dma_wait3A_59 = tpu.memref_squeeze %dma_wait3A_58 : memref<1x125xi32, #tpu.memory_space<vmem>> -> memref<125xi32, #tpu.memory_space<vmem>>
        %dma_wait3A_60 = arith.constant 0 : i32
        %dma_wait3A_61 = arith.constant 0 : i32
        %dma_wait3A_62 = tpu.memref_slice %arg7[%dma_wait3A_60, %dma_wait3A_61] : memref<10240x64xf32, #tpu.memory_space<vmem_shared>> -> memref<10240x64xf32, #tpu.memory_space<vmem_shared>>
        tpu.wait_indirect_dma semaphore(%run_scoped3A : memref<!tpu.dma_semaphore, #tpu.memory_space<semaphore_mem>>) src(%dma_wait3A_56 : memref<125x64xf32, #tpu.memory_space<vmem>>) dst(%dma_wait3A_62 : memref<10240x64xf32, #tpu.memory_space<vmem_shared>>)
        tpu.yield
      }) : () -> ()
    }
    %scan3A_20 = arith.constant 80 : i32
    %barrier3A_21 = arith.constant 0 : index
    tpu.barrier barrier_id(%barrier3A_21)
    %mul3A_22 = arith.constant 10240 : i32
    %mul3A_23 = arith.muli %arg0, %mul3A_22 : i32
    %mul3A_24 = arith.constant 640 : i32
    %mul3A_25 = arith.muli %arg1, %mul3A_24 : i32
    %add3A_26 = arith.addi %mul3A_23, %mul3A_25 : i32
    %multiple_of3A_27 = tpu.assume_multiple %add3A_26, 8 : i32
    "tpu.region"() ({
      %run_scoped3A = tpu.sem_alloc : memref<!tpu.dma_semaphore, #tpu.memory_space<semaphore_mem>>
      %dma_start3A_28 = arith.constant 0 : i32
      %dma_start3A_29 = tpu.memref_slice %arg6[%multiple_of3A_27, %dma_start3A_28] : memref<20480x64xf32, #tpu.memory_space<hbm>> -> memref<640x64xf32, #tpu.memory_space<hbm>>
      %dma_start3A_30 = arith.constant 0 : i32
      %dma_start3A_31 = tpu.memref_slice %arg7[%multiple_of3A, %dma_start3A_30] : memref<10240x64xf32, #tpu.memory_space<vmem_shared>> -> memref<640x64xf32, #tpu.memory_space<vmem_shared>>
      tpu.enqueue_dma source(%dma_start3A_31 : memref<640x64xf32, #tpu.memory_space<vmem_shared>>) target(%dma_start3A_29 : memref<640x64xf32, #tpu.memory_space<hbm>>) target_semaphore(%run_scoped3A : memref<!tpu.dma_semaphore, #tpu.memory_space<semaphore_mem>>)
      %dma_wait3A = arith.constant 0 : i32
      %dma_wait3A_32 = tpu.memref_slice %arg6[%multiple_of3A_27, %dma_wait3A] : memref<20480x64xf32, #tpu.memory_space<hbm>> -> memref<640x64xf32, #tpu.memory_space<hbm>>
      %dma_wait3A_33 = arith.constant 0 : i32
      %dma_wait3A_34 = tpu.memref_slice %arg7[%multiple_of3A, %dma_wait3A_33] : memref<10240x64xf32, #tpu.memory_space<vmem_shared>> -> memref<640x64xf32, #tpu.memory_space<vmem_shared>>
      tpu.wait_dma2 semaphore(%run_scoped3A : memref<!tpu.dma_semaphore, #tpu.memory_space<semaphore_mem>>) src(%dma_wait3A_34 : memref<640x64xf32, #tpu.memory_space<vmem_shared>>) dst(%dma_wait3A_32 : memref<640x64xf32, #tpu.memory_space<hbm>>)
      tpu.yield
    }) : () -> ()
    return
  }
}

module attributes {stable_mosaic.version = 14 : i64} {
  func.func @body(%arg0: i32, %arg1: memref<1024x128xf32, #tpu.memory_space<vmem>>, %arg2: memref<128x64xf32, #tpu.memory_space<vmem>>, %arg3: memref<128x64xf32, #tpu.memory_space<vmem>>, %arg4: memref<1x64xf32, #tpu.memory_space<vmem>>, %arg5: memref<1024x80xf32, #tpu.memory_space<vmem>>, %arg6: memref<1024x64xf32, #tpu.memory_space<vmem>>) attributes {dimension_semantics = [#tpu.dimension_semantics<arbitrary>], iteration_bounds = array<i64: 10>, scalar_prefetch = 0 : i64, scratch_operands = 0 : i64, tpu.core_type = #tpu.core_type<tc>, window_params = [{transform_indices = @transform_0, window_bounds = array<i64: 1024, 128>}, {pipeline_mode = #tpu.pipeline_mode<synchronous>, transform_indices = @transform_1, window_bounds = array<i64: 128, 64>}, {pipeline_mode = #tpu.pipeline_mode<synchronous>, transform_indices = @transform_2, window_bounds = array<i64: 128, 64>}, {pipeline_mode = #tpu.pipeline_mode<synchronous>, transform_indices = @transform_3, window_bounds = array<i64: 1, 64>}, {transform_indices = @transform_4, window_bounds = array<i64: 1024, 80>}, {transform_indices = @transform_5, window_bounds = array<i64: 1024, 64>}]} {
    %get3A = arith.constant 0 : index
    %get3A_0 = arith.constant 0 : index
    %get3A_1 = vector.load %arg1[%get3A, %get3A_0] : memref<1024x128xf32, #tpu.memory_space<vmem>>, vector<1024x128xf32>
    %get3A_2 = arith.constant 0 : index
    %get3A_3 = arith.constant 0 : index
    %get3A_4 = vector.load %arg2[%get3A_2, %get3A_3] : memref<128x64xf32, #tpu.memory_space<vmem>>, vector<128x64xf32>
    %dot_general3A = arith.constant dense<0.000000e+00> : vector<1024x64xf32>
    %dot_general3A_5 = tpu.matmul %get3A_1, %get3A_4, %dot_general3A {dimension_numbers = #tpu.dot_dimension_numbers<[1], [0], [0], [1], [0, 0, 1, 1], [], []>, transpose_lhs_hint = false} : vector<1024x128xf32>, vector<128x64xf32>, vector<1024x64xf32> -> vector<1024x64xf32>
    %broadcast_in_dim3A = arith.constant 1.000000e+00 : f32
    %broadcast_in_dim3A_6 = vector.broadcast %broadcast_in_dim3A : f32 to vector<1024x16xf32>
    %concatenate3A = tpu.concatenate %dot_general3A_5, %broadcast_in_dim3A_6 in 1 : vector<1024x64xf32>, vector<1024x16xf32> -> vector<1024x80xf32>
    %swap3A = arith.constant 0 : index
    %swap3A_7 = arith.constant 0 : index
    %swap3A_8 = vector.load %arg5[%swap3A, %swap3A_7] : memref<1024x80xf32, #tpu.memory_space<vmem>>, vector<1024x80xf32>
    tpu.vector_store %arg5[%swap3A, %swap3A_7], %concatenate3A {strides = array<i32>} : memref<1024x80xf32, #tpu.memory_space<vmem>>, vector<1024x80xf32>,
    %get3A_9 = arith.constant 0 : index
    %get3A_10 = arith.constant 0 : index
    %get3A_11 = vector.load %arg3[%get3A_9, %get3A_10] : memref<128x64xf32, #tpu.memory_space<vmem>>, vector<128x64xf32>
    %dot_general3A_12 = arith.constant dense<0.000000e+00> : vector<1024x64xf32>
    %dot_general3A_13 = tpu.matmul %get3A_1, %get3A_11, %dot_general3A_12 {dimension_numbers = #tpu.dot_dimension_numbers<[1], [0], [0], [1], [0, 0, 1, 1], [], []>, transpose_lhs_hint = false} : vector<1024x128xf32>, vector<128x64xf32>, vector<1024x64xf32> -> vector<1024x64xf32>
    %get3A_14 = arith.constant 0 : index
    %get3A_15 = arith.constant 0 : index
    %get3A_16 = vector.load %arg4[%get3A_14, %get3A_15] : memref<1x64xf32, #tpu.memory_space<vmem>>, vector<1x64xf32>
    %add3A = vector.broadcast %get3A_16 : vector<1x64xf32> to vector<1024x64xf32>
    %add3A_17 = arith.addf %dot_general3A_13, %add3A : vector<1024x64xf32>
    %swap3A_18 = arith.constant 0 : index
    %swap3A_19 = arith.constant 0 : index
    %swap3A_20 = vector.load %arg6[%swap3A_18, %swap3A_19] : memref<1024x64xf32, #tpu.memory_space<vmem>>, vector<1024x64xf32>
    tpu.vector_store %arg6[%swap3A_18, %swap3A_19], %add3A_17 {strides = array<i32>} : memref<1024x64xf32, #tpu.memory_space<vmem>>, vector<1024x64xf32>,
    return
  }
  func.func @transform_0(%arg0: i32) -> (i32, i32) {
    %c0_i32 = arith.constant 0 : i32
    %c0_i32_0 = arith.constant 0 : i32
    return %arg0, %c0_i32 : i32, i32
  }
  func.func @transform_1(%arg0: i32) -> (i32, i32) {
    %c0_i32 = arith.constant 0 : i32
    %c0_i32_0 = arith.constant 0 : i32
    %c0_i32_1 = arith.constant 0 : i32
    return %c0_i32, %c0_i32_0 : i32, i32
  }
  func.func @transform_2(%arg0: i32) -> (i32, i32) {
    %c0_i32 = arith.constant 0 : i32
    %c0_i32_0 = arith.constant 0 : i32
    %c0_i32_1 = arith.constant 0 : i32
    return %c0_i32, %c0_i32_0 : i32, i32
  }
  func.func @transform_3(%arg0: i32) -> (i32, i32) {
    %c0_i32 = arith.constant 0 : i32
    %c0_i32_0 = arith.constant 0 : i32
    %c0_i32_1 = arith.constant 0 : i32
    return %c0_i32, %c0_i32_0 : i32, i32
  }
  func.func @transform_4(%arg0: i32) -> (i32, i32) {
    %c0_i32 = arith.constant 0 : i32
    %c0_i32_0 = arith.constant 0 : i32
    return %arg0, %c0_i32 : i32, i32
  }
  func.func @transform_5(%arg0: i32) -> (i32, i32) {
    %c0_i32 = arith.constant 0 : i32
    %c0_i32_0 = arith.constant 0 : i32
    return %arg0, %c0_i32 : i32, i32
  }
}

module attributes {stable_mosaic.version = 14 : i64} {
  func.func @body(%arg0: i32, %arg1: memref<2x1024x80xf32, #tpu.memory_space<vmem>>, %arg2: memref<1024x64xf32, #tpu.memory_space<vmem>>, %arg3: memref<1x1024xf32, #tpu.memory_space<vmem>>, %arg4: memref<64x64xf32, #tpu.memory_space<vmem>>, %arg5: memref<64x64xf32, #tpu.memory_space<vmem>>, %arg6: memref<1x64xf32, #tpu.memory_space<vmem>>, %arg7: memref<1024x64xf32, #tpu.memory_space<vmem>>, %arg8: memref<1024x64xf32, #tpu.memory_space<vmem>>, %arg9: memref<128x64xf32, #tpu.memory_space<vmem>>, %arg10: memref<128x1xf32, #tpu.memory_space<vmem>>) attributes {dimension_semantics = [#tpu.dimension_semantics<arbitrary>], iteration_bounds = array<i64: 10>, scalar_prefetch = 0 : i64, scratch_operands = 0 : i64, tpu.core_type = #tpu.core_type<tc>, window_params = [{transform_indices = @transform_0, window_bounds = array<i64: 2, 1024, 80>}, {transform_indices = @transform_1, window_bounds = array<i64: 1024, 64>}, {transform_indices = @transform_2, window_bounds = array<i64: 1, 1024>}, {pipeline_mode = #tpu.pipeline_mode<synchronous>, transform_indices = @transform_3, window_bounds = array<i64: 64, 64>}, {pipeline_mode = #tpu.pipeline_mode<synchronous>, transform_indices = @transform_4, window_bounds = array<i64: 64, 64>}, {pipeline_mode = #tpu.pipeline_mode<synchronous>, transform_indices = @transform_5, window_bounds = array<i64: 1, 64>}, {transform_indices = @transform_6, window_bounds = array<i64: 1024, 64>}, {transform_indices = @transform_7, window_bounds = array<i64: 1024, 64>}, {pipeline_mode = #tpu.pipeline_mode<synchronous>, transform_indices = @transform_8, window_bounds = array<i64: 128, 64>}, {pipeline_mode = #tpu.pipeline_mode<synchronous>, transform_indices = @transform_9, window_bounds = array<i64: 128, 1>}]} {
    %get3A = arith.constant 0 : index
    %get3A_0 = arith.constant 0 : index
    %get3A_1 = arith.constant 0 : index
    %get3A_2 = vector.load %arg1[%get3A, %get3A_0, %get3A_1] : memref<2x1024x80xf32, #tpu.memory_space<vmem>>, vector<1x1024x80xf32>
    %get3A_3 = vector.shape_cast %get3A_2 : vector<1x1024x80xf32> to vector<1024x80xf32>
    %get3A_4 = arith.constant 1 : index
    %get3A_5 = arith.constant 0 : index
    %get3A_6 = arith.constant 0 : index
    %get3A_7 = vector.load %arg1[%get3A_4, %get3A_5, %get3A_6] : memref<2x1024x80xf32, #tpu.memory_space<vmem>>, vector<1x1024x80xf32>
    %get3A_8 = vector.shape_cast %get3A_7 : vector<1x1024x80xf32> to vector<1024x80xf32>
    %add3A = arith.addf %get3A_3, %get3A_8 : vector<1024x80xf32>
    %slice3A = vector.extract_strided_slice %add3A {offsets = [0, 0], sizes = [1024, 64], strides = [1, 1]} : vector<1024x80xf32> to vector<1024x64xf32>
    %slice3A_9 = vector.extract_strided_slice %add3A {offsets = [0, 64], sizes = [1024, 1], strides = [1, 1]} : vector<1024x80xf32> to vector<1024x1xf32>
    %max3A = arith.constant 1.000000e+00 : f32
    %max3A_10 = vector.broadcast %max3A : f32 to vector<1024x1xf32>
    %max3A_11 = arith.maximumf %slice3A_9, %max3A_10 : vector<1024x1xf32>
    %div3A = vector.broadcast %max3A_11 : vector<1024x1xf32> to vector<1024x64xf32>
    %div3A_12 = arith.divf %slice3A, %div3A : vector<1024x64xf32>
    %get3A_13 = arith.constant 0 : index
    %get3A_14 = arith.constant 0 : index
    %get3A_15 = vector.load %arg2[%get3A_13, %get3A_14] : memref<1024x64xf32, #tpu.memory_space<vmem>>, vector<1024x64xf32>
    %add3A_16 = arith.addf %div3A_12, %get3A_15 : vector<1024x64xf32>
    %max3A_17 = arith.constant 0.000000e+00 : f32
    %max3A_18 = vector.broadcast %max3A_17 : f32 to vector<1024x64xf32>
    %max3A_19 = arith.maximumf %add3A_16, %max3A_18 : vector<1024x64xf32>
    %get3A_20 = arith.constant 0 : index
    %get3A_21 = arith.constant 0 : index
    %get3A_22 = vector.load %arg4[%get3A_20, %get3A_21] : memref<64x64xf32, #tpu.memory_space<vmem>>, vector<64x64xf32>
    %dot_general3A = arith.constant dense<0.000000e+00> : vector<1024x64xf32>
    %dot_general3A_23 = tpu.matmul %max3A_19, %get3A_22, %dot_general3A {dimension_numbers = #tpu.dot_dimension_numbers<[1], [0], [0], [1], [0, 0, 1, 1], [], []>, transpose_lhs_hint = false} : vector<1024x64xf32>, vector<64x64xf32>, vector<1024x64xf32> -> vector<1024x64xf32>
    %swap3A = arith.constant 0 : index
    %swap3A_24 = arith.constant 0 : index
    %swap3A_25 = vector.load %arg7[%swap3A, %swap3A_24] : memref<1024x64xf32, #tpu.memory_space<vmem>>, vector<1024x64xf32>
    tpu.vector_store %arg7[%swap3A, %swap3A_24], %dot_general3A_23 {strides = array<i32>} : memref<1024x64xf32, #tpu.memory_space<vmem>>, vector<1024x64xf32>,
    %get3A_26 = arith.constant 0 : index
    %get3A_27 = arith.constant 0 : index
    %get3A_28 = vector.load %arg5[%get3A_26, %get3A_27] : memref<64x64xf32, #tpu.memory_space<vmem>>, vector<64x64xf32>
    %dot_general3A_29 = arith.constant dense<0.000000e+00> : vector<1024x64xf32>
    %dot_general3A_30 = tpu.matmul %max3A_19, %get3A_28, %dot_general3A_29 {dimension_numbers = #tpu.dot_dimension_numbers<[1], [0], [0], [1], [0, 0, 1, 1], [], []>, transpose_lhs_hint = false} : vector<1024x64xf32>, vector<64x64xf32>, vector<1024x64xf32> -> vector<1024x64xf32>
    %get3A_31 = arith.constant 0 : index
    %get3A_32 = arith.constant 0 : index
    %get3A_33 = vector.load %arg6[%get3A_31, %get3A_32] : memref<1x64xf32, #tpu.memory_space<vmem>>, vector<1x64xf32>
    %add3A_34 = vector.broadcast %get3A_33 : vector<1x64xf32> to vector<1024x64xf32>
    %add3A_35 = arith.addf %dot_general3A_30, %add3A_34 : vector<1024x64xf32>
    %swap3A_36 = arith.constant 0 : index
    %swap3A_37 = arith.constant 0 : index
    %swap3A_38 = vector.load %arg8[%swap3A_36, %swap3A_37] : memref<1024x64xf32, #tpu.memory_space<vmem>>, vector<1024x64xf32>
    tpu.vector_store %arg8[%swap3A_36, %swap3A_37], %add3A_35 {strides = array<i32>} : memref<1024x64xf32, #tpu.memory_space<vmem>>, vector<1024x64xf32>,
    %get3A_39 = arith.constant 0 : index
    %get3A_40 = arith.constant 0 : index
    %get3A_41 = vector.load %arg3[%get3A_39, %get3A_40] : memref<1x1024xf32, #tpu.memory_space<vmem>>, vector<1x1024xf32>
    %iota3A = tpu.iota {dimensions = array<i32: 0>} : vector<128x1xi32>
    %convert_element_type3A = arith.sitofp %iota3A : vector<128x1xi32> to vector<128x1xf32>
    %eq3A = vector.broadcast %convert_element_type3A : vector<128x1xf32> to vector<128x1024xf32>
    %eq3A_42 = vector.broadcast %get3A_41 : vector<1x1024xf32> to vector<128x1024xf32>
    %eq3A_43 = arith.cmpf oeq, %eq3A, %eq3A_42 : vector<128x1024xf32>
    %jit3A = arith.constant 1.000000e+00 : f32
    %jit3A_44 = arith.constant 0.000000e+00 : f32
    %broadcast_in_dim3A = vector.broadcast %jit3A : f32 to vector<128x1024xf32>
    %broadcast_in_dim3A_45 = vector.broadcast %jit3A_44 : f32 to vector<128x1024xf32>
    %select_n3A = arith.select %eq3A_43, %broadcast_in_dim3A, %broadcast_in_dim3A_45 : vector<128x1024xi1>, vector<128x1024xf32>
    %eq3A_46 = arith.constant 0 : i32
    %eq3A_47 = arith.cmpi eq, %arg0, %eq3A_46 : i32
    %convert_element_type3A_48 = arith.extui %eq3A_47 : i1 to i32
    %cond3A = arith.constant 0 : i32
    %cond3A_49 = arith.cmpi ne, %convert_element_type3A_48, %cond3A : i32
    scf.if %cond3A_49 {
      %broadcast_in_dim3A_68 = arith.constant 0.000000e+00 : f32
      %broadcast_in_dim3A_69 = vector.broadcast %broadcast_in_dim3A_68 : f32 to vector<128x64xf32>
      %swap3A_70 = arith.constant 0 : index
      %swap3A_71 = arith.constant 0 : index
      %swap3A_72 = vector.load %arg9[%swap3A_70, %swap3A_71] : memref<128x64xf32, #tpu.memory_space<vmem>>, vector<128x64xf32>
      tpu.vector_store %arg9[%swap3A_70, %swap3A_71], %broadcast_in_dim3A_69 {strides = array<i32>} : memref<128x64xf32, #tpu.memory_space<vmem>>, vector<128x64xf32>,
      %broadcast_in_dim3A_73 = arith.constant 0.000000e+00 : f32
      %broadcast_in_dim3A_74 = vector.broadcast %broadcast_in_dim3A_73 : f32 to vector<128x1xf32>
      %swap3A_75 = arith.constant 0 : index
      %swap3A_76 = arith.constant 0 : index
      %swap3A_77 = vector.load %arg10[%swap3A_75, %swap3A_76] : memref<128x1xf32, #tpu.memory_space<vmem>>, vector<128x1xf32>
      tpu.vector_store %arg10[%swap3A_75, %swap3A_76], %broadcast_in_dim3A_74 {strides = array<i32>} : memref<128x1xf32, #tpu.memory_space<vmem>>, vector<128x1xf32>,
    } else {
    }
    %get3A_50 = arith.constant 0 : index
    %get3A_51 = arith.constant 0 : index
    %get3A_52 = vector.load %arg9[%get3A_50, %get3A_51] : memref<128x64xf32, #tpu.memory_space<vmem>>, vector<128x64xf32>
    %dot_general3A_53 = arith.constant dense<0.000000e+00> : vector<128x64xf32>
    %dot_general3A_54 = tpu.matmul %select_n3A, %max3A_19, %dot_general3A_53 {dimension_numbers = #tpu.dot_dimension_numbers<[1], [0], [0], [1], [0, 0, 1, 1], [], []>, transpose_lhs_hint = false} : vector<128x1024xf32>, vector<1024x64xf32>, vector<128x64xf32> -> vector<128x64xf32>
    %add3A_55 = arith.addf %get3A_52, %dot_general3A_54 : vector<128x64xf32>
    %swap3A_56 = arith.constant 0 : index
    %swap3A_57 = arith.constant 0 : index
    %swap3A_58 = vector.load %arg9[%swap3A_56, %swap3A_57] : memref<128x64xf32, #tpu.memory_space<vmem>>, vector<128x64xf32>
    tpu.vector_store %arg9[%swap3A_56, %swap3A_57], %add3A_55 {strides = array<i32>} : memref<128x64xf32, #tpu.memory_space<vmem>>, vector<128x64xf32>,
    %get3A_59 = arith.constant 0 : index
    %get3A_60 = arith.constant 0 : index
    %get3A_61 = vector.load %arg10[%get3A_59, %get3A_60] : memref<128x1xf32, #tpu.memory_space<vmem>>, vector<128x1xf32>
    %reduce_sum3A = arith.constant dense<0.000000e+00> : vector<128xf32>
    %reduce_sum3A_62 = vector.multi_reduction <add>, %select_n3A, %reduce_sum3A [1] : vector<128x1024xf32> to vector<128xf32>
    %broadcast_in_dim3A_63 = vector.shape_cast %reduce_sum3A_62 : vector<128xf32> to vector<128x1xf32>
    %add3A_64 = arith.addf %get3A_61, %broadcast_in_dim3A_63 : vector<128x1xf32>
    %swap3A_65 = arith.constant 0 : index
    %swap3A_66 = arith.constant 0 : index
    %swap3A_67 = vector.load %arg10[%swap3A_65, %swap3A_66] : memref<128x1xf32, #tpu.memory_space<vmem>>, vector<128x1xf32>
    tpu.vector_store %arg10[%swap3A_65, %swap3A_66], %add3A_64 {strides = array<i32>} : memref<128x1xf32, #tpu.memory_space<vmem>>, vector<128x1xf32>,
    return
  }
  func.func @transform_0(%arg0: i32) -> (i32, i32, i32) {
    %c0_i32 = arith.constant 0 : i32
    %c0_i32_0 = arith.constant 0 : i32
    %c0_i32_1 = arith.constant 0 : i32
    return %c0_i32, %arg0, %c0_i32_0 : i32, i32, i32
  }
  func.func @transform_1(%arg0: i32) -> (i32, i32) {
    %c0_i32 = arith.constant 0 : i32
    %c0_i32_0 = arith.constant 0 : i32
    return %arg0, %c0_i32 : i32, i32
  }
  func.func @transform_2(%arg0: i32) -> (i32, i32) {
    %c0_i32 = arith.constant 0 : i32
    %c0_i32_0 = arith.constant 0 : i32
    return %c0_i32, %arg0 : i32, i32
  }
  func.func @transform_3(%arg0: i32) -> (i32, i32) {
    %c0_i32 = arith.constant 0 : i32
    %c0_i32_0 = arith.constant 0 : i32
    %c0_i32_1 = arith.constant 0 : i32
    return %c0_i32, %c0_i32_0 : i32, i32
  }
  func.func @transform_4(%arg0: i32) -> (i32, i32) {
    %c0_i32 = arith.constant 0 : i32
    %c0_i32_0 = arith.constant 0 : i32
    %c0_i32_1 = arith.constant 0 : i32
    return %c0_i32, %c0_i32_0 : i32, i32
  }
  func.func @transform_5(%arg0: i32) -> (i32, i32) {
    %c0_i32 = arith.constant 0 : i32
    %c0_i32_0 = arith.constant 0 : i32
    %c0_i32_1 = arith.constant 0 : i32
    return %c0_i32, %c0_i32_0 : i32, i32
  }
  func.func @transform_6(%arg0: i32) -> (i32, i32) {
    %c0_i32 = arith.constant 0 : i32
    %c0_i32_0 = arith.constant 0 : i32
    return %arg0, %c0_i32 : i32, i32
  }
  func.func @transform_7(%arg0: i32) -> (i32, i32) {
    %c0_i32 = arith.constant 0 : i32
    %c0_i32_0 = arith.constant 0 : i32
    return %arg0, %c0_i32 : i32, i32
  }
  func.func @transform_8(%arg0: i32) -> (i32, i32) {
    %c0_i32 = arith.constant 0 : i32
    %c0_i32_0 = arith.constant 0 : i32
    %c0_i32_1 = arith.constant 0 : i32
    return %c0_i32, %c0_i32_0 : i32, i32
  }
  func.func @transform_9(%arg0: i32) -> (i32, i32) {
    %c0_i32 = arith.constant 0 : i32
    %c0_i32_0 = arith.constant 0 : i32
    %c0_i32_1 = arith.constant 0 : i32
    return %c0_i32, %c0_i32_0 : i32, i32
  }
}

module attributes {stable_mosaic.version = 14 : i64} {
  func.func @body(%arg0: i32, %arg1: i32, %arg2: memref<1024x1xf32, #tpu.memory_space<vmem>>, %arg3: memref<1024x1xf32, #tpu.memory_space<vmem>>, %arg4: memref<1x2048xf32, #tpu.memory_space<vmem>>, %arg5: memref<1x2048xf32, #tpu.memory_space<vmem>>, %arg6: memref<1024x1xf32, #tpu.memory_space<vmem>>) attributes {dimension_semantics = [#tpu.dimension_semantics<arbitrary>, #tpu.dimension_semantics<arbitrary>], iteration_bounds = array<i64: 10, 5>, scalar_prefetch = 0 : i64, scratch_operands = 0 : i64, tpu.core_type = #tpu.core_type<tc>, window_params = [{transform_indices = @transform_0, window_bounds = array<i64: 1024, 1>}, {transform_indices = @transform_1, window_bounds = array<i64: 1024, 1>}, {transform_indices = @transform_2, window_bounds = array<i64: 1, 2048>}, {transform_indices = @transform_3, window_bounds = array<i64: 1, 2048>}, {transform_indices = @transform_4, window_bounds = array<i64: 1024, 1>}]} {
    %eq3A = arith.constant 0 : i32
    %eq3A_0 = arith.cmpi eq, %arg1, %eq3A : i32
    %convert_element_type3A = arith.extui %eq3A_0 : i1 to i32
    %cond3A = arith.constant 0 : i32
    %cond3A_1 = arith.cmpi ne, %convert_element_type3A, %cond3A : i32
    scf.if %cond3A_1 {
      %broadcast_in_dim3A = arith.constant 0.000000e+00 : f32
      %broadcast_in_dim3A_16 = vector.broadcast %broadcast_in_dim3A : f32 to vector<1024x1xf32>
      %swap3A = arith.constant 0 : index
      %swap3A_17 = arith.constant 0 : index
      %swap3A_18 = vector.load %arg6[%swap3A, %swap3A_17] : memref<1024x1xf32, #tpu.memory_space<vmem>>, vector<1024x1xf32>
      tpu.vector_store %arg6[%swap3A, %swap3A_17], %broadcast_in_dim3A_16 {strides = array<i32>} : memref<1024x1xf32, #tpu.memory_space<vmem>>, vector<1024x1xf32>,
    } else {
    }
    %get3A = arith.constant 0 : index
    %get3A_2 = arith.constant 0 : index
    %get3A_3 = vector.load %arg3[%get3A, %get3A_2] : memref<1024x1xf32, #tpu.memory_space<vmem>>, vector<1024x1xf32>
    %get3A_4 = arith.constant 0 : index
    %get3A_5 = arith.constant 0 : index
    %get3A_6 = vector.load %arg5[%get3A_4, %get3A_5] : memref<1x2048xf32, #tpu.memory_space<vmem>>, vector<1x2048xf32>
    %slice3A = vector.extract_strided_slice %get3A_6 {offsets = [0, 0], sizes = [1, 1], strides = [1, 1]} : vector<1x2048xf32> to vector<1x1xf32>
    %squeeze3A = vector.extract %slice3A[0, 0] : f32 from vector<1x1xf32>
    %slice3A_7 = vector.extract_strided_slice %get3A_3 {offsets = [1023, 0], sizes = [1, 1], strides = [1, 1]} : vector<1024x1xf32> to vector<1x1xf32>
    %squeeze3A_8 = vector.extract %slice3A_7[0, 0] : f32 from vector<1x1xf32>
    %le3A = arith.cmpf ole, %squeeze3A, %squeeze3A_8 : f32
    %slice3A_9 = vector.extract_strided_slice %get3A_6 {offsets = [0, 2047], sizes = [1, 1], strides = [1, 1]} : vector<1x2048xf32> to vector<1x1xf32>
    %squeeze3A_10 = vector.extract %slice3A_9[0, 0] : f32 from vector<1x1xf32>
    %slice3A_11 = vector.extract_strided_slice %get3A_3 {offsets = [0, 0], sizes = [1, 1], strides = [1, 1]} : vector<1024x1xf32> to vector<1x1xf32>
    %squeeze3A_12 = vector.extract %slice3A_11[0, 0] : f32 from vector<1x1xf32>
    %ge3A = arith.cmpf oge, %squeeze3A_10, %squeeze3A_12 : f32
    %and3A = arith.andi %le3A, %ge3A : i1
    %convert_element_type3A_13 = arith.extui %and3A : i1 to i32
    %cond3A_14 = arith.constant 0 : i32
    %cond3A_15 = arith.cmpi ne, %convert_element_type3A_13, %cond3A_14 : i32
    scf.if %cond3A_15 {
      %get3A_16 = arith.constant 0 : index
      %get3A_17 = arith.constant 0 : index
      %get3A_18 = vector.load %arg2[%get3A_16, %get3A_17] : memref<1024x1xf32, #tpu.memory_space<vmem>>, vector<1024x1xf32>
      %get3A_19 = arith.constant 0 : index
      %get3A_20 = arith.constant 0 : index
      %get3A_21 = vector.load %arg4[%get3A_19, %get3A_20] : memref<1x2048xf32, #tpu.memory_space<vmem>>, vector<1x2048xf32>
      %eq3A_22 = vector.broadcast %get3A_3 : vector<1024x1xf32> to vector<1024x2048xf32>
      %eq3A_23 = vector.broadcast %get3A_6 : vector<1x2048xf32> to vector<1024x2048xf32>
      %eq3A_24 = arith.cmpf oeq, %eq3A_22, %eq3A_23 : vector<1024x2048xf32>
      %mul3A = arith.constant 1024 : i32
      %mul3A_25 = arith.muli %arg0, %mul3A : i32
      %iota3A = tpu.iota {dimensions = array<i32: 0>} : vector<1024x1xi32>
      %add3A = vector.broadcast %mul3A_25 : i32 to vector<1024x1xi32>
      %add3A_26 = arith.addi %add3A, %iota3A : vector<1024x1xi32>
      %convert_element_type3A_27 = arith.sitofp %add3A_26 : vector<1024x1xi32> to vector<1024x1xf32>
      %mul3A_28 = arith.constant 2048 : i32
      %mul3A_29 = arith.muli %arg1, %mul3A_28 : i32
      %iota3A_30 = tpu.iota {dimensions = array<i32: 1>} : vector<1x2048xi32>
      %add3A_31 = vector.broadcast %mul3A_29 : i32 to vector<1x2048xi32>
      %add3A_32 = arith.addi %add3A_31, %iota3A_30 : vector<1x2048xi32>
      %convert_element_type3A_33 = arith.sitofp %add3A_32 : vector<1x2048xi32> to vector<1x2048xf32>
      %gt3A = vector.broadcast %get3A_21 : vector<1x2048xf32> to vector<1024x2048xf32>
      %gt3A_34 = vector.broadcast %get3A_18 : vector<1024x1xf32> to vector<1024x2048xf32>
      %gt3A_35 = arith.cmpf ogt, %gt3A, %gt3A_34 : vector<1024x2048xf32>
      %eq3A_36 = vector.broadcast %get3A_21 : vector<1x2048xf32> to vector<1024x2048xf32>
      %eq3A_37 = vector.broadcast %get3A_18 : vector<1024x1xf32> to vector<1024x2048xf32>
      %eq3A_38 = arith.cmpf oeq, %eq3A_36, %eq3A_37 : vector<1024x2048xf32>
      %lt3A = vector.broadcast %convert_element_type3A_33 : vector<1x2048xf32> to vector<1024x2048xf32>
      %lt3A_39 = vector.broadcast %convert_element_type3A_27 : vector<1024x1xf32> to vector<1024x2048xf32>
      %lt3A_40 = arith.cmpf olt, %lt3A, %lt3A_39 : vector<1024x2048xf32>
      %and3A_41 = arith.andi %eq3A_38, %lt3A_40 : vector<1024x2048xi1>
      %or3A = arith.ori %gt3A_35, %and3A_41 : vector<1024x2048xi1>
      %and3A_42 = arith.andi %eq3A_24, %or3A : vector<1024x2048xi1>
      %jit3A = arith.constant 1.000000e+00 : f32
      %jit3A_43 = arith.constant 0.000000e+00 : f32
      %broadcast_in_dim3A = vector.broadcast %jit3A : f32 to vector<1024x2048xf32>
      %broadcast_in_dim3A_44 = vector.broadcast %jit3A_43 : f32 to vector<1024x2048xf32>
      %select_n3A = arith.select %and3A_42, %broadcast_in_dim3A, %broadcast_in_dim3A_44 : vector<1024x2048xi1>, vector<1024x2048xf32>
      %get3A_45 = arith.constant 0 : index
      %get3A_46 = arith.constant 0 : index
      %get3A_47 = vector.load %arg6[%get3A_45, %get3A_46] : memref<1024x1xf32, #tpu.memory_space<vmem>>, vector<1024x1xf32>
      %reduce_sum3A = arith.constant dense<0.000000e+00> : vector<1024xf32>
      %reduce_sum3A_48 = vector.multi_reduction <add>, %select_n3A, %reduce_sum3A [1] : vector<1024x2048xf32> to vector<1024xf32>
      %broadcast_in_dim3A_49 = vector.shape_cast %reduce_sum3A_48 : vector<1024xf32> to vector<1024x1xf32>
      %add3A_50 = arith.addf %get3A_47, %broadcast_in_dim3A_49 : vector<1024x1xf32>
      %swap3A = arith.constant 0 : index
      %swap3A_51 = arith.constant 0 : index
      %swap3A_52 = vector.load %arg6[%swap3A, %swap3A_51] : memref<1024x1xf32, #tpu.memory_space<vmem>>, vector<1024x1xf32>
      tpu.vector_store %arg6[%swap3A, %swap3A_51], %add3A_50 {strides = array<i32>} : memref<1024x1xf32, #tpu.memory_space<vmem>>, vector<1024x1xf32>,
    } else {
    }
    return
  }
  func.func @transform_0(%arg0: i32, %arg1: i32) -> (i32, i32) {
    %c0_i32 = arith.constant 0 : i32
    %c0_i32_0 = arith.constant 0 : i32
    return %arg0, %c0_i32 : i32, i32
  }
  func.func @transform_1(%arg0: i32, %arg1: i32) -> (i32, i32) {
    %c0_i32 = arith.constant 0 : i32
    %c0_i32_0 = arith.constant 0 : i32
    return %arg0, %c0_i32 : i32, i32
  }
  func.func @transform_2(%arg0: i32, %arg1: i32) -> (i32, i32) {
    %c0_i32 = arith.constant 0 : i32
    %c0_i32_0 = arith.constant 0 : i32
    return %c0_i32, %arg1 : i32, i32
  }
  func.func @transform_3(%arg0: i32, %arg1: i32) -> (i32, i32) {
    %c0_i32 = arith.constant 0 : i32
    %c0_i32_0 = arith.constant 0 : i32
    return %c0_i32, %arg1 : i32, i32
  }
  func.func @transform_4(%arg0: i32, %arg1: i32) -> (i32, i32) {
    %c0_i32 = arith.constant 0 : i32
    %c0_i32_0 = arith.constant 0 : i32
    return %arg0, %c0_i32 : i32, i32
  }
}

module attributes {stable_mosaic.version = 14 : i64} {
  func.func @body(%arg0: i32, %arg1: memref<2x1024x64xf32, #tpu.memory_space<vmem>>, %arg2: memref<2x1024x80xf32, #tpu.memory_space<vmem>>, %arg3: memref<1024x64xf32, #tpu.memory_space<vmem>>, %arg4: memref<1x1024xf32, #tpu.memory_space<vmem>>, %arg5: memref<1x64xf32, #tpu.memory_space<vmem>>, %arg6: memref<1024x64xf32, #tpu.memory_space<vmem>>, %arg7: memref<1024x1xf32, #tpu.memory_space<vmem>>, %arg8: memref<128x64xf32, #tpu.memory_space<vmem>>) attributes {dimension_semantics = [#tpu.dimension_semantics<arbitrary>], iteration_bounds = array<i64: 10>, scalar_prefetch = 0 : i64, scratch_operands = 0 : i64, tpu.core_type = #tpu.core_type<tc>, window_params = [{transform_indices = @transform_0, window_bounds = array<i64: 2, 1024, 64>}, {transform_indices = @transform_1, window_bounds = array<i64: 2, 1024, 80>}, {transform_indices = @transform_2, window_bounds = array<i64: 1024, 64>}, {transform_indices = @transform_3, window_bounds = array<i64: 1, 1024>}, {pipeline_mode = #tpu.pipeline_mode<synchronous>, transform_indices = @transform_4, window_bounds = array<i64: 1, 64>}, {transform_indices = @transform_5, window_bounds = array<i64: 1024, 64>}, {transform_indices = @transform_6, window_bounds = array<i64: 1024, 1>}, {pipeline_mode = #tpu.pipeline_mode<synchronous>, transform_indices = @transform_7, window_bounds = array<i64: 128, 64>}]} {
    %get3A = arith.constant 0 : index
    %get3A_0 = arith.constant 0 : index
    %get3A_1 = arith.constant 0 : index
    %get3A_2 = vector.load %arg1[%get3A, %get3A_0, %get3A_1] : memref<2x1024x64xf32, #tpu.memory_space<vmem>>, vector<1x1024x64xf32>
    %get3A_3 = vector.shape_cast %get3A_2 : vector<1x1024x64xf32> to vector<1024x64xf32>
    %get3A_4 = arith.constant 1 : index
    %get3A_5 = arith.constant 0 : index
    %get3A_6 = arith.constant 0 : index
    %get3A_7 = vector.load %arg1[%get3A_4, %get3A_5, %get3A_6] : memref<2x1024x64xf32, #tpu.memory_space<vmem>>, vector<1x1024x64xf32>
    %get3A_8 = vector.shape_cast %get3A_7 : vector<1x1024x64xf32> to vector<1024x64xf32>
    %add3A = arith.addf %get3A_3, %get3A_8 : vector<1024x64xf32>
    %get3A_9 = arith.constant 0 : index
    %get3A_10 = arith.constant 0 : index
    %get3A_11 = arith.constant 0 : index
    %get3A_12 = vector.load %arg2[%get3A_9, %get3A_10, %get3A_11] : memref<2x1024x80xf32, #tpu.memory_space<vmem>>, vector<1x1024x80xf32>
    %get3A_13 = vector.shape_cast %get3A_12 : vector<1x1024x80xf32> to vector<1024x80xf32>
    %slice3A = vector.extract_strided_slice %get3A_13 {offsets = [0, 64], sizes = [1024, 1], strides = [1, 1]} : vector<1024x80xf32> to vector<1024x1xf32>
    %get3A_14 = arith.constant 1 : index
    %get3A_15 = arith.constant 0 : index
    %get3A_16 = arith.constant 0 : index
    %get3A_17 = vector.load %arg2[%get3A_14, %get3A_15, %get3A_16] : memref<2x1024x80xf32, #tpu.memory_space<vmem>>, vector<1x1024x80xf32>
    %get3A_18 = vector.shape_cast %get3A_17 : vector<1x1024x80xf32> to vector<1024x80xf32>
    %slice3A_19 = vector.extract_strided_slice %get3A_18 {offsets = [0, 64], sizes = [1024, 1], strides = [1, 1]} : vector<1024x80xf32> to vector<1024x1xf32>
    %add3A_20 = arith.addf %slice3A, %slice3A_19 : vector<1024x1xf32>
    %max3A = arith.constant 1.000000e+00 : f32
    %max3A_21 = vector.broadcast %max3A : f32 to vector<1024x1xf32>
    %max3A_22 = arith.maximumf %add3A_20, %max3A_21 : vector<1024x1xf32>
    %div3A = vector.broadcast %max3A_22 : vector<1024x1xf32> to vector<1024x64xf32>
    %div3A_23 = arith.divf %add3A, %div3A : vector<1024x64xf32>
    %get3A_24 = arith.constant 0 : index
    %get3A_25 = arith.constant 0 : index
    %get3A_26 = vector.load %arg3[%get3A_24, %get3A_25] : memref<1024x64xf32, #tpu.memory_space<vmem>>, vector<1024x64xf32>
    %add3A_27 = arith.addf %div3A_23, %get3A_26 : vector<1024x64xf32>
    %max3A_28 = arith.constant 0.000000e+00 : f32
    %max3A_29 = vector.broadcast %max3A_28 : f32 to vector<1024x64xf32>
    %max3A_30 = arith.maximumf %add3A_27, %max3A_29 : vector<1024x64xf32>
    %swap3A = arith.constant 0 : index
    %swap3A_31 = arith.constant 0 : index
    %swap3A_32 = vector.load %arg6[%swap3A, %swap3A_31] : memref<1024x64xf32, #tpu.memory_space<vmem>>, vector<1024x64xf32>
    tpu.vector_store %arg6[%swap3A, %swap3A_31], %max3A_30 {strides = array<i32>} : memref<1024x64xf32, #tpu.memory_space<vmem>>, vector<1024x64xf32>,
    %get3A_33 = arith.constant 0 : index
    %get3A_34 = arith.constant 0 : index
    %get3A_35 = vector.load %arg5[%get3A_33, %get3A_34] : memref<1x64xf32, #tpu.memory_space<vmem>>, vector<1x64xf32>
    %mul3A = arith.mulf %get3A_35, %get3A_35 : vector<1x64xf32>
    %reduce_sum3A = vector.shape_cast %mul3A : vector<1x64xf32> to vector<1x1x64xf32>
    %reduce_sum3A_36 = arith.constant dense<0.000000e+00> : vector<1xf32>
    %reduce_sum3A_37 = vector.multi_reduction <add>, %reduce_sum3A, %reduce_sum3A_36 [1, 2] : vector<1x1x64xf32> to vector<1xf32>
    %reduce_sum3A_38 = vector.shape_cast %reduce_sum3A_37 : vector<1xf32> to vector<1x1x1xf32>
    %reduce_sum3A_39 = vector.extract %reduce_sum3A_38[0, 0, 0] : f32 from vector<1x1x1xf32>
    %sqrt3A = math.sqrt %reduce_sum3A_39 : f32
    %mul3A_40 = vector.broadcast %get3A_35 : vector<1x64xf32> to vector<1024x64xf32>
    %mul3A_41 = arith.mulf %max3A_30, %mul3A_40 : vector<1024x64xf32>
    %reduce_sum3A_42 = arith.constant dense<0.000000e+00> : vector<1024xf32>
    %reduce_sum3A_43 = vector.multi_reduction <add>, %mul3A_41, %reduce_sum3A_42 [1] : vector<1024x64xf32> to vector<1024xf32>
    %broadcast_in_dim3A = vector.shape_cast %reduce_sum3A_43 : vector<1024xf32> to vector<1024x1xf32>
    %div3A_44 = vector.broadcast %sqrt3A : f32 to vector<1024x1xf32>
    %div3A_45 = arith.divf %broadcast_in_dim3A, %div3A_44 : vector<1024x1xf32>
    %swap3A_46 = arith.constant 0 : index
    %swap3A_47 = arith.constant 0 : index
    %swap3A_48 = vector.load %arg7[%swap3A_46, %swap3A_47] : memref<1024x1xf32, #tpu.memory_space<vmem>>, vector<1024x1xf32>
    tpu.vector_store %arg7[%swap3A_46, %swap3A_47], %div3A_45 {strides = array<i32>} : memref<1024x1xf32, #tpu.memory_space<vmem>>, vector<1024x1xf32>,
    %get3A_49 = arith.constant 0 : index
    %get3A_50 = arith.constant 0 : index
    %get3A_51 = vector.load %arg4[%get3A_49, %get3A_50] : memref<1x1024xf32, #tpu.memory_space<vmem>>, vector<1x1024xf32>
    %iota3A = tpu.iota {dimensions = array<i32: 0>} : vector<128x1xi32>
    %convert_element_type3A = arith.sitofp %iota3A : vector<128x1xi32> to vector<128x1xf32>
    %eq3A = vector.broadcast %convert_element_type3A : vector<128x1xf32> to vector<128x1024xf32>
    %eq3A_52 = vector.broadcast %get3A_51 : vector<1x1024xf32> to vector<128x1024xf32>
    %eq3A_53 = arith.cmpf oeq, %eq3A, %eq3A_52 : vector<128x1024xf32>
    %jit3A = arith.constant 1.000000e+00 : f32
    %jit3A_54 = arith.constant 0.000000e+00 : f32
    %broadcast_in_dim3A_55 = vector.broadcast %jit3A : f32 to vector<128x1024xf32>
    %broadcast_in_dim3A_56 = vector.broadcast %jit3A_54 : f32 to vector<128x1024xf32>
    %select_n3A = arith.select %eq3A_53, %broadcast_in_dim3A_55, %broadcast_in_dim3A_56 : vector<128x1024xi1>, vector<128x1024xf32>
    %eq3A_57 = arith.constant 0 : i32
    %eq3A_58 = arith.cmpi eq, %arg0, %eq3A_57 : i32
    %convert_element_type3A_59 = arith.extui %eq3A_58 : i1 to i32
    %cond3A = arith.constant 0 : i32
    %cond3A_60 = arith.cmpi ne, %convert_element_type3A_59, %cond3A : i32
    scf.if %cond3A_60 {
      %broadcast_in_dim3A_69 = arith.constant 0.000000e+00 : f32
      %broadcast_in_dim3A_70 = vector.broadcast %broadcast_in_dim3A_69 : f32 to vector<128x64xf32>
      %swap3A_71 = arith.constant 0 : index
      %swap3A_72 = arith.constant 0 : index
      %swap3A_73 = vector.load %arg8[%swap3A_71, %swap3A_72] : memref<128x64xf32, #tpu.memory_space<vmem>>, vector<128x64xf32>
      tpu.vector_store %arg8[%swap3A_71, %swap3A_72], %broadcast_in_dim3A_70 {strides = array<i32>} : memref<128x64xf32, #tpu.memory_space<vmem>>, vector<128x64xf32>,
    } else {
    }
    %get3A_61 = arith.constant 0 : index
    %get3A_62 = arith.constant 0 : index
    %get3A_63 = vector.load %arg8[%get3A_61, %get3A_62] : memref<128x64xf32, #tpu.memory_space<vmem>>, vector<128x64xf32>
    %dot_general3A = arith.constant dense<0.000000e+00> : vector<128x64xf32>
    %dot_general3A_64 = tpu.matmul %select_n3A, %max3A_30, %dot_general3A {dimension_numbers = #tpu.dot_dimension_numbers<[1], [0], [0], [1], [0, 0, 1, 1], [], []>, transpose_lhs_hint = false} : vector<128x1024xf32>, vector<1024x64xf32>, vector<128x64xf32> -> vector<128x64xf32>
    %add3A_65 = arith.addf %get3A_63, %dot_general3A_64 : vector<128x64xf32>
    %swap3A_66 = arith.constant 0 : index
    %swap3A_67 = arith.constant 0 : index
    %swap3A_68 = vector.load %arg8[%swap3A_66, %swap3A_67] : memref<128x64xf32, #tpu.memory_space<vmem>>, vector<128x64xf32>
    tpu.vector_store %arg8[%swap3A_66, %swap3A_67], %add3A_65 {strides = array<i32>} : memref<128x64xf32, #tpu.memory_space<vmem>>, vector<128x64xf32>,
    return
  }
  func.func @transform_0(%arg0: i32) -> (i32, i32, i32) {
    %c0_i32 = arith.constant 0 : i32
    %c0_i32_0 = arith.constant 0 : i32
    %c0_i32_1 = arith.constant 0 : i32
    return %c0_i32, %arg0, %c0_i32_0 : i32, i32, i32
  }
  func.func @transform_1(%arg0: i32) -> (i32, i32, i32) {
    %c0_i32 = arith.constant 0 : i32
    %c0_i32_0 = arith.constant 0 : i32
    %c0_i32_1 = arith.constant 0 : i32
    return %c0_i32, %arg0, %c0_i32_0 : i32, i32, i32
  }
  func.func @transform_2(%arg0: i32) -> (i32, i32) {
    %c0_i32 = arith.constant 0 : i32
    %c0_i32_0 = arith.constant 0 : i32
    return %arg0, %c0_i32 : i32, i32
  }
  func.func @transform_3(%arg0: i32) -> (i32, i32) {
    %c0_i32 = arith.constant 0 : i32
    %c0_i32_0 = arith.constant 0 : i32
    return %c0_i32, %arg0 : i32, i32
  }
  func.func @transform_4(%arg0: i32) -> (i32, i32) {
    %c0_i32 = arith.constant 0 : i32
    %c0_i32_0 = arith.constant 0 : i32
    %c0_i32_1 = arith.constant 0 : i32
    return %c0_i32, %c0_i32_0 : i32, i32
  }
  func.func @transform_5(%arg0: i32) -> (i32, i32) {
    %c0_i32 = arith.constant 0 : i32
    %c0_i32_0 = arith.constant 0 : i32
    return %arg0, %c0_i32 : i32, i32
  }
  func.func @transform_6(%arg0: i32) -> (i32, i32) {
    %c0_i32 = arith.constant 0 : i32
    %c0_i32_0 = arith.constant 0 : i32
    return %arg0, %c0_i32 : i32, i32
  }
  func.func @transform_7(%arg0: i32) -> (i32, i32) {
    %c0_i32 = arith.constant 0 : i32
    %c0_i32_0 = arith.constant 0 : i32
    %c0_i32_1 = arith.constant 0 : i32
    return %c0_i32, %c0_i32_0 : i32, i32
  }
}

module attributes {stable_mosaic.version = 14 : i64} {
  func.func @body(%arg0: i32, %arg1: memref<1024x64xf32, #tpu.memory_space<vmem>>, %arg2: memref<1024x1xf32, #tpu.memory_space<vmem>>, %arg3: memref<1024x1xf32, #tpu.memory_space<vmem>>, %arg4: memref<1x128xf32, #tpu.memory_space<vmem>>, %arg5: memref<1024x1xf32, #tpu.memory_space<vmem>>, %arg6: memref<64x64xf32, #tpu.memory_space<vmem>>, %arg7: memref<64x64xf32, #tpu.memory_space<vmem>>, %arg8: memref<1x64xf32, #tpu.memory_space<vmem>>, %arg9: memref<1024x80xf32, #tpu.memory_space<vmem>>, %arg10: memref<1024x64xf32, #tpu.memory_space<vmem>>, %arg11: memref<1024x1xf32, #tpu.memory_space<vmem>>) attributes {dimension_semantics = [#tpu.dimension_semantics<arbitrary>], iteration_bounds = array<i64: 10>, scalar_prefetch = 0 : i64, scratch_operands = 0 : i64, tpu.core_type = #tpu.core_type<tc>, window_params = [{transform_indices = @transform_0, window_bounds = array<i64: 1024, 64>}, {transform_indices = @transform_1, window_bounds = array<i64: 1024, 1>}, {transform_indices = @transform_2, window_bounds = array<i64: 1024, 1>}, {pipeline_mode = #tpu.pipeline_mode<synchronous>, transform_indices = @transform_3, window_bounds = array<i64: 1, 128>}, {transform_indices = @transform_4, window_bounds = array<i64: 1024, 1>}, {pipeline_mode = #tpu.pipeline_mode<synchronous>, transform_indices = @transform_5, window_bounds = array<i64: 64, 64>}, {pipeline_mode = #tpu.pipeline_mode<synchronous>, transform_indices = @transform_6, window_bounds = array<i64: 64, 64>}, {pipeline_mode = #tpu.pipeline_mode<synchronous>, transform_indices = @transform_7, window_bounds = array<i64: 1, 64>}, {transform_indices = @transform_8, window_bounds = array<i64: 1024, 80>}, {transform_indices = @transform_9, window_bounds = array<i64: 1024, 64>}, {transform_indices = @transform_10, window_bounds = array<i64: 1024, 1>}]} {
    %iota3A = tpu.iota {dimensions = array<i32: 1>} : vector<1x128xi32>
    %convert_element_type3A = arith.sitofp %iota3A : vector<1x128xi32> to vector<1x128xf32>
    %get3A = arith.constant 0 : index
    %get3A_0 = arith.constant 0 : index
    %get3A_1 = vector.load %arg5[%get3A, %get3A_0] : memref<1024x1xf32, #tpu.memory_space<vmem>>, vector<1024x1xf32>
    %eq3A = vector.broadcast %get3A_1 : vector<1024x1xf32> to vector<1024x128xf32>
    %eq3A_2 = vector.broadcast %convert_element_type3A : vector<1x128xf32> to vector<1024x128xf32>
    %eq3A_3 = arith.cmpf oeq, %eq3A, %eq3A_2 : vector<1024x128xf32>
    %jit3A = arith.constant 1.000000e+00 : f32
    %jit3A_4 = arith.constant 0.000000e+00 : f32
    %broadcast_in_dim3A = vector.broadcast %jit3A : f32 to vector<1024x128xf32>
    %broadcast_in_dim3A_5 = vector.broadcast %jit3A_4 : f32 to vector<1024x128xf32>
    %select_n3A = arith.select %eq3A_3, %broadcast_in_dim3A, %broadcast_in_dim3A_5 : vector<1024x128xi1>, vector<1024x128xf32>
    %get3A_6 = arith.constant 0 : index
    %get3A_7 = arith.constant 0 : index
    %get3A_8 = vector.load %arg4[%get3A_6, %get3A_7] : memref<1x128xf32, #tpu.memory_space<vmem>>, vector<1x128xf32>
    %mul3A = arith.constant 8.000000e-01 : f32
    %mul3A_9 = vector.broadcast %mul3A : f32 to vector<1x128xf32>
    %mul3A_10 = arith.mulf %mul3A_9, %get3A_8 : vector<1x128xf32>
    %ceil3A = math.ceil %mul3A_10 : vector<1x128xf32>
    %mul3A_11 = vector.broadcast %ceil3A : vector<1x128xf32> to vector<1024x128xf32>
    %mul3A_12 = arith.mulf %select_n3A, %mul3A_11 : vector<1024x128xf32>
    %reduce_sum3A = arith.constant dense<0.000000e+00> : vector<1024xf32>
    %reduce_sum3A_13 = vector.multi_reduction <add>, %mul3A_12, %reduce_sum3A [1] : vector<1024x128xf32> to vector<1024xf32>
    %broadcast_in_dim3A_14 = vector.shape_cast %reduce_sum3A_13 : vector<1024xf32> to vector<1024x1xf32>
    %get3A_15 = arith.constant 0 : index
    %get3A_16 = arith.constant 0 : index
    %get3A_17 = vector.load %arg3[%get3A_15, %get3A_16] : memref<1024x1xf32, #tpu.memory_space<vmem>>, vector<1024x1xf32>
    %lt3A = arith.cmpf olt, %get3A_17, %broadcast_in_dim3A_14 : vector<1024x1xf32>
    %jit3A_18 = arith.constant 1.000000e+00 : f32
    %jit3A_19 = arith.constant 0.000000e+00 : f32
    %broadcast_in_dim3A_20 = vector.broadcast %jit3A_18 : f32 to vector<1024x1xf32>
    %broadcast_in_dim3A_21 = vector.broadcast %jit3A_19 : f32 to vector<1024x1xf32>
    %select_n3A_22 = arith.select %lt3A, %broadcast_in_dim3A_20, %broadcast_in_dim3A_21 : vector<1024x1xi1>, vector<1024x1xf32>
    %get3A_23 = arith.constant 0 : index
    %get3A_24 = arith.constant 0 : index
    %get3A_25 = vector.load %arg1[%get3A_23, %get3A_24] : memref<1024x64xf32, #tpu.memory_space<vmem>>, vector<1024x64xf32>
    %get3A_26 = arith.constant 0 : index
    %get3A_27 = arith.constant 0 : index
    %get3A_28 = vector.load %arg2[%get3A_26, %get3A_27] : memref<1024x1xf32, #tpu.memory_space<vmem>>, vector<1024x1xf32>
    %tanh3A = math.tanh %get3A_28 : vector<1024x1xf32>
    %mul3A_29 = arith.mulf %tanh3A, %select_n3A_22 : vector<1024x1xf32>
    %mul3A_30 = vector.broadcast %mul3A_29 : vector<1024x1xf32> to vector<1024x64xf32>
    %mul3A_31 = arith.mulf %get3A_25, %mul3A_30 : vector<1024x64xf32>
    %get3A_32 = arith.constant 0 : index
    %get3A_33 = arith.constant 0 : index
    %get3A_34 = vector.load %arg6[%get3A_32, %get3A_33] : memref<64x64xf32, #tpu.memory_space<vmem>>, vector<64x64xf32>
    %dot_general3A = arith.constant dense<0.000000e+00> : vector<1024x64xf32>
    %dot_general3A_35 = tpu.matmul %mul3A_31, %get3A_34, %dot_general3A {dimension_numbers = #tpu.dot_dimension_numbers<[1], [0], [0], [1], [0, 0, 1, 1], [], []>, transpose_lhs_hint = false} : vector<1024x64xf32>, vector<64x64xf32>, vector<1024x64xf32> -> vector<1024x64xf32>
    %broadcast_in_dim3A_36 = vector.shape_cast %select_n3A_22 : vector<1024x1xf32> to vector<1024x1xf32>
    %broadcast_in_dim3A_37 = vector.broadcast %broadcast_in_dim3A_36 : vector<1024x1xf32> to vector<1024x16xf32>
    %concatenate3A = tpu.concatenate %dot_general3A_35, %broadcast_in_dim3A_37 in 1 : vector<1024x64xf32>, vector<1024x16xf32> -> vector<1024x80xf32>
    %swap3A = arith.constant 0 : index
    %swap3A_38 = arith.constant 0 : index
    %swap3A_39 = vector.load %arg9[%swap3A, %swap3A_38] : memref<1024x80xf32, #tpu.memory_space<vmem>>, vector<1024x80xf32>
    tpu.vector_store %arg9[%swap3A, %swap3A_38], %concatenate3A {strides = array<i32>} : memref<1024x80xf32, #tpu.memory_space<vmem>>, vector<1024x80xf32>,
    %get3A_40 = arith.constant 0 : index
    %get3A_41 = arith.constant 0 : index
    %get3A_42 = vector.load %arg7[%get3A_40, %get3A_41] : memref<64x64xf32, #tpu.memory_space<vmem>>, vector<64x64xf32>
    %dot_general3A_43 = arith.constant dense<0.000000e+00> : vector<1024x64xf32>
    %dot_general3A_44 = tpu.matmul %mul3A_31, %get3A_42, %dot_general3A_43 {dimension_numbers = #tpu.dot_dimension_numbers<[1], [0], [0], [1], [0, 0, 1, 1], [], []>, transpose_lhs_hint = false} : vector<1024x64xf32>, vector<64x64xf32>, vector<1024x64xf32> -> vector<1024x64xf32>
    %get3A_45 = arith.constant 0 : index
    %get3A_46 = arith.constant 0 : index
    %get3A_47 = vector.load %arg8[%get3A_45, %get3A_46] : memref<1x64xf32, #tpu.memory_space<vmem>>, vector<1x64xf32>
    %add3A = vector.broadcast %get3A_47 : vector<1x64xf32> to vector<1024x64xf32>
    %add3A_48 = arith.addf %dot_general3A_44, %add3A : vector<1024x64xf32>
    %swap3A_49 = arith.constant 0 : index
    %swap3A_50 = arith.constant 0 : index
    %swap3A_51 = vector.load %arg10[%swap3A_49, %swap3A_50] : memref<1024x64xf32, #tpu.memory_space<vmem>>, vector<1024x64xf32>
    tpu.vector_store %arg10[%swap3A_49, %swap3A_50], %add3A_48 {strides = array<i32>} : memref<1024x64xf32, #tpu.memory_space<vmem>>, vector<1024x64xf32>,
    %swap3A_52 = arith.constant 0 : index
    %swap3A_53 = arith.constant 0 : index
    %swap3A_54 = vector.load %arg11[%swap3A_52, %swap3A_53] : memref<1024x1xf32, #tpu.memory_space<vmem>>, vector<1024x1xf32>
    tpu.vector_store %arg11[%swap3A_52, %swap3A_53], %select_n3A_22 {strides = array<i32>} : memref<1024x1xf32, #tpu.memory_space<vmem>>, vector<1024x1xf32>,
    return
  }
  func.func @transform_0(%arg0: i32) -> (i32, i32) {
    %c0_i32 = arith.constant 0 : i32
    %c0_i32_0 = arith.constant 0 : i32
    return %arg0, %c0_i32 : i32, i32
  }
  func.func @transform_1(%arg0: i32) -> (i32, i32) {
    %c0_i32 = arith.constant 0 : i32
    %c0_i32_0 = arith.constant 0 : i32
    return %arg0, %c0_i32 : i32, i32
  }
  func.func @transform_2(%arg0: i32) -> (i32, i32) {
    %c0_i32 = arith.constant 0 : i32
    %c0_i32_0 = arith.constant 0 : i32
    return %arg0, %c0_i32 : i32, i32
  }
  func.func @transform_3(%arg0: i32) -> (i32, i32) {
    %c0_i32 = arith.constant 0 : i32
    %c0_i32_0 = arith.constant 0 : i32
    %c0_i32_1 = arith.constant 0 : i32
    return %c0_i32, %c0_i32_0 : i32, i32
  }
  func.func @transform_4(%arg0: i32) -> (i32, i32) {
    %c0_i32 = arith.constant 0 : i32
    %c0_i32_0 = arith.constant 0 : i32
    return %arg0, %c0_i32 : i32, i32
  }
  func.func @transform_5(%arg0: i32) -> (i32, i32) {
    %c0_i32 = arith.constant 0 : i32
    %c0_i32_0 = arith.constant 0 : i32
    %c0_i32_1 = arith.constant 0 : i32
    return %c0_i32, %c0_i32_0 : i32, i32
  }
  func.func @transform_6(%arg0: i32) -> (i32, i32) {
    %c0_i32 = arith.constant 0 : i32
    %c0_i32_0 = arith.constant 0 : i32
    %c0_i32_1 = arith.constant 0 : i32
    return %c0_i32, %c0_i32_0 : i32, i32
  }
  func.func @transform_7(%arg0: i32) -> (i32, i32) {
    %c0_i32 = arith.constant 0 : i32
    %c0_i32_0 = arith.constant 0 : i32
    %c0_i32_1 = arith.constant 0 : i32
    return %c0_i32, %c0_i32_0 : i32, i32
  }
  func.func @transform_8(%arg0: i32) -> (i32, i32) {
    %c0_i32 = arith.constant 0 : i32
    %c0_i32_0 = arith.constant 0 : i32
    return %arg0, %c0_i32 : i32, i32
  }
  func.func @transform_9(%arg0: i32) -> (i32, i32) {
    %c0_i32 = arith.constant 0 : i32
    %c0_i32_0 = arith.constant 0 : i32
    return %arg0, %c0_i32 : i32, i32
  }
  func.func @transform_10(%arg0: i32) -> (i32, i32) {
    %c0_i32 = arith.constant 0 : i32
    %c0_i32_0 = arith.constant 0 : i32
    return %arg0, %c0_i32 : i32, i32
  }
}

module attributes {stable_mosaic.version = 14 : i64} {
  func.func @body(%arg0: i32, %arg1: memref<2x1024x80xf32, #tpu.memory_space<vmem>>, %arg2: memref<1024x64xf32, #tpu.memory_space<vmem>>, %arg3: memref<1024x1xf32, #tpu.memory_space<vmem>>, %arg4: memref<1x1024xf32, #tpu.memory_space<vmem>>, %arg5: memref<64x64xf32, #tpu.memory_space<vmem>>, %arg6: memref<64x64xf32, #tpu.memory_space<vmem>>, %arg7: memref<1x64xf32, #tpu.memory_space<vmem>>, %arg8: memref<1024x64xf32, #tpu.memory_space<vmem>>, %arg9: memref<1024x64xf32, #tpu.memory_space<vmem>>, %arg10: memref<128x64xf32, #tpu.memory_space<vmem>>, %arg11: memref<128x1xf32, #tpu.memory_space<vmem>>) attributes {dimension_semantics = [#tpu.dimension_semantics<arbitrary>], iteration_bounds = array<i64: 10>, scalar_prefetch = 0 : i64, scratch_operands = 0 : i64, tpu.core_type = #tpu.core_type<tc>, window_params = [{transform_indices = @transform_0, window_bounds = array<i64: 2, 1024, 80>}, {transform_indices = @transform_1, window_bounds = array<i64: 1024, 64>}, {transform_indices = @transform_2, window_bounds = array<i64: 1024, 1>}, {transform_indices = @transform_3, window_bounds = array<i64: 1, 1024>}, {pipeline_mode = #tpu.pipeline_mode<synchronous>, transform_indices = @transform_4, window_bounds = array<i64: 64, 64>}, {pipeline_mode = #tpu.pipeline_mode<synchronous>, transform_indices = @transform_5, window_bounds = array<i64: 64, 64>}, {pipeline_mode = #tpu.pipeline_mode<synchronous>, transform_indices = @transform_6, window_bounds = array<i64: 1, 64>}, {transform_indices = @transform_7, window_bounds = array<i64: 1024, 64>}, {transform_indices = @transform_8, window_bounds = array<i64: 1024, 64>}, {pipeline_mode = #tpu.pipeline_mode<synchronous>, transform_indices = @transform_9, window_bounds = array<i64: 128, 64>}, {pipeline_mode = #tpu.pipeline_mode<synchronous>, transform_indices = @transform_10, window_bounds = array<i64: 128, 1>}]} {
    %get3A = arith.constant 0 : index
    %get3A_0 = arith.constant 0 : index
    %get3A_1 = vector.load %arg3[%get3A, %get3A_0] : memref<1024x1xf32, #tpu.memory_space<vmem>>, vector<1024x1xf32>
    %get3A_2 = arith.constant 0 : index
    %get3A_3 = arith.constant 0 : index
    %get3A_4 = arith.constant 0 : index
    %get3A_5 = vector.load %arg1[%get3A_2, %get3A_3, %get3A_4] : memref<2x1024x80xf32, #tpu.memory_space<vmem>>, vector<1x1024x80xf32>
    %get3A_6 = vector.shape_cast %get3A_5 : vector<1x1024x80xf32> to vector<1024x80xf32>
    %get3A_7 = arith.constant 1 : index
    %get3A_8 = arith.constant 0 : index
    %get3A_9 = arith.constant 0 : index
    %get3A_10 = vector.load %arg1[%get3A_7, %get3A_8, %get3A_9] : memref<2x1024x80xf32, #tpu.memory_space<vmem>>, vector<1x1024x80xf32>
    %get3A_11 = vector.shape_cast %get3A_10 : vector<1x1024x80xf32> to vector<1024x80xf32>
    %add3A = arith.addf %get3A_6, %get3A_11 : vector<1024x80xf32>
    %slice3A = vector.extract_strided_slice %add3A {offsets = [0, 0], sizes = [1024, 64], strides = [1, 1]} : vector<1024x80xf32> to vector<1024x64xf32>
    %slice3A_12 = vector.extract_strided_slice %add3A {offsets = [0, 64], sizes = [1024, 1], strides = [1, 1]} : vector<1024x80xf32> to vector<1024x1xf32>
    %mul3A = vector.broadcast %get3A_1 : vector<1024x1xf32> to vector<1024x64xf32>
    %mul3A_13 = arith.mulf %slice3A, %mul3A : vector<1024x64xf32>
    %mul3A_14 = arith.mulf %slice3A_12, %get3A_1 : vector<1024x1xf32>
    %max3A = arith.constant 1.000000e+00 : f32
    %max3A_15 = vector.broadcast %max3A : f32 to vector<1024x1xf32>
    %max3A_16 = arith.maximumf %mul3A_14, %max3A_15 : vector<1024x1xf32>
    %div3A = vector.broadcast %max3A_16 : vector<1024x1xf32> to vector<1024x64xf32>
    %div3A_17 = arith.divf %mul3A_13, %div3A : vector<1024x64xf32>
    %get3A_18 = arith.constant 0 : index
    %get3A_19 = arith.constant 0 : index
    %get3A_20 = vector.load %arg2[%get3A_18, %get3A_19] : memref<1024x64xf32, #tpu.memory_space<vmem>>, vector<1024x64xf32>
    %add3A_21 = arith.addf %div3A_17, %get3A_20 : vector<1024x64xf32>
    %max3A_22 = arith.constant 0.000000e+00 : f32
    %max3A_23 = vector.broadcast %max3A_22 : f32 to vector<1024x64xf32>
    %max3A_24 = arith.maximumf %add3A_21, %max3A_23 : vector<1024x64xf32>
    %mul3A_25 = vector.broadcast %get3A_1 : vector<1024x1xf32> to vector<1024x64xf32>
    %mul3A_26 = arith.mulf %max3A_24, %mul3A_25 : vector<1024x64xf32>
    %get3A_27 = arith.constant 0 : index
    %get3A_28 = arith.constant 0 : index
    %get3A_29 = vector.load %arg5[%get3A_27, %get3A_28] : memref<64x64xf32, #tpu.memory_space<vmem>>, vector<64x64xf32>
    %dot_general3A = arith.constant dense<0.000000e+00> : vector<1024x64xf32>
    %dot_general3A_30 = tpu.matmul %mul3A_26, %get3A_29, %dot_general3A {dimension_numbers = #tpu.dot_dimension_numbers<[1], [0], [0], [1], [0, 0, 1, 1], [], []>, transpose_lhs_hint = false} : vector<1024x64xf32>, vector<64x64xf32>, vector<1024x64xf32> -> vector<1024x64xf32>
    %swap3A = arith.constant 0 : index
    %swap3A_31 = arith.constant 0 : index
    %swap3A_32 = vector.load %arg8[%swap3A, %swap3A_31] : memref<1024x64xf32, #tpu.memory_space<vmem>>, vector<1024x64xf32>
    tpu.vector_store %arg8[%swap3A, %swap3A_31], %dot_general3A_30 {strides = array<i32>} : memref<1024x64xf32, #tpu.memory_space<vmem>>, vector<1024x64xf32>,
    %get3A_33 = arith.constant 0 : index
    %get3A_34 = arith.constant 0 : index
    %get3A_35 = vector.load %arg6[%get3A_33, %get3A_34] : memref<64x64xf32, #tpu.memory_space<vmem>>, vector<64x64xf32>
    %dot_general3A_36 = arith.constant dense<0.000000e+00> : vector<1024x64xf32>
    %dot_general3A_37 = tpu.matmul %mul3A_26, %get3A_35, %dot_general3A_36 {dimension_numbers = #tpu.dot_dimension_numbers<[1], [0], [0], [1], [0, 0, 1, 1], [], []>, transpose_lhs_hint = false} : vector<1024x64xf32>, vector<64x64xf32>, vector<1024x64xf32> -> vector<1024x64xf32>
    %get3A_38 = arith.constant 0 : index
    %get3A_39 = arith.constant 0 : index
    %get3A_40 = vector.load %arg7[%get3A_38, %get3A_39] : memref<1x64xf32, #tpu.memory_space<vmem>>, vector<1x64xf32>
    %add3A_41 = vector.broadcast %get3A_40 : vector<1x64xf32> to vector<1024x64xf32>
    %add3A_42 = arith.addf %dot_general3A_37, %add3A_41 : vector<1024x64xf32>
    %swap3A_43 = arith.constant 0 : index
    %swap3A_44 = arith.constant 0 : index
    %swap3A_45 = vector.load %arg9[%swap3A_43, %swap3A_44] : memref<1024x64xf32, #tpu.memory_space<vmem>>, vector<1024x64xf32>
    tpu.vector_store %arg9[%swap3A_43, %swap3A_44], %add3A_42 {strides = array<i32>} : memref<1024x64xf32, #tpu.memory_space<vmem>>, vector<1024x64xf32>,
    %get3A_46 = arith.constant 0 : index
    %get3A_47 = arith.constant 0 : index
    %get3A_48 = vector.load %arg4[%get3A_46, %get3A_47] : memref<1x1024xf32, #tpu.memory_space<vmem>>, vector<1x1024xf32>
    %iota3A = tpu.iota {dimensions = array<i32: 0>} : vector<128x1xi32>
    %convert_element_type3A = arith.sitofp %iota3A : vector<128x1xi32> to vector<128x1xf32>
    %eq3A = vector.broadcast %convert_element_type3A : vector<128x1xf32> to vector<128x1024xf32>
    %eq3A_49 = vector.broadcast %get3A_48 : vector<1x1024xf32> to vector<128x1024xf32>
    %eq3A_50 = arith.cmpf oeq, %eq3A, %eq3A_49 : vector<128x1024xf32>
    %jit3A = arith.constant 1.000000e+00 : f32
    %jit3A_51 = arith.constant 0.000000e+00 : f32
    %broadcast_in_dim3A = vector.broadcast %jit3A : f32 to vector<128x1024xf32>
    %broadcast_in_dim3A_52 = vector.broadcast %jit3A_51 : f32 to vector<128x1024xf32>
    %select_n3A = arith.select %eq3A_50, %broadcast_in_dim3A, %broadcast_in_dim3A_52 : vector<128x1024xi1>, vector<128x1024xf32>
    %eq3A_53 = arith.constant 0 : i32
    %eq3A_54 = arith.cmpi eq, %arg0, %eq3A_53 : i32
    %convert_element_type3A_55 = arith.extui %eq3A_54 : i1 to i32
    %cond3A = arith.constant 0 : i32
    %cond3A_56 = arith.cmpi ne, %convert_element_type3A_55, %cond3A : i32
    scf.if %cond3A_56 {
      %broadcast_in_dim3A_75 = arith.constant 0.000000e+00 : f32
      %broadcast_in_dim3A_76 = vector.broadcast %broadcast_in_dim3A_75 : f32 to vector<128x64xf32>
      %swap3A_77 = arith.constant 0 : index
      %swap3A_78 = arith.constant 0 : index
      %swap3A_79 = vector.load %arg10[%swap3A_77, %swap3A_78] : memref<128x64xf32, #tpu.memory_space<vmem>>, vector<128x64xf32>
      tpu.vector_store %arg10[%swap3A_77, %swap3A_78], %broadcast_in_dim3A_76 {strides = array<i32>} : memref<128x64xf32, #tpu.memory_space<vmem>>, vector<128x64xf32>,
      %broadcast_in_dim3A_80 = arith.constant 0.000000e+00 : f32
      %broadcast_in_dim3A_81 = vector.broadcast %broadcast_in_dim3A_80 : f32 to vector<128x1xf32>
      %swap3A_82 = arith.constant 0 : index
      %swap3A_83 = arith.constant 0 : index
      %swap3A_84 = vector.load %arg11[%swap3A_82, %swap3A_83] : memref<128x1xf32, #tpu.memory_space<vmem>>, vector<128x1xf32>
      tpu.vector_store %arg11[%swap3A_82, %swap3A_83], %broadcast_in_dim3A_81 {strides = array<i32>} : memref<128x1xf32, #tpu.memory_space<vmem>>, vector<128x1xf32>,
    } else {
    }
    %get3A_57 = arith.constant 0 : index
    %get3A_58 = arith.constant 0 : index
    %get3A_59 = vector.load %arg10[%get3A_57, %get3A_58] : memref<128x64xf32, #tpu.memory_space<vmem>>, vector<128x64xf32>
    %dot_general3A_60 = arith.constant dense<0.000000e+00> : vector<128x64xf32>
    %dot_general3A_61 = tpu.matmul %select_n3A, %mul3A_26, %dot_general3A_60 {dimension_numbers = #tpu.dot_dimension_numbers<[1], [0], [0], [1], [0, 0, 1, 1], [], []>, transpose_lhs_hint = false} : vector<128x1024xf32>, vector<1024x64xf32>, vector<128x64xf32> -> vector<128x64xf32>
    %add3A_62 = arith.addf %get3A_59, %dot_general3A_61 : vector<128x64xf32>
    %swap3A_63 = arith.constant 0 : index
    %swap3A_64 = arith.constant 0 : index
    %swap3A_65 = vector.load %arg10[%swap3A_63, %swap3A_64] : memref<128x64xf32, #tpu.memory_space<vmem>>, vector<128x64xf32>
    tpu.vector_store %arg10[%swap3A_63, %swap3A_64], %add3A_62 {strides = array<i32>} : memref<128x64xf32, #tpu.memory_space<vmem>>, vector<128x64xf32>,
    %get3A_66 = arith.constant 0 : index
    %get3A_67 = arith.constant 0 : index
    %get3A_68 = vector.load %arg11[%get3A_66, %get3A_67] : memref<128x1xf32, #tpu.memory_space<vmem>>, vector<128x1xf32>
    %dot_general3A_69 = arith.constant dense<0.000000e+00> : vector<128x1xf32>
    %dot_general3A_70 = tpu.matmul %select_n3A, %get3A_1, %dot_general3A_69 {dimension_numbers = #tpu.dot_dimension_numbers<[1], [0], [0], [1], [0, 0, 1, 1], [], []>, transpose_lhs_hint = false} : vector<128x1024xf32>, vector<1024x1xf32>, vector<128x1xf32> -> vector<128x1xf32>
    %add3A_71 = arith.addf %get3A_68, %dot_general3A_70 : vector<128x1xf32>
    %swap3A_72 = arith.constant 0 : index
    %swap3A_73 = arith.constant 0 : index
    %swap3A_74 = vector.load %arg11[%swap3A_72, %swap3A_73] : memref<128x1xf32, #tpu.memory_space<vmem>>, vector<128x1xf32>
    tpu.vector_store %arg11[%swap3A_72, %swap3A_73], %add3A_71 {strides = array<i32>} : memref<128x1xf32, #tpu.memory_space<vmem>>, vector<128x1xf32>,
    return
  }
  func.func @transform_0(%arg0: i32) -> (i32, i32, i32) {
    %c0_i32 = arith.constant 0 : i32
    %c0_i32_0 = arith.constant 0 : i32
    %c0_i32_1 = arith.constant 0 : i32
    return %c0_i32, %arg0, %c0_i32_0 : i32, i32, i32
  }
  func.func @transform_1(%arg0: i32) -> (i32, i32) {
    %c0_i32 = arith.constant 0 : i32
    %c0_i32_0 = arith.constant 0 : i32
    return %arg0, %c0_i32 : i32, i32
  }
  func.func @transform_2(%arg0: i32) -> (i32, i32) {
    %c0_i32 = arith.constant 0 : i32
    %c0_i32_0 = arith.constant 0 : i32
    return %arg0, %c0_i32 : i32, i32
  }
  func.func @transform_3(%arg0: i32) -> (i32, i32) {
    %c0_i32 = arith.constant 0 : i32
    %c0_i32_0 = arith.constant 0 : i32
    return %c0_i32, %arg0 : i32, i32
  }
  func.func @transform_4(%arg0: i32) -> (i32, i32) {
    %c0_i32 = arith.constant 0 : i32
    %c0_i32_0 = arith.constant 0 : i32
    %c0_i32_1 = arith.constant 0 : i32
    return %c0_i32, %c0_i32_0 : i32, i32
  }
  func.func @transform_5(%arg0: i32) -> (i32, i32) {
    %c0_i32 = arith.constant 0 : i32
    %c0_i32_0 = arith.constant 0 : i32
    %c0_i32_1 = arith.constant 0 : i32
    return %c0_i32, %c0_i32_0 : i32, i32
  }
  func.func @transform_6(%arg0: i32) -> (i32, i32) {
    %c0_i32 = arith.constant 0 : i32
    %c0_i32_0 = arith.constant 0 : i32
    %c0_i32_1 = arith.constant 0 : i32
    return %c0_i32, %c0_i32_0 : i32, i32
  }
  func.func @transform_7(%arg0: i32) -> (i32, i32) {
    %c0_i32 = arith.constant 0 : i32
    %c0_i32_0 = arith.constant 0 : i32
    return %arg0, %c0_i32 : i32, i32
  }
  func.func @transform_8(%arg0: i32) -> (i32, i32) {
    %c0_i32 = arith.constant 0 : i32
    %c0_i32_0 = arith.constant 0 : i32
    return %arg0, %c0_i32 : i32, i32
  }
  func.func @transform_9(%arg0: i32) -> (i32, i32) {
    %c0_i32 = arith.constant 0 : i32
    %c0_i32_0 = arith.constant 0 : i32
    %c0_i32_1 = arith.constant 0 : i32
    return %c0_i32, %c0_i32_0 : i32, i32
  }
  func.func @transform_10(%arg0: i32) -> (i32, i32) {
    %c0_i32 = arith.constant 0 : i32
    %c0_i32_0 = arith.constant 0 : i32
    %c0_i32_1 = arith.constant 0 : i32
    return %c0_i32, %c0_i32_0 : i32, i32
  }
}

module attributes {stable_mosaic.version = 14 : i64} {
  func.func @body(%arg0: i32, %arg1: memref<2x1024x64xf32, #tpu.memory_space<vmem>>, %arg2: memref<2x1024x80xf32, #tpu.memory_space<vmem>>, %arg3: memref<1024x64xf32, #tpu.memory_space<vmem>>, %arg4: memref<1024x1xf32, #tpu.memory_space<vmem>>, %arg5: memref<1x1024xf32, #tpu.memory_space<vmem>>, %arg6: memref<128x64xf32, #tpu.memory_space<vmem>>) attributes {dimension_semantics = [#tpu.dimension_semantics<arbitrary>], iteration_bounds = array<i64: 10>, scalar_prefetch = 0 : i64, scratch_operands = 0 : i64, tpu.core_type = #tpu.core_type<tc>, window_params = [{transform_indices = @transform_0, window_bounds = array<i64: 2, 1024, 64>}, {transform_indices = @transform_1, window_bounds = array<i64: 2, 1024, 80>}, {transform_indices = @transform_2, window_bounds = array<i64: 1024, 64>}, {transform_indices = @transform_3, window_bounds = array<i64: 1024, 1>}, {transform_indices = @transform_4, window_bounds = array<i64: 1, 1024>}, {pipeline_mode = #tpu.pipeline_mode<synchronous>, transform_indices = @transform_5, window_bounds = array<i64: 128, 64>}]} {
    %get3A = arith.constant 0 : index
    %get3A_0 = arith.constant 0 : index
    %get3A_1 = vector.load %arg4[%get3A, %get3A_0] : memref<1024x1xf32, #tpu.memory_space<vmem>>, vector<1024x1xf32>
    %get3A_2 = arith.constant 0 : index
    %get3A_3 = arith.constant 0 : index
    %get3A_4 = arith.constant 0 : index
    %get3A_5 = vector.load %arg1[%get3A_2, %get3A_3, %get3A_4] : memref<2x1024x64xf32, #tpu.memory_space<vmem>>, vector<1x1024x64xf32>
    %get3A_6 = vector.shape_cast %get3A_5 : vector<1x1024x64xf32> to vector<1024x64xf32>
    %get3A_7 = arith.constant 1 : index
    %get3A_8 = arith.constant 0 : index
    %get3A_9 = arith.constant 0 : index
    %get3A_10 = vector.load %arg1[%get3A_7, %get3A_8, %get3A_9] : memref<2x1024x64xf32, #tpu.memory_space<vmem>>, vector<1x1024x64xf32>
    %get3A_11 = vector.shape_cast %get3A_10 : vector<1x1024x64xf32> to vector<1024x64xf32>
    %add3A = arith.addf %get3A_6, %get3A_11 : vector<1024x64xf32>
    %get3A_12 = arith.constant 0 : index
    %get3A_13 = arith.constant 0 : index
    %get3A_14 = arith.constant 0 : index
    %get3A_15 = vector.load %arg2[%get3A_12, %get3A_13, %get3A_14] : memref<2x1024x80xf32, #tpu.memory_space<vmem>>, vector<1x1024x80xf32>
    %get3A_16 = vector.shape_cast %get3A_15 : vector<1x1024x80xf32> to vector<1024x80xf32>
    %slice3A = vector.extract_strided_slice %get3A_16 {offsets = [0, 64], sizes = [1024, 1], strides = [1, 1]} : vector<1024x80xf32> to vector<1024x1xf32>
    %get3A_17 = arith.constant 1 : index
    %get3A_18 = arith.constant 0 : index
    %get3A_19 = arith.constant 0 : index
    %get3A_20 = vector.load %arg2[%get3A_17, %get3A_18, %get3A_19] : memref<2x1024x80xf32, #tpu.memory_space<vmem>>, vector<1x1024x80xf32>
    %get3A_21 = vector.shape_cast %get3A_20 : vector<1x1024x80xf32> to vector<1024x80xf32>
    %slice3A_22 = vector.extract_strided_slice %get3A_21 {offsets = [0, 64], sizes = [1024, 1], strides = [1, 1]} : vector<1024x80xf32> to vector<1024x1xf32>
    %add3A_23 = arith.addf %slice3A, %slice3A_22 : vector<1024x1xf32>
    %mul3A = vector.broadcast %get3A_1 : vector<1024x1xf32> to vector<1024x64xf32>
    %mul3A_24 = arith.mulf %add3A, %mul3A : vector<1024x64xf32>
    %mul3A_25 = arith.mulf %add3A_23, %get3A_1 : vector<1024x1xf32>
    %max3A = arith.constant 1.000000e+00 : f32
    %max3A_26 = vector.broadcast %max3A : f32 to vector<1024x1xf32>
    %max3A_27 = arith.maximumf %mul3A_25, %max3A_26 : vector<1024x1xf32>
    %div3A = vector.broadcast %max3A_27 : vector<1024x1xf32> to vector<1024x64xf32>
    %div3A_28 = arith.divf %mul3A_24, %div3A : vector<1024x64xf32>
    %get3A_29 = arith.constant 0 : index
    %get3A_30 = arith.constant 0 : index
    %get3A_31 = vector.load %arg3[%get3A_29, %get3A_30] : memref<1024x64xf32, #tpu.memory_space<vmem>>, vector<1024x64xf32>
    %add3A_32 = arith.addf %div3A_28, %get3A_31 : vector<1024x64xf32>
    %max3A_33 = arith.constant 0.000000e+00 : f32
    %max3A_34 = vector.broadcast %max3A_33 : f32 to vector<1024x64xf32>
    %max3A_35 = arith.maximumf %add3A_32, %max3A_34 : vector<1024x64xf32>
    %mul3A_36 = vector.broadcast %get3A_1 : vector<1024x1xf32> to vector<1024x64xf32>
    %mul3A_37 = arith.mulf %max3A_35, %mul3A_36 : vector<1024x64xf32>
    %get3A_38 = arith.constant 0 : index
    %get3A_39 = arith.constant 0 : index
    %get3A_40 = vector.load %arg5[%get3A_38, %get3A_39] : memref<1x1024xf32, #tpu.memory_space<vmem>>, vector<1x1024xf32>
    %iota3A = tpu.iota {dimensions = array<i32: 0>} : vector<128x1xi32>
    %convert_element_type3A = arith.sitofp %iota3A : vector<128x1xi32> to vector<128x1xf32>
    %eq3A = vector.broadcast %convert_element_type3A : vector<128x1xf32> to vector<128x1024xf32>
    %eq3A_41 = vector.broadcast %get3A_40 : vector<1x1024xf32> to vector<128x1024xf32>
    %eq3A_42 = arith.cmpf oeq, %eq3A, %eq3A_41 : vector<128x1024xf32>
    %jit3A = arith.constant 1.000000e+00 : f32
    %jit3A_43 = arith.constant 0.000000e+00 : f32
    %broadcast_in_dim3A = vector.broadcast %jit3A : f32 to vector<128x1024xf32>
    %broadcast_in_dim3A_44 = vector.broadcast %jit3A_43 : f32 to vector<128x1024xf32>
    %select_n3A = arith.select %eq3A_42, %broadcast_in_dim3A, %broadcast_in_dim3A_44 : vector<128x1024xi1>, vector<128x1024xf32>
    %eq3A_45 = arith.constant 0 : i32
    %eq3A_46 = arith.cmpi eq, %arg0, %eq3A_45 : i32
    %convert_element_type3A_47 = arith.extui %eq3A_46 : i1 to i32
    %cond3A = arith.constant 0 : i32
    %cond3A_48 = arith.cmpi ne, %convert_element_type3A_47, %cond3A : i32
    scf.if %cond3A_48 {
      %broadcast_in_dim3A_56 = arith.constant 0.000000e+00 : f32
      %broadcast_in_dim3A_57 = vector.broadcast %broadcast_in_dim3A_56 : f32 to vector<128x64xf32>
      %swap3A_58 = arith.constant 0 : index
      %swap3A_59 = arith.constant 0 : index
      %swap3A_60 = vector.load %arg6[%swap3A_58, %swap3A_59] : memref<128x64xf32, #tpu.memory_space<vmem>>, vector<128x64xf32>
      tpu.vector_store %arg6[%swap3A_58, %swap3A_59], %broadcast_in_dim3A_57 {strides = array<i32>} : memref<128x64xf32, #tpu.memory_space<vmem>>, vector<128x64xf32>,
    } else {
    }
    %get3A_49 = arith.constant 0 : index
    %get3A_50 = arith.constant 0 : index
    %get3A_51 = vector.load %arg6[%get3A_49, %get3A_50] : memref<128x64xf32, #tpu.memory_space<vmem>>, vector<128x64xf32>
    %dot_general3A = arith.constant dense<0.000000e+00> : vector<128x64xf32>
    %dot_general3A_52 = tpu.matmul %select_n3A, %mul3A_37, %dot_general3A {dimension_numbers = #tpu.dot_dimension_numbers<[1], [0], [0], [1], [0, 0, 1, 1], [], []>, transpose_lhs_hint = false} : vector<128x1024xf32>, vector<1024x64xf32>, vector<128x64xf32> -> vector<128x64xf32>
    %add3A_53 = arith.addf %get3A_51, %dot_general3A_52 : vector<128x64xf32>
    %swap3A = arith.constant 0 : index
    %swap3A_54 = arith.constant 0 : index
    %swap3A_55 = vector.load %arg6[%swap3A, %swap3A_54] : memref<128x64xf32, #tpu.memory_space<vmem>>, vector<128x64xf32>
    tpu.vector_store %arg6[%swap3A, %swap3A_54], %add3A_53 {strides = array<i32>} : memref<128x64xf32, #tpu.memory_space<vmem>>, vector<128x64xf32>,
    return
  }
  func.func @transform_0(%arg0: i32) -> (i32, i32, i32) {
    %c0_i32 = arith.constant 0 : i32
    %c0_i32_0 = arith.constant 0 : i32
    %c0_i32_1 = arith.constant 0 : i32
    return %c0_i32, %arg0, %c0_i32_0 : i32, i32, i32
  }
  func.func @transform_1(%arg0: i32) -> (i32, i32, i32) {
    %c0_i32 = arith.constant 0 : i32
    %c0_i32_0 = arith.constant 0 : i32
    %c0_i32_1 = arith.constant 0 : i32
    return %c0_i32, %arg0, %c0_i32_0 : i32, i32, i32
  }
  func.func @transform_2(%arg0: i32) -> (i32, i32) {
    %c0_i32 = arith.constant 0 : i32
    %c0_i32_0 = arith.constant 0 : i32
    return %arg0, %c0_i32 : i32, i32
  }
  func.func @transform_3(%arg0: i32) -> (i32, i32) {
    %c0_i32 = arith.constant 0 : i32
    %c0_i32_0 = arith.constant 0 : i32
    return %arg0, %c0_i32 : i32, i32
  }
  func.func @transform_4(%arg0: i32) -> (i32, i32) {
    %c0_i32 = arith.constant 0 : i32
    %c0_i32_0 = arith.constant 0 : i32
    return %c0_i32, %arg0 : i32, i32
  }
  func.func @transform_5(%arg0: i32) -> (i32, i32) {
    %c0_i32 = arith.constant 0 : i32
    %c0_i32_0 = arith.constant 0 : i32
    %c0_i32_1 = arith.constant 0 : i32
    return %c0_i32, %c0_i32_0 : i32, i32
  }
}

module attributes {stable_mosaic.version = 14 : i64} {
  func.func @body(%arg0: memref<128x64xf32, #tpu.memory_space<vmem>>, %arg1: memref<128x64xf32, #tpu.memory_space<vmem>>, %arg2: memref<128x64xf32, #tpu.memory_space<vmem>>, %arg3: memref<128x64xf32, #tpu.memory_space<vmem>>, %arg4: memref<128x1xf32, #tpu.memory_space<vmem>>, %arg5: memref<128x1xf32, #tpu.memory_space<vmem>>, %arg6: memref<256x64xf32, #tpu.memory_space<vmem>>, %arg7: memref<1x64xf32, #tpu.memory_space<vmem>>, %arg8: memref<64x128xf32, #tpu.memory_space<vmem>>, %arg9: memref<1x128xf32, #tpu.memory_space<vmem>>, %arg10: memref<128x128xf32, #tpu.memory_space<vmem>>) attributes {dimension_semantics = [], scalar_prefetch = 0 : i64, scratch_operands = 0 : i64, tpu.core_type = #tpu.core_type<tc>} {
    %get3A = arith.constant 0 : index
    %get3A_0 = arith.constant 0 : index
    %get3A_1 = vector.load %arg4[%get3A, %get3A_0] : memref<128x1xf32, #tpu.memory_space<vmem>>, vector<128x1xf32>
    %max3A = arith.constant 1.000000e+00 : f32
    %max3A_2 = vector.broadcast %max3A : f32 to vector<128x1xf32>
    %max3A_3 = arith.maximumf %get3A_1, %max3A_2 : vector<128x1xf32>
    %get3A_4 = arith.constant 0 : index
    %get3A_5 = arith.constant 0 : index
    %get3A_6 = vector.load %arg5[%get3A_4, %get3A_5] : memref<128x1xf32, #tpu.memory_space<vmem>>, vector<128x1xf32>
    %max3A_7 = arith.constant 1.000000e+00 : f32
    %max3A_8 = vector.broadcast %max3A_7 : f32 to vector<128x1xf32>
    %max3A_9 = arith.maximumf %get3A_6, %max3A_8 : vector<128x1xf32>
    %get3A_10 = arith.constant 0 : index
    %get3A_11 = arith.constant 0 : index
    %get3A_12 = vector.load %arg0[%get3A_10, %get3A_11] : memref<128x64xf32, #tpu.memory_space<vmem>>, vector<128x64xf32>
    %div3A = vector.broadcast %max3A_3 : vector<128x1xf32> to vector<128x64xf32>
    %div3A_13 = arith.divf %get3A_12, %div3A : vector<128x64xf32>
    %get3A_14 = arith.constant 0 : index
    %get3A_15 = arith.constant 0 : index
    %get3A_16 = vector.load %arg1[%get3A_14, %get3A_15] : memref<128x64xf32, #tpu.memory_space<vmem>>, vector<128x64xf32>
    %div3A_17 = vector.broadcast %max3A_3 : vector<128x1xf32> to vector<128x64xf32>
    %div3A_18 = arith.divf %get3A_16, %div3A_17 : vector<128x64xf32>
    %get3A_19 = arith.constant 0 : index
    %get3A_20 = arith.constant 0 : index
    %get3A_21 = vector.load %arg2[%get3A_19, %get3A_20] : memref<128x64xf32, #tpu.memory_space<vmem>>, vector<128x64xf32>
    %div3A_22 = vector.broadcast %max3A_9 : vector<128x1xf32> to vector<128x64xf32>
    %div3A_23 = arith.divf %get3A_21, %div3A_22 : vector<128x64xf32>
    %get3A_24 = arith.constant 0 : index
    %get3A_25 = arith.constant 0 : index
    %get3A_26 = vector.load %arg3[%get3A_24, %get3A_25] : memref<128x64xf32, #tpu.memory_space<vmem>>, vector<128x64xf32>
    %div3A_27 = vector.broadcast %max3A_9 : vector<128x1xf32> to vector<128x64xf32>
    %div3A_28 = arith.divf %get3A_26, %div3A_27 : vector<128x64xf32>
    %concatenate3A = tpu.concatenate %div3A_13, %div3A_18, %div3A_23, %div3A_28 in 1 : vector<128x64xf32>, vector<128x64xf32>, vector<128x64xf32>, vector<128x64xf32> -> vector<128x256xf32>
    %get3A_29 = arith.constant 0 : index
    %get3A_30 = arith.constant 0 : index
    %get3A_31 = vector.load %arg6[%get3A_29, %get3A_30] : memref<256x64xf32, #tpu.memory_space<vmem>>, vector<256x64xf32>
    %dot_general3A = arith.constant dense<0.000000e+00> : vector<128x64xf32>
    %dot_general3A_32 = tpu.matmul %concatenate3A, %get3A_31, %dot_general3A {dimension_numbers = #tpu.dot_dimension_numbers<[1], [0], [0], [1], [0, 0, 1, 1], [], []>, transpose_lhs_hint = false} : vector<128x256xf32>, vector<256x64xf32>, vector<128x64xf32> -> vector<128x64xf32>
    %get3A_33 = arith.constant 0 : index
    %get3A_34 = arith.constant 0 : index
    %get3A_35 = vector.load %arg7[%get3A_33, %get3A_34] : memref<1x64xf32, #tpu.memory_space<vmem>>, vector<1x64xf32>
    %add3A = vector.broadcast %get3A_35 : vector<1x64xf32> to vector<128x64xf32>
    %add3A_36 = arith.addf %dot_general3A_32, %add3A : vector<128x64xf32>
    %max3A_37 = arith.constant 0.000000e+00 : f32
    %max3A_38 = vector.broadcast %max3A_37 : f32 to vector<128x64xf32>
    %max3A_39 = arith.maximumf %add3A_36, %max3A_38 : vector<128x64xf32>
    %get3A_40 = arith.constant 0 : index
    %get3A_41 = arith.constant 0 : index
    %get3A_42 = vector.load %arg8[%get3A_40, %get3A_41] : memref<64x128xf32, #tpu.memory_space<vmem>>, vector<64x128xf32>
    %dot_general3A_43 = arith.constant dense<0.000000e+00> : vector<128x128xf32>
    %dot_general3A_44 = tpu.matmul %max3A_39, %get3A_42, %dot_general3A_43 {dimension_numbers = #tpu.dot_dimension_numbers<[1], [0], [0], [1], [0, 0, 1, 1], [], []>, transpose_lhs_hint = false} : vector<128x64xf32>, vector<64x128xf32>, vector<128x128xf32> -> vector<128x128xf32>
    %get3A_45 = arith.constant 0 : index
    %get3A_46 = arith.constant 0 : index
    %get3A_47 = vector.load %arg9[%get3A_45, %get3A_46] : memref<1x128xf32, #tpu.memory_space<vmem>>, vector<1x128xf32>
    %add3A_48 = vector.broadcast %get3A_47 : vector<1x128xf32> to vector<128x128xf32>
    %add3A_49 = arith.addf %dot_general3A_44, %add3A_48 : vector<128x128xf32>
    %iota3A = tpu.iota {dimensions = array<i32: 1>} : vector<128x128xi32>
    %lt3A = arith.constant 16 : i32
    %lt3A_50 = vector.broadcast %lt3A : i32 to vector<128x128xi32>
    %lt3A_51 = arith.cmpi slt, %iota3A, %lt3A_50 : vector<128x128xi32>
    %jit3A = arith.constant -1.000000e+30 : f32
    %broadcast_in_dim3A = vector.broadcast %jit3A : f32 to vector<128x128xf32>
    %select_n3A = arith.select %lt3A_51, %add3A_49, %broadcast_in_dim3A : vector<128x128xi1>, vector<128x128xf32>
    %reduce_max3A = arith.constant dense<0xFF800000> : vector<128xf32>
    %reduce_max3A_52 = vector.multi_reduction <maximumf>, %select_n3A, %reduce_max3A [1] : vector<128x128xf32> to vector<128xf32>
    %broadcast_in_dim3A_53 = vector.shape_cast %reduce_max3A_52 : vector<128xf32> to vector<128x1xf32>
    %sub3A = vector.broadcast %broadcast_in_dim3A_53 : vector<128x1xf32> to vector<128x128xf32>
    %sub3A_54 = arith.subf %select_n3A, %sub3A : vector<128x128xf32>
    %exp3A = math.exp %sub3A_54 : vector<128x128xf32>
    %jit3A_55 = arith.constant 0.000000e+00 : f32
    %broadcast_in_dim3A_56 = vector.broadcast %jit3A_55 : f32 to vector<128x128xf32>
    %select_n3A_57 = arith.select %lt3A_51, %exp3A, %broadcast_in_dim3A_56 : vector<128x128xi1>, vector<128x128xf32>
    %reduce_sum3A = arith.constant dense<0.000000e+00> : vector<128xf32>
    %reduce_sum3A_58 = vector.multi_reduction <add>, %select_n3A_57, %reduce_sum3A [1] : vector<128x128xf32> to vector<128xf32>
    %broadcast_in_dim3A_59 = vector.shape_cast %reduce_sum3A_58 : vector<128xf32> to vector<128x1xf32>
    %log3A = math.log %broadcast_in_dim3A_59 : vector<128x1xf32>
    %sub3A_60 = vector.broadcast %broadcast_in_dim3A_53 : vector<128x1xf32> to vector<128x128xf32>
    %sub3A_61 = arith.subf %select_n3A, %sub3A_60 : vector<128x128xf32>
    %sub3A_62 = vector.broadcast %log3A : vector<128x1xf32> to vector<128x128xf32>
    %sub3A_63 = arith.subf %sub3A_61, %sub3A_62 : vector<128x128xf32>
    %swap3A = arith.constant 0 : index
    %swap3A_64 = arith.constant 0 : index
    %swap3A_65 = vector.load %arg10[%swap3A, %swap3A_64] : memref<128x128xf32, #tpu.memory_space<vmem>>, vector<128x128xf32>
    tpu.vector_store %arg10[%swap3A, %swap3A_64], %sub3A_63 {strides = array<i32>} : memref<128x128xf32, #tpu.memory_space<vmem>>, vector<128x128xf32>,
    return
  }
}

</mosaic_0001>

<sc_bundles>
// kernel: kernel.14.cloned.1.call-start
scs
__scs_entry_jumppad:
0x0: {  	(pc) =	sbr.rel $0x88, $3  }
0x1: {  	(tag) =	ssettag $0x0;
	lr =	simm.s32 $0x1  }
0x2: {  	[smem:$0x3F8D] =	sst lr;
	_ =	strace $0xD0000000  }
0x3: {  	_ = 	snop  }
0x4: {  	_ = 	snop  }
0x5: {  	_ = 	snop  }
0x6: {  	_ = 	snop  }
0x7: {  	_ = 	snop  }
__scs_overlays_trampoline_lowered:
0x8: {  	[smem:$0x3F9C] =	sst s0  }
0x9: {  	[smem:$0x3F9D] =	sst s1  }
0xa: {  	[smem:$0x3F9E] =	sst s2  }
0xb: {  	[smem:$0x3F9F] =	sst s3  }
0xc: {  	[smem:$0x3FA0] =	sst s4  }
0xd: {  	[smem:$0x3FA1] =	sst s5  }
0xe: {  	[smem:$0x3FA2] =	sst s6  }
0xf: {  	[smem:$0x3FA3] =	sst s7  }
0x10: {  	[smem:$0x3FA4] =	sst s8  }
0x11: {  	[smem:$0x3FA5] =	sst s9;
	s0 =	simm.s32 @!p0 $0x0  }
0x12: {  	s1 =	sld [smem:$0x3F8B];
	s0 =	simm.s32 @p0 $0x1  }
0x13: {  	[smem:$0x3FA6] =	sst s0;
	s0 =	simm.s32 @!p1 $0x0  }
0x14: {  	s2 =	sld [smem:$0x3F8A];
	s0 =	simm.s32 @p1 $0x1  }
0x15: {  	[smem:$0x3FA7] =	sst s0;
	s0 =	simm.s32 @!p2 $0x0  }
0x16: {  	s3 =	sld [smem:$0x3FDB];
	s0 =	simm.s32 @p2 $0x1  }
0x17: {  	s4 =	simm.s32 $0x1BF5;
	[smem:$0x3FA9] =	sst s0  }
0x18: {  	s0 =	sld [smem:$0x3F8C];
	_ =	swait.ge [sflag:s4], $0x0  }
0x19: {  	s7 =	sld [smem:$0x3F8D]  }
0x1a: {  	s8 =	sadd.s32 $0xFFFFE003, lr  }
0x1b: {  	s9 =	sadd.s32 $0xFFFFFEF7, lr;
	s5 =	simm.s32 $0xFFFFFFFF;
	p2 =	slt.u32 s8, $0xFFFFF086  }
0x1c: {  	p1 =	slt.u32 s9, $0xF7A;
	s5 =	simm.s32 @!p2 $0x0  }
0x1d: {  	s5 =	simm.s32 @p1 $0x1;
	p0 =	seq.s32 s7, s2  }
0x1e: {  	s7 =	smul.u32 @!p0 $0xF7A, s2;
	p2 =	seq.s32 @!p0 s5, $0x0  }
0x1f: {  	s9 =	smul.u32 $0xF7A, s1;
	s8 =	simm.s32 @!p0 $0x1BF5;
	p2 =	por !p2, p0  }
0x20: {  	[sflag:s8] =	ssyncset.s32 @!p0 $0xFFFFF086;
	s6 =	sadd.s32 @!p0 s3, s7;
	s7 =	simm.s32 @!p0 $0x108  }
0x21: {  	s3 =	sadd.s32 s3, s9;
	s6 =	sadd.s32 @!p0 $0x88, s6;
	s7 =	simm.s32 @p2 $0x1082  }
0x22: {  	[simem:s7], [sflag:s8] =	dma.local @!p0 [hbm:s6], $0xF7A  }
0x23: {  	s9 =	sor.u32 $0xD0000000, s2;
	s6 =	simm.s32 $0x108;
	_ =	swait.ge @!p0 [sflag:s8], $0x0  }
0x24: {  	s3 =	sadd.s32 $0x88, s3;
	s6 =	simm.s32 @!p1 $0x1082;
	[sflag:s4] =	ssyncset.s32 $0xFFFFF086  }
0x25: {  	[simem:s6], [sflag:s4] =	dma.local [hbm:s3], $0xF7A  }
0x26: {  	[smem:$0x3F8D] =	sst s1;
	(tag) =	ssettag s2;
	_ =	strace s9  }
0x27: {  	s1 =	sld [smem:$0x3F9D]  }
0x28: {  	s2 =	sld [smem:$0x3F9E]  }
0x29: {  	s4 =	sld [smem:$0x3FA0]  }
0x2a: {  	p0 =	seq.s32 s5, $0x0;
	s5 =	sld [smem:$0x3FA1]  }
0x2b: {  	s6 =	sld [smem:$0x3FA2]  }
0x2c: {  	s7 =	sld [smem:$0x3FA3]  }
0x2d: {  	s3 =	simm.s32 $0x108;
	s8 =	sld [smem:$0x3FA4]  }
0x2e: {  	s3 =	simm.s32 @!p0 $0x1082;
	s9 =	sld [smem:$0x3FA5]  }
0x2f: {  	lr =	sadd.s32 s0, s3;
	s0 =	sld [smem:$0x3F9C]  }
0x30: {  	s3 =	sld [smem:$0x3F9F]  }
0x31: {  	[smem:$0x3FA8] =	sst s10  }
0x32: {  	s10 =	sld [smem:$0x3FA6];
	_ =	sdelay $0x3  }
0x33: {  	p0 =	seq.s32 s10, $0x1;
	s10 =	sld [smem:$0x3FA8];
	_ =	sdelay $0x3  }
0x34: {  	[smem:$0x3FA8] =	sst s10  }
0x35: {  	s10 =	sld [smem:$0x3FA7];
	_ =	sdelay $0x3  }
0x36: {  	p1 =	seq.s32 s10, $0x1;
	s10 =	sld [smem:$0x3FA8];
	_ =	sdelay $0x3  }
0x37: {  	[smem:$0x3FA8] =	sst s10  }
0x38: {  	s10 =	sld [smem:$0x3FA9]  }
0x39: {  	_ = 	snop;
	(pc) =	sbr.ind lr, $3  }
0x3a: {  	_ = 	snop  }
0x3b: {  	_ = 	snop  }
0x3c: {  	p2 =	seq.s32 s10, $0x1;
	s10 =	sld [smem:$0x3FA8]  }
0x3d: {  	_ =	shalt  }
0x3e: {  	_ =	shalt  }
0x3f: {  	_ =	shalt  }
0x40: {  	_ =	shalt  }
0x41: {  	_ =	shalt  }
0x42: {  	_ =	shalt  }
0x43: {  	_ =	shalt  }
0x44: {  	_ =	shalt  }
0x45: {  	_ =	shalt  }
0x46: {  	_ =	shalt  }
0x47: {  	_ =	shalt  }
0x48: {  	_ =	shalt  }
0x49: {  	_ =	shalt  }
0x4a: {  	_ =	shalt  }
0x4b: {  	_ =	shalt  }
0x4c: {  	_ =	shalt  }
0x4d: {  	_ =	shalt  }
0x4e: {  	_ =	shalt  }
0x4f: {  	_ =	shalt  }
0x50: {  	_ =	shalt  }
0x51: {  	_ =	shalt  }
0x52: {  	_ =	shalt  }
0x53: {  	_ =	shalt  }
0x54: {  	_ =	shalt  }
0x55: {  	_ =	shalt  }
0x56: {  	_ =	shalt  }
0x57: {  	_ =	shalt  }
0x58: {  	_ =	shalt  }
0x59: {  	_ =	shalt  }
0x5a: {  	_ =	shalt  }
0x5b: {  	_ =	shalt  }
0x5c: {  	_ =	shalt  }
0x5d: {  	_ =	shalt  }
0x5e: {  	_ =	shalt  }
0x5f: {  	_ =	shalt  }
0x60: {  	_ =	shalt  }
0x61: {  	_ =	shalt  }
0x62: {  	_ =	shalt  }
0x63: {  	_ =	shalt  }
0x64: {  	_ =	shalt  }
0x65: {  	_ =	shalt  }
0x66: {  	_ =	shalt  }
0x67: {  	_ =	shalt  }
0x68: {  	_ =	shalt  }
0x69: {  	_ =	shalt  }
0x6a: {  	_ =	shalt  }
0x6b: {  	_ =	shalt  }
0x6c: {  	_ =	shalt  }
0x6d: {  	_ =	shalt  }
0x6e: {  	_ =	shalt  }
0x6f: {  	_ =	shalt  }
0x70: {  	_ =	shalt  }
0x71: {  	_ =	shalt  }
0x72: {  	_ =	shalt  }
0x73: {  	_ =	shalt  }
0x74: {  	_ =	shalt  }
0x75: {  	_ =	shalt  }
0x76: {  	_ =	shalt  }
0x77: {  	_ =	shalt  }
0x78: {  	_ =	shalt  }
0x79: {  	_ =	shalt  }
0x7a: {  	_ =	shalt  }
0x7b: {  	_ =	shalt  }
0x7c: {  	_ =	shalt  }
0x7d: {  	_ =	shalt  }
0x7e: {  	_ =	shalt  }
0x7f: {  	_ =	shalt  }
0x80: {  	_ =	shalt  }
0x81: {  	_ =	shalt  }
0x82: {  	_ =	shalt  }
0x83: {  	_ =	shalt  }
0x84: {  	_ =	shalt  }
0x85: {  	_ =	shalt  }
0x86: {  	_ =	shalt  }
0x87: {  	_ =	shalt  }
.Lfunc_end0:
.L_simem_size_0:
called_computation_lowered:
.L_overlay_start_0:
0x88: {  	s2 =	sld [smem:$0x3FD9]  }
0x89: {  	s3 =	sld [smem:$0x3FFE];
	_ =	sdelay $0x1  }
0x8a: {  	s1 =	srdreg.scid  }
0x8b: {  	s0 =	sand.u32 $0x1, s1  }
0x8c: {  	s16 =	sshll.u32 s0, $0xA;
	s2 =	sadd.s32 s3, s2  }
0x8d: {  	s2 =	sadd.s32 s2, s16  }
0x8e: {  	[smem:$0x3FB4] =	sst s2  }
0x8f: {  	_ = 	snop  }
0x90: {  	(tm) =	ssettm $0x1  }
0x91: {  	s17 =	sld [smem:$0x3FFB];
	_ =	sdelay $0x3  }
0x92: {  	_ =	strace s17  }
0x93: {  	s2 =	sld [smem:$0x3FFC];
	_ =	sdelay $0x3  }
0x94: {  	_ =	strace s2  }
0x95: {  	s2 =	sld [smem:$0x3FFD];
	_ =	sdelay $0x3  }
0x96: {  	_ =	strace s2  }
0x97: {  	_ =	strace $0x8FFFFFFF  }
0x98: {  	s18 =	sld [smem:$0x3FDB];
	_ =	sdelay $0x1  }
0x99: {  	s19 =	simm.s32 $_scs_section_size  }
0x9a: {  	s4 =	simm.s32 $_size__tile_overlayer_lowered;
	s5 =	simm.s32 $_tile_overlayer_lowered  }
0x9b: {  	s22 =	simm.s32 $0x1BFF;
	s21 =	sshll.u32 s5, $0x1;
	s2 =	sadd.s32 s19, s18  }
0x9c: {  	s6 =	simm.s32 $0x0;
	s20 =	sshll.u32 s4, $0x1;
	s4 =	sadd.s32 s21, s2  }
0x9d: {  	[timem:s6], [sflag:s22] =	dma.local [hbm:s4], s20  }
0x9e: {  	_ =	swait.ge [sflag:s22], s20  }
0x9f: {  	s3 =	ssub.s32 $0x0, s20;
	[sflag:s22] =	ssyncset.done $0x0  }
0xa0: {  	[sflag:s22] =	ssyncadd.s32 s3;
	_ =	sdelay $0x1  }
0xa1: {  	s23 =	simm.s32 $0x1B8B  }
0xa2: {  	_ =	swait.ge [sflag:s23], $0x1  }
0xa3: {  	[sflag:s23] =	ssyncset.done $0x0  }
0xa4: {  	s25 =	simm.s32 $0x1B8E;
	s24 =	sld [smem:$0x3FFE];
	[sflag:s23] =	ssyncadd.s32 $0xFFFFFFFF  }
0xa5: {  	s26 =	simm.s32 $execute0_lowered;
	[smem:$0x3FD2] =	sst s25  }
0xa6: {  	s4 =	sshll.u32 s26, $0x1;
	_ =	strace $0x80000046;
	[dreg:$0x1] =	wrdreg $0xFFFFFFFF  }
0xa7: {  	s28 =	simm.s32 $_size_execute0_lowered;
	s2 =	sadd.s32 s2, s4;
	[dreg:$0x0] =	wrdreg $0x0  }
0xa8: {  	s4 =	sshll.u32 s28, $0x1;
	[dreg:$0x2] =	wrdreg s2  }
0xa9: {  	[dreg:$0x3] =	wrdreg s4  }
0xaa: {  	[dreg:$0x4] =	wrdreg $0xC0  }
0xab: {  	_ =	task [dreg:s6], $0x5FFFF  }
0xac: {  	[dreg:$0x1] =	wrdreg $0xFFFFFFFF  }
0xad: {  	[dreg:$0x0] =	wrdreg $0x60  }
0xae: {  	[dreg:$0x2] =	wrdreg s24  }
0xaf: {  	[dreg:$0x3] =	wrdreg $0x0  }
0xb0: {  	[dreg:$0x4] =	wrdreg $0x9  }
0xb1: {  	_ =	task.clear_ibuf [dreg:s6], $0x5FFFF;
	_ =	strace $0x90000046  }
0xb2: {  	s29 =	simm.s32 $0x9;
	_ =	strace $0x80000048  }
0xb3: {  	_ =	swait.ge [sflag:s29], $0x1  }
0xb4: {  	[sflag:s29] =	ssyncadd.s32 $0xFFFFFFFF  }
0xb5: {  	_ =	strace $0x90000048  }
0xb6: {  	_ =	sfence  }
0xb7: {  	s30 =	sld [smem:$0x0];
	_ =	sdelay $0x2  }
0xb8: {  	s31 =	sshll.u32 s1, $0xD;
	s1 =	sshrl.u32 s1, $0x2  }
0xb9: {  	s3 =	sand.u32 $0x4000, s31;
	s1 =	sadd.s32 s1, s30  }
0xba: {  	s0 =	sor.u32 s3, s0;
	s1 =	sshll.u32 s1, $0x11  }
0xbb: {  	s0 =	sor.u32 s1, s0  }
0xbc: {  	s0 =	sadd.s32 $0x8F2B, s0  }
0xbd: {  	[sflag:s0] =	ssyncadd.remote.s32 $0x1  }
0xbe: {  	_ =	sfence.sel $0xFFFF  }
0xbf: {  	[dreg:$0x0] =	wrdreg $0xFFFFFFFF;
	(pc) =	sbr.abs _section_cstart, $3  }
0xc0: {  	[dreg:$0x1] =	wrdreg $0xFFFFFFFF  }
0xc1: {  	_ =	task.clear_ibuf [dreg:s6], $0x2FFFF;
	_ =	strace $0x9FFFFFFF  }
0xc2: {  	(tm) =	ssettm $0x7FFFFFFF  }
0xc3: {  	_ =	shalt  }
tec
execute0_lowered:
.L_overlay_start_1:
0x0: {  	(tag) =	ssettag $0x1  }
0x1: {  	s0 =	srdreg.scid;
	s6 =	rddreg [dreg:$0x0]  }
0x2: {  	s2 =	rddreg [dreg:$0x1];
	s3 =	simm.s32 $0x0;
	s13 =	simm.s32 $0xC800  }
0x3: {  	s14 =	simm.s32 $0x7D;
	s15 =	simm.s32 $0x11800;
	s16 =	simm.s32 $0x1  }
0x4: {  	s17 =	simm.s32 $0x11780;
	s5 =	sand.u32 $0x1, s0;
	s0 =	stileid.u32  }
0x5: {  	s18 =	simm.s32 $0x13F10;
	s19 =	simm.s32 $0x0;
	s8 =	smul.u32 $0xC800, s0  }
0x6: {  	[smem:$0x7FF] =	sst s3;
	s4 =	sadd.s32 $0x3200, s6;
	s9 =	smul.u32 $0x1900, s0  }
0x7: {  	s1 =	sshll.u32 s5, $0x4;
	s10 =	smul.u32 $0x19000, s5;
	s5 =	ssub.s32 $0x2, s5  }
0x8: {  	s31 =	sshll.u32 s0, $0x6;
	s1 =	sor.u32 s0, s1;
	s29 =	sshrl.u32 s5, $0x1  }
0x9: {  	s7 =	smul.u32 $0x500, s1;
	s1 =	rddreg [dreg:$0x2];
	_ =	strace $0x80000047  }
0xa: {  	s28 =	sshrl.u32 s8, $0x3;
	s9 =	sadd.s32 s9, s10;
	s30 =	ssub.s32 s5, s29  }
0xb: {  	s12 =	sadd.s32 s8, s2;
	s9 =	sadd.s32 s9, s6;
	s10 =	smax.u32 s30, $0x1  }
0xc: {  	s11 =	sadd.s32 s7, s6;
	s7 =	sadd.s32 s28, s6;
	s6 =	sor.u32 $0x1C02, s31  }
0xd: {  	s9 =	sadd.s32 $0x49200, s9;
	s5 =	sadd.s32 $0x30200, s7;
	s7 =	sadd.s32 $0x1C200, s11  }
0xe: {  	s8 =	sadd.s32 $0x26200, s11;
	s11 =	sshrl.u32 s12, $0x3;
	s12 =	simm.s32 $0x2  }
.LBB2_1:
0xf: {  	[spmem:s11], [sflag:s6] =	dma.local [hbm:s5], $0x1900  }
0x10: {  	_ =	swait.ge [sflag:s12], $0x1900  }
0x11: {  	[sflag:s12] =	ssyncset.done $0x0  }
0x12: {  	[sflag:s12] =	ssyncadd.s32 $0xFFFFE700  }
0x13: {  	[tilespmem:s13], [sflag:$0x2] =	stream.linear.gather [hbm4b:s7+s3], $0x2800, $0x38;
	[tilespmem:$0x16620] =	vst v63  }
0x14: {  	_ =	swait.ge [sflag:s12], $0x2800  }
0x15: {  	[sflag:s12] =	ssyncset.done $0x0  }
0x16: {  	s20 =	simm.s32 $0xF000;
	[sflag:s12] =	ssyncadd.s32 $0xFFFFD800  }
0x17: {  	[tilespmem:s20], [sflag:$0x2] =	stream.linear.gather [hbm4b:s8+s3], $0x2800, $0x38;
	[tilespmem:$0x16620] =	vst v63  }
0x18: {  	_ =	swait.ge [sflag:s12], $0x2800  }
0x19: {  	s21 =	sand.u32 $0x1, s3;
	[sflag:s12] =	ssyncset.done $0x0  }
0x1a: {  	s22 =	sxor.u32 $0x1, s21;
	[sflag:s12] =	ssyncadd.s32 $0xFFFFD800  }
0x1b: {  	s22 =	smul.u32 $0x9C40, s22;
	[bflag:$0x0] =	sbarrier.arrive $0xFFFF  }
0x1c: {  	[tilespmem:s15], [sflag:$0x1] =	stream.indirect.gather [hbm4b:s4+s14], $0x50, s13, s14, $0xb8;
	[tilespmem:$0x16620] =	vst v63  }
0x1d: {  	s23 =	simm.s32 $0xC880;
	s21 =	smul.u32 $0x9C40, s21;
	_ =	swait.ge [sflag:s16], $0x2710  }
0x1e: {  	s31 =	simm.s32 $0x1;
	s22 =	sshrl.u32 s22, $0x2;
	[sflag:s16] =	ssyncset.done $0x0  }
0x1f: {  	s21 =	sshrl.u32 s21, $0x2;
	s22 =	sadd.s32 $0x11800, s22;
	[sflag:s16] =	ssyncadd.s32 $0xFFFFD8F0  }
0x20: {  	[tilespmem:s22], [sflag:$0x1] =	stream.indirect.gather [hbm4b:s4+s14], $0x50, s23, s14, $0xb8;
	[tilespmem:$0x16620] =	vst v63  }
0x21: {  	s21 =	sadd.s32 $0x11800, s21;
	s23 =	simm.s32 $0x2;
	s22 =	sand.u32 $0x1, s31  }
0x22: {  	[spmem:s2] =	stream.indirect.scatter.add.f32 [tilespmem:s21], [sflag:$0x2], $0x50, s20, s14, $0xb8;
	[tilespmem:$0x16620] =	vst v63  }
0x23: {  	s20 =	simm.s32 $0xC900;
	s21 =	simm.s32 $0xF080;
	_ =	swait.ge [sflag:s12], $0x2710  }
.LBB2_2:
0x24: {  	s24 =	sxor.u32 $0x1, s22  }
0x25: {  	[sflag:s12] =	ssyncset.done $0x0;
	s25 =	smov.u32 s23;
	s26 =	sadd.s32 $0x1, s23  }
0x26: {  	p0 =	sne.s32 s23, $0x4E;
	s23 =	smul.u32 $0x9C40, s24;
	[sflag:s12] =	ssyncadd.s32 $0xFFFFD8F0  }
0x27: {  	_ =	swait.ge [sflag:s16], $0x2710  }
0x28: {  	s22 =	smul.u32 $0x9C40, s22;
	[sflag:s16] =	ssyncset.done $0x0;
	s23 =	sshrl.u32 s23, $0x2  }
0x29: {  	[sflag:s16] =	ssyncadd.s32 $0xFFFFD8F0;
	s23 =	sadd.s32 $0x11800, s23  }
0x2a: {  	[tilespmem:s23], [sflag:$0x1] =	stream.indirect.gather [hbm4b:s4+s14], $0x50, s20, s14, $0xb8;
	[tilespmem:$0x16620] =	vst v63  }
.Ltmp0:
0x2b: {  	_ = 	snop;
	(pc) =	sbr.rel @p0 .LBB2_2-.Ltmp0, $4  }
0x2c: {  	s22 =	sshrl.u32 s22, $0x2  }
0x2d: {  	s22 =	sadd.s32 $0x11800, s22;
	s20 =	sadd.s32 $0x80, s20;
	s23 =	smov.u32 s26  }
0x2e: {  	[spmem:s2] =	stream.indirect.scatter.add.f32 [tilespmem:s22], [sflag:$0x2], $0x50, s21, s14, $0xb8;
	[tilespmem:$0x16620] =	vst v63  }
0x2f: {  	s22 =	sand.u32 $0x1, s25;
	s21 =	sadd.s32 $0x80, s21;
	_ =	swait.ge [sflag:s12], $0x2710  }
0x30: {  	s23 =	sxor.u32 $0x1, s22;
	[sflag:s12] =	ssyncset.done $0x0  }
0x31: {  	s23 =	smul.u32 $0x9C40, s23;
	[sflag:s12] =	ssyncadd.s32 $0xFFFFD8F0  }
0x32: {  	s30 =	smul.u32 $0x9C40, s22;
	_ =	swait.ge [sflag:s16], $0x2710  }
0x33: {  	[sflag:s16] =	ssyncset.done $0x0;
	s23 =	sshrl.u32 s23, $0x2  }
0x34: {  	s31 =	sshrl.u32 s30, $0x2;
	[sflag:s16] =	ssyncadd.s32 $0xFFFFD8F0;
	s23 =	sadd.s32 $0x11800, s23  }
0x35: {  	[tilespmem:s23], [sflag:$0x1] =	stream.indirect.gather [hbm4b:s4+s14], $0x50, s20, s14, $0xb8;
	[tilespmem:$0x16620] =	vst v63  }
0x36: {  	s20 =	sadd.s32 $0x11800, s31  }
0x37: {  	[spmem:s2] =	stream.indirect.scatter.add.f32 [tilespmem:s20], [sflag:$0x2], $0x50, s21, s14, $0xb8;
	[tilespmem:$0x16620] =	vst v63  }
0x38: {  	_ =	swait.ge [sflag:s12], $0x2710  }
0x39: {  	[sflag:s12] =	ssyncset.done $0x0  }
0x3a: {  	[sflag:s12] =	ssyncadd.s32 $0xFFFFD8F0  }
0x3b: {  	_ =	swait.ge [sflag:s16], $0x2710  }
0x3c: {  	[sflag:s16] =	ssyncset.done $0x0  }
0x3d: {  	[sflag:s16] =	ssyncadd.s32 $0xFFFFD8F0  }
0x3e: {  	[spmem:s2] =	stream.indirect.scatter.add.f32 [tilespmem:s18], [sflag:$0x2], $0x50, s17, s14, $0xb8;
	[tilespmem:$0x16620] =	vst v63  }
0x3f: {  	_ =	swait.ge [sflag:s12], $0x2710  }
0x40: {  	s19 =	sadd.s32 $0x1, s19;
	[sflag:s12] =	ssyncset.done $0x0  }
0x41: {  	p0 =	sne.s32 s19, s10;
	[sflag:s12] =	ssyncadd.s32 $0xFFFFD8F0  }
.Ltmp1:
0x42: {  	[bflag:$0x0] =	sbarrier.arrive $0xFFFF;
	(pc) =	sbr.rel @p0 .LBB2_1-.Ltmp1, $4  }
0x43: {  	[hbm:s9], [sflag:s6] =	dma.local [spmem:s11], $0x1900  }
0x44: {  	_ =	swait.ge [sflag:s12], $0x1900  }
0x45: {  	[sflag:s12] =	ssyncset.done $0x0  }
0x46: {  	[sflag:s12] =	ssyncadd.s32 $0xFFFFE700  }
0x47: {  	_ =	sfence.sel $0x180000  }
0x48: {  	[bflag:$0x0] =	sbarrier.arrive $0xFFFF  }
0x49: {  	p0 =	sne.s32 s0, $0x0;
	_ =	strace $0x90000047  }
0x4a: {  	s0 =	sadd.s32 @!p0 $0x100000, s1;
	[bflag:$0x2] =	sbarrier.arrive $0xFFFF  }
0x4b: {  	[sflag:s0] =	ssyncadd.tile.s32 @!p0 $0x1;
	_ =	shalt  }
.Lfunc_end2:
_tile_overlayer_lowered:
.L_overlay_start_2:
0x4c: {  	(tag) =	ssettag $0x2  }
0x4d: {  	s0 =	rddreg [dreg:$0x0];
	s2 =	stileid.u32  }
0x4e: {  	s1 =	rddreg [dreg:$0x1];
	p0 =	sne.s32 s2, $0x0  }
0x4f: {  	s3 =	rddreg [dreg:$0x2];
	[bflag:$0x3] =	sbarrier.arrive $0xFFFF;
	s2 =	simm.s32 @!p0 $0x1C02  }
0x50: {  	[timem:s3], [sflag:s2] =	dma.local @!p0 [hbm:s0], s1  }
0x51: {  	s0 =	simm.s32 @!p0 $0x2  }
0x52: {  	_ =	swait.ge @!p0 [sflag:s0], s1  }
0x53: {  	s1 =	ssub.s32 @!p0 $0x0, s1;
	[sflag:s0] =	ssyncset.done @!p0 $0x0  }
0x54: {  	[sflag:s0] =	ssyncadd.s32 @!p0 s1  }
0x55: {  	[bflag:$0x3] =	sbarrier.arrive $0xFFFF  }
0x56: {  	_ =	shalt  }

// kernel: kernel.17.cloned.1.call-start
scs
__scs_entry_jumppad:
0x0: {  	(pc) =	sbr.rel $0x88, $3  }
0x1: {  	(tag) =	ssettag $0x0;
	lr =	simm.s32 $0x1  }
0x2: {  	[smem:$0x3F8D] =	sst lr;
	_ =	strace $0xD0000000  }
0x3: {  	_ = 	snop  }
0x4: {  	_ = 	snop  }
0x5: {  	_ = 	snop  }
0x6: {  	_ = 	snop  }
0x7: {  	_ = 	snop  }
__scs_overlays_trampoline_lowered:
0x8: {  	[smem:$0x3F9C] =	sst s0  }
0x9: {  	[smem:$0x3F9D] =	sst s1  }
0xa: {  	[smem:$0x3F9E] =	sst s2  }
0xb: {  	[smem:$0x3F9F] =	sst s3  }
0xc: {  	[smem:$0x3FA0] =	sst s4  }
0xd: {  	[smem:$0x3FA1] =	sst s5  }
0xe: {  	[smem:$0x3FA2] =	sst s6  }
0xf: {  	[smem:$0x3FA3] =	sst s7  }
0x10: {  	[smem:$0x3FA4] =	sst s8  }
0x11: {  	[smem:$0x3FA5] =	sst s9;
	s0 =	simm.s32 @!p0 $0x0  }
0x12: {  	s1 =	sld [smem:$0x3F8B];
	s0 =	simm.s32 @p0 $0x1  }
0x13: {  	[smem:$0x3FA6] =	sst s0;
	s0 =	simm.s32 @!p1 $0x0  }
0x14: {  	s2 =	sld [smem:$0x3F8A];
	s0 =	simm.s32 @p1 $0x1  }
0x15: {  	[smem:$0x3FA7] =	sst s0;
	s0 =	simm.s32 @!p2 $0x0  }
0x16: {  	s3 =	sld [smem:$0x3FDB];
	s0 =	simm.s32 @p2 $0x1  }
0x17: {  	s4 =	simm.s32 $0x1BF5;
	[smem:$0x3FA9] =	sst s0  }
0x18: {  	s0 =	sld [smem:$0x3F8C];
	_ =	swait.ge [sflag:s4], $0x0  }
0x19: {  	s7 =	sld [smem:$0x3F8D]  }
0x1a: {  	s8 =	sadd.s32 $0xFFFFE003, lr  }
0x1b: {  	s9 =	sadd.s32 $0xFFFFFEF7, lr;
	s5 =	simm.s32 $0xFFFFFFFF;
	p2 =	slt.u32 s8, $0xFFFFF086  }
0x1c: {  	p1 =	slt.u32 s9, $0xF7A;
	s5 =	simm.s32 @!p2 $0x0  }
0x1d: {  	s5 =	simm.s32 @p1 $0x1;
	p0 =	seq.s32 s7, s2  }
0x1e: {  	s7 =	smul.u32 @!p0 $0xF7A, s2;
	p2 =	seq.s32 @!p0 s5, $0x0  }
0x1f: {  	s9 =	smul.u32 $0xF7A, s1;
	s8 =	simm.s32 @!p0 $0x1BF5;
	p2 =	por !p2, p0  }
0x20: {  	[sflag:s8] =	ssyncset.s32 @!p0 $0xFFFFF086;
	s6 =	sadd.s32 @!p0 s3, s7;
	s7 =	simm.s32 @!p0 $0x108  }
0x21: {  	s3 =	sadd.s32 s3, s9;
	s6 =	sadd.s32 @!p0 $0x88, s6;
	s7 =	simm.s32 @p2 $0x1082  }
0x22: {  	[simem:s7], [sflag:s8] =	dma.local @!p0 [hbm:s6], $0xF7A  }
0x23: {  	s9 =	sor.u32 $0xD0000000, s2;
	s6 =	simm.s32 $0x108;
	_ =	swait.ge @!p0 [sflag:s8], $0x0  }
0x24: {  	s3 =	sadd.s32 $0x88, s3;
	s6 =	simm.s32 @!p1 $0x1082;
	[sflag:s4] =	ssyncset.s32 $0xFFFFF086  }
0x25: {  	[simem:s6], [sflag:s4] =	dma.local [hbm:s3], $0xF7A  }
0x26: {  	[smem:$0x3F8D] =	sst s1;
	(tag) =	ssettag s2;
	_ =	strace s9  }
0x27: {  	s1 =	sld [smem:$0x3F9D]  }
0x28: {  	s2 =	sld [smem:$0x3F9E]  }
0x29: {  	s4 =	sld [smem:$0x3FA0]  }
0x2a: {  	p0 =	seq.s32 s5, $0x0;
	s5 =	sld [smem:$0x3FA1]  }
0x2b: {  	s6 =	sld [smem:$0x3FA2]  }
0x2c: {  	s7 =	sld [smem:$0x3FA3]  }
0x2d: {  	s3 =	simm.s32 $0x108;
	s8 =	sld [smem:$0x3FA4]  }
0x2e: {  	s3 =	simm.s32 @!p0 $0x1082;
	s9 =	sld [smem:$0x3FA5]  }
0x2f: {  	lr =	sadd.s32 s0, s3;
	s0 =	sld [smem:$0x3F9C]  }
0x30: {  	s3 =	sld [smem:$0x3F9F]  }
0x31: {  	[smem:$0x3FA8] =	sst s10  }
0x32: {  	s10 =	sld [smem:$0x3FA6];
	_ =	sdelay $0x3  }
0x33: {  	p0 =	seq.s32 s10, $0x1;
	s10 =	sld [smem:$0x3FA8];
	_ =	sdelay $0x3  }
0x34: {  	[smem:$0x3FA8] =	sst s10  }
0x35: {  	s10 =	sld [smem:$0x3FA7];
	_ =	sdelay $0x3  }
0x36: {  	p1 =	seq.s32 s10, $0x1;
	s10 =	sld [smem:$0x3FA8];
	_ =	sdelay $0x3  }
0x37: {  	[smem:$0x3FA8] =	sst s10  }
0x38: {  	s10 =	sld [smem:$0x3FA9]  }
0x39: {  	_ = 	snop;
	(pc) =	sbr.ind lr, $3  }
0x3a: {  	_ = 	snop  }
0x3b: {  	_ = 	snop  }
0x3c: {  	p2 =	seq.s32 s10, $0x1;
	s10 =	sld [smem:$0x3FA8]  }
0x3d: {  	_ =	shalt  }
0x3e: {  	_ =	shalt  }
0x3f: {  	_ =	shalt  }
0x40: {  	_ =	shalt  }
0x41: {  	_ =	shalt  }
0x42: {  	_ =	shalt  }
0x43: {  	_ =	shalt  }
0x44: {  	_ =	shalt  }
0x45: {  	_ =	shalt  }
0x46: {  	_ =	shalt  }
0x47: {  	_ =	shalt  }
0x48: {  	_ =	shalt  }
0x49: {  	_ =	shalt  }
0x4a: {  	_ =	shalt  }
0x4b: {  	_ =	shalt  }
0x4c: {  	_ =	shalt  }
0x4d: {  	_ =	shalt  }
0x4e: {  	_ =	shalt  }
0x4f: {  	_ =	shalt  }
0x50: {  	_ =	shalt  }
0x51: {  	_ =	shalt  }
0x52: {  	_ =	shalt  }
0x53: {  	_ =	shalt  }
0x54: {  	_ =	shalt  }
0x55: {  	_ =	shalt  }
0x56: {  	_ =	shalt  }
0x57: {  	_ =	shalt  }
0x58: {  	_ =	shalt  }
0x59: {  	_ =	shalt  }
0x5a: {  	_ =	shalt  }
0x5b: {  	_ =	shalt  }
0x5c: {  	_ =	shalt  }
0x5d: {  	_ =	shalt  }
0x5e: {  	_ =	shalt  }
0x5f: {  	_ =	shalt  }
0x60: {  	_ =	shalt  }
0x61: {  	_ =	shalt  }
0x62: {  	_ =	shalt  }
0x63: {  	_ =	shalt  }
0x64: {  	_ =	shalt  }
0x65: {  	_ =	shalt  }
0x66: {  	_ =	shalt  }
0x67: {  	_ =	shalt  }
0x68: {  	_ =	shalt  }
0x69: {  	_ =	shalt  }
0x6a: {  	_ =	shalt  }
0x6b: {  	_ =	shalt  }
0x6c: {  	_ =	shalt  }
0x6d: {  	_ =	shalt  }
0x6e: {  	_ =	shalt  }
0x6f: {  	_ =	shalt  }
0x70: {  	_ =	shalt  }
0x71: {  	_ =	shalt  }
0x72: {  	_ =	shalt  }
0x73: {  	_ =	shalt  }
0x74: {  	_ =	shalt  }
0x75: {  	_ =	shalt  }
0x76: {  	_ =	shalt  }
0x77: {  	_ =	shalt  }
0x78: {  	_ =	shalt  }
0x79: {  	_ =	shalt  }
0x7a: {  	_ =	shalt  }
0x7b: {  	_ =	shalt  }
0x7c: {  	_ =	shalt  }
0x7d: {  	_ =	shalt  }
0x7e: {  	_ =	shalt  }
0x7f: {  	_ =	shalt  }
0x80: {  	_ =	shalt  }
0x81: {  	_ =	shalt  }
0x82: {  	_ =	shalt  }
0x83: {  	_ =	shalt  }
0x84: {  	_ =	shalt  }
0x85: {  	_ =	shalt  }
0x86: {  	_ =	shalt  }
0x87: {  	_ =	shalt  }
.Lfunc_end0:
.L_simem_size_0:
called_computation.1_lowered:
.L_overlay_start_0:
0x88: {  	s2 =	sld [smem:$0x3FD9]  }
0x89: {  	s3 =	sld [smem:$0x3FFE];
	_ =	sdelay $0x1  }
0x8a: {  	s1 =	srdreg.scid  }
0x8b: {  	s0 =	sand.u32 $0x1, s1  }
0x8c: {  	s16 =	sshll.u32 s0, $0xA;
	s2 =	sadd.s32 s3, s2  }
0x8d: {  	s2 =	sadd.s32 s2, s16  }
0x8e: {  	[smem:$0x3FB4] =	sst s2  }
0x8f: {  	_ = 	snop  }
0x90: {  	(tm) =	ssettm $0x1  }
0x91: {  	s17 =	sld [smem:$0x3FFB];
	_ =	sdelay $0x3  }
0x92: {  	_ =	strace s17  }
0x93: {  	s2 =	sld [smem:$0x3FFC];
	_ =	sdelay $0x3  }
0x94: {  	_ =	strace s2  }
0x95: {  	s2 =	sld [smem:$0x3FFD];
	_ =	sdelay $0x3  }
0x96: {  	_ =	strace s2  }
0x97: {  	_ =	strace $0x8FFFFFFF  }
0x98: {  	s18 =	sld [smem:$0x3FDB];
	_ =	sdelay $0x1  }
0x99: {  	s19 =	simm.s32 $_scs_section_size  }
0x9a: {  	s4 =	simm.s32 $_size__tile_overlayer_lowered;
	s5 =	simm.s32 $_tile_overlayer_lowered  }
0x9b: {  	s22 =	simm.s32 $0x1BFF;
	s21 =	sshll.u32 s5, $0x1;
	s2 =	sadd.s32 s19, s18  }
0x9c: {  	s6 =	simm.s32 $0x0;
	s20 =	sshll.u32 s4, $0x1;
	s4 =	sadd.s32 s21, s2  }
0x9d: {  	[timem:s6], [sflag:s22] =	dma.local [hbm:s4], s20  }
0x9e: {  	_ =	swait.ge [sflag:s22], s20  }
0x9f: {  	s3 =	ssub.s32 $0x0, s20;
	[sflag:s22] =	ssyncset.done $0x0  }
0xa0: {  	[sflag:s22] =	ssyncadd.s32 s3;
	_ =	sdelay $0x1  }
0xa1: {  	s23 =	simm.s32 $0x1B8B  }
0xa2: {  	_ =	swait.ge [sflag:s23], $0x1  }
0xa3: {  	[sflag:s23] =	ssyncset.done $0x0  }
0xa4: {  	s25 =	simm.s32 $0x1B8E;
	s24 =	sld [smem:$0x3FFE];
	[sflag:s23] =	ssyncadd.s32 $0xFFFFFFFF  }
0xa5: {  	s26 =	simm.s32 $execute0_lowered;
	[smem:$0x3FD2] =	sst s25  }
0xa6: {  	s4 =	sshll.u32 s26, $0x1;
	_ =	strace $0x80000049;
	[dreg:$0x1] =	wrdreg $0xFFFFFFFF  }
0xa7: {  	s28 =	simm.s32 $_size_execute0_lowered;
	s2 =	sadd.s32 s2, s4;
	[dreg:$0x0] =	wrdreg $0x0  }
0xa8: {  	s4 =	sshll.u32 s28, $0x1;
	[dreg:$0x2] =	wrdreg s2  }
0xa9: {  	[dreg:$0x3] =	wrdreg s4  }
0xaa: {  	[dreg:$0x4] =	wrdreg $0xC0  }
0xab: {  	_ =	task [dreg:s6], $0x5FFFF  }
0xac: {  	[dreg:$0x1] =	wrdreg $0xFFFFFFFF  }
0xad: {  	[dreg:$0x0] =	wrdreg $0x60  }
0xae: {  	[dreg:$0x2] =	wrdreg s24  }
0xaf: {  	[dreg:$0x3] =	wrdreg $0x0  }
0xb0: {  	[dreg:$0x4] =	wrdreg $0x9  }
0xb1: {  	_ =	task.clear_ibuf [dreg:s6], $0x5FFFF;
	_ =	strace $0x90000049  }
0xb2: {  	s29 =	simm.s32 $0x9;
	_ =	strace $0x8000004B  }
0xb3: {  	_ =	swait.ge [sflag:s29], $0x1  }
0xb4: {  	[sflag:s29] =	ssyncadd.s32 $0xFFFFFFFF  }
0xb5: {  	_ =	strace $0x9000004B  }
0xb6: {  	_ =	sfence  }
0xb7: {  	s30 =	sld [smem:$0x0];
	_ =	sdelay $0x2  }
0xb8: {  	s31 =	sshll.u32 s1, $0xD;
	s1 =	sshrl.u32 s1, $0x2  }
0xb9: {  	s3 =	sand.u32 $0x4000, s31;
	s1 =	sadd.s32 s1, s30  }
0xba: {  	s0 =	sor.u32 s3, s0;
	s1 =	sshll.u32 s1, $0x11  }
0xbb: {  	s0 =	sor.u32 s1, s0  }
0xbc: {  	s0 =	sadd.s32 $0x8F2B, s0  }
0xbd: {  	[sflag:s0] =	ssyncadd.remote.s32 $0x1  }
0xbe: {  	_ =	sfence.sel $0xFFFF  }
0xbf: {  	[dreg:$0x0] =	wrdreg $0xFFFFFFFF;
	(pc) =	sbr.abs _section_cstart, $3  }
0xc0: {  	[dreg:$0x1] =	wrdreg $0xFFFFFFFF  }
0xc1: {  	_ =	task.clear_ibuf [dreg:s6], $0x2FFFF;
	_ =	strace $0x9FFFFFFF  }
0xc2: {  	(tm) =	ssettm $0x7FFFFFFF  }
0xc3: {  	_ =	shalt  }
tec
execute0_lowered:
.L_overlay_start_1:
0x0: {  	(tag) =	ssettag $0x1  }
0x1: {  	s0 =	srdreg.scid;
	s6 =	rddreg [dreg:$0x0]  }
0x2: {  	s2 =	rddreg [dreg:$0x1];
	s3 =	simm.s32 $0x0;
	s13 =	simm.s32 $0xA000  }
0x3: {  	s14 =	simm.s32 $0x7D;
	s15 =	simm.s32 $0xF000;
	s16 =	simm.s32 $0x1  }
0x4: {  	s17 =	simm.s32 $0xEF80;
	s5 =	sand.u32 $0x1, s0;
	s0 =	stileid.u32  }
0x5: {  	s18 =	simm.s32 $0x10F40;
	s19 =	simm.s32 $0x0;
	s8 =	smul.u32 $0xA000, s0  }
0x6: {  	[smem:$0x7FF] =	sst s3;
	s4 =	sadd.s32 $0x3200, s6;
	s9 =	smul.u32 $0x1400, s0  }
0x7: {  	s1 =	sshll.u32 s5, $0x4;
	s10 =	smul.u32 $0x14000, s5;
	s5 =	ssub.s32 $0x2, s5  }
0x8: {  	s31 =	sshll.u32 s0, $0x6;
	s1 =	sor.u32 s0, s1;
	s29 =	sshrl.u32 s5, $0x1  }
0x9: {  	s7 =	smul.u32 $0x500, s1;
	s1 =	rddreg [dreg:$0x2];
	_ =	strace $0x8000004A  }
0xa: {  	s28 =	sshrl.u32 s8, $0x3;
	s9 =	sadd.s32 s9, s10;
	s30 =	ssub.s32 s5, s29  }
0xb: {  	s12 =	sadd.s32 s8, s2;
	s9 =	sadd.s32 s9, s6;
	s10 =	smax.u32 s30, $0x1  }
0xc: {  	s11 =	sadd.s32 s7, s6;
	s7 =	sadd.s32 s28, s6;
	s6 =	sor.u32 $0x1C02, s31  }
0xd: {  	s9 =	sadd.s32 $0xCB200, s9;
	s5 =	sadd.s32 $0x49200, s7;
	s7 =	sadd.s32 $0x1C200, s11  }
0xe: {  	s8 =	sadd.s32 $0x26200, s11;
	s11 =	sshrl.u32 s12, $0x3;
	s12 =	simm.s32 $0x2  }
.LBB2_1:
0xf: {  	[spmem:s11], [sflag:s6] =	dma.local [hbm:s5], $0x1400  }
0x10: {  	_ =	swait.ge [sflag:s12], $0x1400  }
0x11: {  	[sflag:s12] =	ssyncset.done $0x0  }
0x12: {  	[sflag:s12] =	ssyncadd.s32 $0xFFFFEC00  }
0x13: {  	[tilespmem:s13], [sflag:$0x2] =	stream.linear.gather [hbm4b:s7+s3], $0x2800, $0x38;
	[tilespmem:$0x12E80] =	vst v63  }
0x14: {  	_ =	swait.ge [sflag:s12], $0x2800  }
0x15: {  	[sflag:s12] =	ssyncset.done $0x0  }
0x16: {  	s20 =	simm.s32 $0xC800;
	[sflag:s12] =	ssyncadd.s32 $0xFFFFD800  }
0x17: {  	[tilespmem:s20], [sflag:$0x2] =	stream.linear.gather [hbm4b:s8+s3], $0x2800, $0x38;
	[tilespmem:$0x12E80] =	vst v63  }
0x18: {  	_ =	swait.ge [sflag:s12], $0x2800  }
0x19: {  	s21 =	sand.u32 $0x1, s3;
	[sflag:s12] =	ssyncset.done $0x0  }
0x1a: {  	s22 =	sxor.u32 $0x1, s21;
	[sflag:s12] =	ssyncadd.s32 $0xFFFFD800  }
0x1b: {  	s22 =	smul.u32 $0x7D00, s22;
	[bflag:$0x0] =	sbarrier.arrive $0xFFFF  }
0x1c: {  	[tilespmem:s15], [sflag:$0x1] =	stream.indirect.gather [hbm4b:s4+s14], $0x40, s13, s14, $0xb8;
	[tilespmem:$0x12E80] =	vst v63  }
0x1d: {  	s23 =	simm.s32 $0xA080;
	s21 =	smul.u32 $0x7D00, s21;
	_ =	swait.ge [sflag:s16], $0x1F40  }
0x1e: {  	s31 =	simm.s32 $0x1;
	s22 =	sshrl.u32 s22, $0x2;
	[sflag:s16] =	ssyncset.done $0x0  }
0x1f: {  	s21 =	sshrl.u32 s21, $0x2;
	s22 =	sadd.s32 $0xF000, s22;
	[sflag:s16] =	ssyncadd.s32 $0xFFFFE0C0  }
0x20: {  	[tilespmem:s22], [sflag:$0x1] =	stream.indirect.gather [hbm4b:s4+s14], $0x40, s23, s14, $0xb8;
	[tilespmem:$0x12E80] =	vst v63  }
0x21: {  	s21 =	sadd.s32 $0xF000, s21;
	s23 =	simm.s32 $0x2;
	s22 =	sand.u32 $0x1, s31  }
0x22: {  	[spmem:s2] =	stream.indirect.scatter.add.f32 [tilespmem:s21], [sflag:$0x2], $0x40, s20, s14, $0xb8;
	[tilespmem:$0x12E80] =	vst v63  }
0x23: {  	s20 =	simm.s32 $0xA100;
	s21 =	simm.s32 $0xC880;
	_ =	swait.ge [sflag:s12], $0x1F40  }
.LBB2_2:
0x24: {  	s24 =	sxor.u32 $0x1, s22  }
0x25: {  	[sflag:s12] =	ssyncset.done $0x0;
	s25 =	smov.u32 s23;
	s26 =	sadd.s32 $0x1, s23  }
0x26: {  	p0 =	sne.s32 s23, $0x4E;
	s23 =	smul.u32 $0x7D00, s24;
	[sflag:s12] =	ssyncadd.s32 $0xFFFFE0C0  }
0x27: {  	_ =	swait.ge [sflag:s16], $0x1F40  }
0x28: {  	s22 =	smul.u32 $0x7D00, s22;
	[sflag:s16] =	ssyncset.done $0x0;
	s23 =	sshrl.u32 s23, $0x2  }
0x29: {  	[sflag:s16] =	ssyncadd.s32 $0xFFFFE0C0;
	s23 =	sadd.s32 $0xF000, s23  }
0x2a: {  	[tilespmem:s23], [sflag:$0x1] =	stream.indirect.gather [hbm4b:s4+s14], $0x40, s20, s14, $0xb8;
	[tilespmem:$0x12E80] =	vst v63  }
.Ltmp0:
0x2b: {  	_ = 	snop;
	(pc) =	sbr.rel @p0 .LBB2_2-.Ltmp0, $4  }
0x2c: {  	s22 =	sshrl.u32 s22, $0x2  }
0x2d: {  	s22 =	sadd.s32 $0xF000, s22;
	s20 =	sadd.s32 $0x80, s20;
	s23 =	smov.u32 s26  }
0x2e: {  	[spmem:s2] =	stream.indirect.scatter.add.f32 [tilespmem:s22], [sflag:$0x2], $0x40, s21, s14, $0xb8;
	[tilespmem:$0x12E80] =	vst v63  }
0x2f: {  	s22 =	sand.u32 $0x1, s25;
	s21 =	sadd.s32 $0x80, s21;
	_ =	swait.ge [sflag:s12], $0x1F40  }
0x30: {  	s23 =	sxor.u32 $0x1, s22;
	[sflag:s12] =	ssyncset.done $0x0  }
0x31: {  	s23 =	smul.u32 $0x7D00, s23;
	[sflag:s12] =	ssyncadd.s32 $0xFFFFE0C0  }
0x32: {  	s30 =	smul.u32 $0x7D00, s22;
	_ =	swait.ge [sflag:s16], $0x1F40  }
0x33: {  	[sflag:s16] =	ssyncset.done $0x0;
	s23 =	sshrl.u32 s23, $0x2  }
0x34: {  	s31 =	sshrl.u32 s30, $0x2;
	[sflag:s16] =	ssyncadd.s32 $0xFFFFE0C0;
	s23 =	sadd.s32 $0xF000, s23  }
0x35: {  	[tilespmem:s23], [sflag:$0x1] =	stream.indirect.gather [hbm4b:s4+s14], $0x40, s20, s14, $0xb8;
	[tilespmem:$0x12E80] =	vst v63  }
0x36: {  	s20 =	sadd.s32 $0xF000, s31  }
0x37: {  	[spmem:s2] =	stream.indirect.scatter.add.f32 [tilespmem:s20], [sflag:$0x2], $0x40, s21, s14, $0xb8;
	[tilespmem:$0x12E80] =	vst v63  }
0x38: {  	_ =	swait.ge [sflag:s12], $0x1F40  }
0x39: {  	[sflag:s12] =	ssyncset.done $0x0  }
0x3a: {  	[sflag:s12] =	ssyncadd.s32 $0xFFFFE0C0  }
0x3b: {  	_ =	swait.ge [sflag:s16], $0x1F40  }
0x3c: {  	[sflag:s16] =	ssyncset.done $0x0  }
0x3d: {  	[sflag:s16] =	ssyncadd.s32 $0xFFFFE0C0  }
0x3e: {  	[spmem:s2] =	stream.indirect.scatter.add.f32 [tilespmem:s18], [sflag:$0x2], $0x40, s17, s14, $0xb8;
	[tilespmem:$0x12E80] =	vst v63  }
0x3f: {  	_ =	swait.ge [sflag:s12], $0x1F40  }
0x40: {  	s19 =	sadd.s32 $0x1, s19;
	[sflag:s12] =	ssyncset.done $0x0  }
0x41: {  	p0 =	sne.s32 s19, s10;
	[sflag:s12] =	ssyncadd.s32 $0xFFFFE0C0  }
.Ltmp1:
0x42: {  	[bflag:$0x0] =	sbarrier.arrive $0xFFFF;
	(pc) =	sbr.rel @p0 .LBB2_1-.Ltmp1, $4  }
0x43: {  	[hbm:s9], [sflag:s6] =	dma.local [spmem:s11], $0x1400  }
0x44: {  	_ =	swait.ge [sflag:s12], $0x1400  }
0x45: {  	[sflag:s12] =	ssyncset.done $0x0  }
0x46: {  	[sflag:s12] =	ssyncadd.s32 $0xFFFFEC00  }
0x47: {  	_ =	sfence.sel $0x180000  }
0x48: {  	[bflag:$0x0] =	sbarrier.arrive $0xFFFF  }
0x49: {  	p0 =	sne.s32 s0, $0x0;
	_ =	strace $0x9000004A  }
0x4a: {  	s0 =	sadd.s32 @!p0 $0x100000, s1;
	[bflag:$0x2] =	sbarrier.arrive $0xFFFF  }
0x4b: {  	[sflag:s0] =	ssyncadd.tile.s32 @!p0 $0x1;
	_ =	shalt  }
.Lfunc_end2:
_tile_overlayer_lowered:
.L_overlay_start_2:
0x4c: {  	(tag) =	ssettag $0x2  }
0x4d: {  	s0 =	rddreg [dreg:$0x0];
	s2 =	stileid.u32  }
0x4e: {  	s1 =	rddreg [dreg:$0x1];
	p0 =	sne.s32 s2, $0x0  }
0x4f: {  	s3 =	rddreg [dreg:$0x2];
	[bflag:$0x3] =	sbarrier.arrive $0xFFFF;
	s2 =	simm.s32 @!p0 $0x1C02  }
0x50: {  	[timem:s3], [sflag:s2] =	dma.local @!p0 [hbm:s0], s1  }
0x51: {  	s0 =	simm.s32 @!p0 $0x2  }
0x52: {  	_ =	swait.ge @!p0 [sflag:s0], s1  }
0x53: {  	s1 =	ssub.s32 @!p0 $0x0, s1;
	[sflag:s0] =	ssyncset.done @!p0 $0x0  }
0x54: {  	[sflag:s0] =	ssyncadd.s32 @!p0 s1  }
0x55: {  	[bflag:$0x3] =	sbarrier.arrive $0xFFFF  }
0x56: {  	_ =	shalt  }

// kernel: kernel.20.cloned.1.call-start
scs
__scs_entry_jumppad:
0x0: {  	(pc) =	sbr.rel $0x88, $3  }
0x1: {  	(tag) =	ssettag $0x0;
	lr =	simm.s32 $0x1  }
0x2: {  	[smem:$0x3F8D] =	sst lr;
	_ =	strace $0xD0000000  }
0x3: {  	_ = 	snop  }
0x4: {  	_ = 	snop  }
0x5: {  	_ = 	snop  }
0x6: {  	_ = 	snop  }
0x7: {  	_ = 	snop  }
__scs_overlays_trampoline_lowered:
0x8: {  	[smem:$0x3F9C] =	sst s0  }
0x9: {  	[smem:$0x3F9D] =	sst s1  }
0xa: {  	[smem:$0x3F9E] =	sst s2  }
0xb: {  	[smem:$0x3F9F] =	sst s3  }
0xc: {  	[smem:$0x3FA0] =	sst s4  }
0xd: {  	[smem:$0x3FA1] =	sst s5  }
0xe: {  	[smem:$0x3FA2] =	sst s6  }
0xf: {  	[smem:$0x3FA3] =	sst s7  }
0x10: {  	[smem:$0x3FA4] =	sst s8  }
0x11: {  	[smem:$0x3FA5] =	sst s9;
	s0 =	simm.s32 @!p0 $0x0  }
0x12: {  	s1 =	sld [smem:$0x3F8B];
	s0 =	simm.s32 @p0 $0x1  }
0x13: {  	[smem:$0x3FA6] =	sst s0;
	s0 =	simm.s32 @!p1 $0x0  }
0x14: {  	s2 =	sld [smem:$0x3F8A];
	s0 =	simm.s32 @p1 $0x1  }
0x15: {  	[smem:$0x3FA7] =	sst s0;
	s0 =	simm.s32 @!p2 $0x0  }
0x16: {  	s3 =	sld [smem:$0x3FDB];
	s0 =	simm.s32 @p2 $0x1  }
0x17: {  	s4 =	simm.s32 $0x1BF5;
	[smem:$0x3FA9] =	sst s0  }
0x18: {  	s0 =	sld [smem:$0x3F8C];
	_ =	swait.ge [sflag:s4], $0x0  }
0x19: {  	s7 =	sld [smem:$0x3F8D]  }
0x1a: {  	s8 =	sadd.s32 $0xFFFFE003, lr  }
0x1b: {  	s9 =	sadd.s32 $0xFFFFFEF7, lr;
	s5 =	simm.s32 $0xFFFFFFFF;
	p2 =	slt.u32 s8, $0xFFFFF086  }
0x1c: {  	p1 =	slt.u32 s9, $0xF7A;
	s5 =	simm.s32 @!p2 $0x0  }
0x1d: {  	s5 =	simm.s32 @p1 $0x1;
	p0 =	seq.s32 s7, s2  }
0x1e: {  	s7 =	smul.u32 @!p0 $0xF7A, s2;
	p2 =	seq.s32 @!p0 s5, $0x0  }
0x1f: {  	s9 =	smul.u32 $0xF7A, s1;
	s8 =	simm.s32 @!p0 $0x1BF5;
	p2 =	por !p2, p0  }
0x20: {  	[sflag:s8] =	ssyncset.s32 @!p0 $0xFFFFF086;
	s6 =	sadd.s32 @!p0 s3, s7;
	s7 =	simm.s32 @!p0 $0x108  }
0x21: {  	s3 =	sadd.s32 s3, s9;
	s6 =	sadd.s32 @!p0 $0x88, s6;
	s7 =	simm.s32 @p2 $0x1082  }
0x22: {  	[simem:s7], [sflag:s8] =	dma.local @!p0 [hbm:s6], $0xF7A  }
0x23: {  	s9 =	sor.u32 $0xD0000000, s2;
	s6 =	simm.s32 $0x108;
	_ =	swait.ge @!p0 [sflag:s8], $0x0  }
0x24: {  	s3 =	sadd.s32 $0x88, s3;
	s6 =	simm.s32 @!p1 $0x1082;
	[sflag:s4] =	ssyncset.s32 $0xFFFFF086  }
0x25: {  	[simem:s6], [sflag:s4] =	dma.local [hbm:s3], $0xF7A  }
0x26: {  	[smem:$0x3F8D] =	sst s1;
	(tag) =	ssettag s2;
	_ =	strace s9  }
0x27: {  	s1 =	sld [smem:$0x3F9D]  }
0x28: {  	s2 =	sld [smem:$0x3F9E]  }
0x29: {  	s4 =	sld [smem:$0x3FA0]  }
0x2a: {  	p0 =	seq.s32 s5, $0x0;
	s5 =	sld [smem:$0x3FA1]  }
0x2b: {  	s6 =	sld [smem:$0x3FA2]  }
0x2c: {  	s7 =	sld [smem:$0x3FA3]  }
0x2d: {  	s3 =	simm.s32 $0x108;
	s8 =	sld [smem:$0x3FA4]  }
0x2e: {  	s3 =	simm.s32 @!p0 $0x1082;
	s9 =	sld [smem:$0x3FA5]  }
0x2f: {  	lr =	sadd.s32 s0, s3;
	s0 =	sld [smem:$0x3F9C]  }
0x30: {  	s3 =	sld [smem:$0x3F9F]  }
0x31: {  	[smem:$0x3FA8] =	sst s10  }
0x32: {  	s10 =	sld [smem:$0x3FA6];
	_ =	sdelay $0x3  }
0x33: {  	p0 =	seq.s32 s10, $0x1;
	s10 =	sld [smem:$0x3FA8];
	_ =	sdelay $0x3  }
0x34: {  	[smem:$0x3FA8] =	sst s10  }
0x35: {  	s10 =	sld [smem:$0x3FA7];
	_ =	sdelay $0x3  }
0x36: {  	p1 =	seq.s32 s10, $0x1;
	s10 =	sld [smem:$0x3FA8];
	_ =	sdelay $0x3  }
0x37: {  	[smem:$0x3FA8] =	sst s10  }
0x38: {  	s10 =	sld [smem:$0x3FA9]  }
0x39: {  	_ = 	snop;
	(pc) =	sbr.ind lr, $3  }
0x3a: {  	_ = 	snop  }
0x3b: {  	_ = 	snop  }
0x3c: {  	p2 =	seq.s32 s10, $0x1;
	s10 =	sld [smem:$0x3FA8]  }
0x3d: {  	_ =	shalt  }
0x3e: {  	_ =	shalt  }
0x3f: {  	_ =	shalt  }
0x40: {  	_ =	shalt  }
0x41: {  	_ =	shalt  }
0x42: {  	_ =	shalt  }
0x43: {  	_ =	shalt  }
0x44: {  	_ =	shalt  }
0x45: {  	_ =	shalt  }
0x46: {  	_ =	shalt  }
0x47: {  	_ =	shalt  }
0x48: {  	_ =	shalt  }
0x49: {  	_ =	shalt  }
0x4a: {  	_ =	shalt  }
0x4b: {  	_ =	shalt  }
0x4c: {  	_ =	shalt  }
0x4d: {  	_ =	shalt  }
0x4e: {  	_ =	shalt  }
0x4f: {  	_ =	shalt  }
0x50: {  	_ =	shalt  }
0x51: {  	_ =	shalt  }
0x52: {  	_ =	shalt  }
0x53: {  	_ =	shalt  }
0x54: {  	_ =	shalt  }
0x55: {  	_ =	shalt  }
0x56: {  	_ =	shalt  }
0x57: {  	_ =	shalt  }
0x58: {  	_ =	shalt  }
0x59: {  	_ =	shalt  }
0x5a: {  	_ =	shalt  }
0x5b: {  	_ =	shalt  }
0x5c: {  	_ =	shalt  }
0x5d: {  	_ =	shalt  }
0x5e: {  	_ =	shalt  }
0x5f: {  	_ =	shalt  }
0x60: {  	_ =	shalt  }
0x61: {  	_ =	shalt  }
0x62: {  	_ =	shalt  }
0x63: {  	_ =	shalt  }
0x64: {  	_ =	shalt  }
0x65: {  	_ =	shalt  }
0x66: {  	_ =	shalt  }
0x67: {  	_ =	shalt  }
0x68: {  	_ =	shalt  }
0x69: {  	_ =	shalt  }
0x6a: {  	_ =	shalt  }
0x6b: {  	_ =	shalt  }
0x6c: {  	_ =	shalt  }
0x6d: {  	_ =	shalt  }
0x6e: {  	_ =	shalt  }
0x6f: {  	_ =	shalt  }
0x70: {  	_ =	shalt  }
0x71: {  	_ =	shalt  }
0x72: {  	_ =	shalt  }
0x73: {  	_ =	shalt  }
0x74: {  	_ =	shalt  }
0x75: {  	_ =	shalt  }
0x76: {  	_ =	shalt  }
0x77: {  	_ =	shalt  }
0x78: {  	_ =	shalt  }
0x79: {  	_ =	shalt  }
0x7a: {  	_ =	shalt  }
0x7b: {  	_ =	shalt  }
0x7c: {  	_ =	shalt  }
0x7d: {  	_ =	shalt  }
0x7e: {  	_ =	shalt  }
0x7f: {  	_ =	shalt  }
0x80: {  	_ =	shalt  }
0x81: {  	_ =	shalt  }
0x82: {  	_ =	shalt  }
0x83: {  	_ =	shalt  }
0x84: {  	_ =	shalt  }
0x85: {  	_ =	shalt  }
0x86: {  	_ =	shalt  }
0x87: {  	_ =	shalt  }
.Lfunc_end0:
.L_simem_size_0:
called_computation.2_lowered:
.L_overlay_start_0:
0x88: {  	s2 =	sld [smem:$0x3FD9]  }
0x89: {  	s3 =	sld [smem:$0x3FFE];
	_ =	sdelay $0x1  }
0x8a: {  	s1 =	srdreg.scid  }
0x8b: {  	s0 =	sand.u32 $0x1, s1  }
0x8c: {  	s16 =	sshll.u32 s0, $0xA;
	s2 =	sadd.s32 s3, s2  }
0x8d: {  	s2 =	sadd.s32 s2, s16  }
0x8e: {  	[smem:$0x3FB4] =	sst s2  }
0x8f: {  	_ = 	snop  }
0x90: {  	(tm) =	ssettm $0x1  }
0x91: {  	s17 =	sld [smem:$0x3FFB];
	_ =	sdelay $0x3  }
0x92: {  	_ =	strace s17  }
0x93: {  	s2 =	sld [smem:$0x3FFC];
	_ =	sdelay $0x3  }
0x94: {  	_ =	strace s2  }
0x95: {  	s2 =	sld [smem:$0x3FFD];
	_ =	sdelay $0x3  }
0x96: {  	_ =	strace s2  }
0x97: {  	_ =	strace $0x8FFFFFFF  }
0x98: {  	s18 =	sld [smem:$0x3FDB];
	_ =	sdelay $0x1  }
0x99: {  	s19 =	simm.s32 $_scs_section_size  }
0x9a: {  	s4 =	simm.s32 $_size__tile_overlayer_lowered;
	s5 =	simm.s32 $_tile_overlayer_lowered  }
0x9b: {  	s22 =	simm.s32 $0x1BFF;
	s21 =	sshll.u32 s5, $0x1;
	s2 =	sadd.s32 s19, s18  }
0x9c: {  	s6 =	simm.s32 $0x0;
	s20 =	sshll.u32 s4, $0x1;
	s4 =	sadd.s32 s21, s2  }
0x9d: {  	[timem:s6], [sflag:s22] =	dma.local [hbm:s4], s20  }
0x9e: {  	_ =	swait.ge [sflag:s22], s20  }
0x9f: {  	s3 =	ssub.s32 $0x0, s20;
	[sflag:s22] =	ssyncset.done $0x0  }
0xa0: {  	[sflag:s22] =	ssyncadd.s32 s3;
	_ =	sdelay $0x1  }
0xa1: {  	s23 =	simm.s32 $0x1B8B  }
0xa2: {  	_ =	swait.ge [sflag:s23], $0x1  }
0xa3: {  	[sflag:s23] =	ssyncset.done $0x0  }
0xa4: {  	s25 =	simm.s32 $0x1B8E;
	s24 =	sld [smem:$0x3FFE];
	[sflag:s23] =	ssyncadd.s32 $0xFFFFFFFF  }
0xa5: {  	s26 =	simm.s32 $execute0_lowered;
	[smem:$0x3FD2] =	sst s25  }
0xa6: {  	s4 =	sshll.u32 s26, $0x1;
	_ =	strace $0x8000004C;
	[dreg:$0x1] =	wrdreg $0xFFFFFFFF  }
0xa7: {  	s28 =	simm.s32 $_size_execute0_lowered;
	s2 =	sadd.s32 s2, s4;
	[dreg:$0x0] =	wrdreg $0x0  }
0xa8: {  	s4 =	sshll.u32 s28, $0x1;
	[dreg:$0x2] =	wrdreg s2  }
0xa9: {  	[dreg:$0x3] =	wrdreg s4  }
0xaa: {  	[dreg:$0x4] =	wrdreg $0xC0  }
0xab: {  	_ =	task [dreg:s6], $0x5FFFF  }
0xac: {  	[dreg:$0x1] =	wrdreg $0xFFFFFFFF  }
0xad: {  	[dreg:$0x0] =	wrdreg $0x60  }
0xae: {  	[dreg:$0x2] =	wrdreg s24  }
0xaf: {  	[dreg:$0x3] =	wrdreg $0x0  }
0xb0: {  	[dreg:$0x4] =	wrdreg $0x9  }
0xb1: {  	_ =	task.clear_ibuf [dreg:s6], $0x5FFFF;
	_ =	strace $0x9000004C  }
0xb2: {  	s29 =	simm.s32 $0x9;
	_ =	strace $0x8000004E  }
0xb3: {  	_ =	swait.ge [sflag:s29], $0x1  }
0xb4: {  	[sflag:s29] =	ssyncadd.s32 $0xFFFFFFFF  }
0xb5: {  	_ =	strace $0x9000004E  }
0xb6: {  	_ =	sfence  }
0xb7: {  	s30 =	sld [smem:$0x0];
	_ =	sdelay $0x2  }
0xb8: {  	s31 =	sshll.u32 s1, $0xD;
	s1 =	sshrl.u32 s1, $0x2  }
0xb9: {  	s3 =	sand.u32 $0x4000, s31;
	s1 =	sadd.s32 s1, s30  }
0xba: {  	s0 =	sor.u32 s3, s0;
	s1 =	sshll.u32 s1, $0x11  }
0xbb: {  	s0 =	sor.u32 s1, s0  }
0xbc: {  	s0 =	sadd.s32 $0x8F2B, s0  }
0xbd: {  	[sflag:s0] =	ssyncadd.remote.s32 $0x1  }
0xbe: {  	_ =	sfence.sel $0xFFFF  }
0xbf: {  	[dreg:$0x0] =	wrdreg $0xFFFFFFFF;
	(pc) =	sbr.abs _section_cstart, $3  }
0xc0: {  	[dreg:$0x1] =	wrdreg $0xFFFFFFFF  }
0xc1: {  	_ =	task.clear_ibuf [dreg:s6], $0x2FFFF;
	_ =	strace $0x9FFFFFFF  }
0xc2: {  	(tm) =	ssettm $0x7FFFFFFF  }
0xc3: {  	_ =	shalt  }
tec
execute0_lowered:
.L_overlay_start_1:
0x0: {  	(tag) =	ssettag $0x1  }
0x1: {  	s0 =	srdreg.scid;
	s6 =	rddreg [dreg:$0x0]  }
0x2: {  	s2 =	rddreg [dreg:$0x1];
	s3 =	simm.s32 $0x0;
	s13 =	simm.s32 $0xC800  }
0x3: {  	s14 =	simm.s32 $0x7D;
	s15 =	simm.s32 $0x11800;
	s16 =	simm.s32 $0x1  }
0x4: {  	s17 =	simm.s32 $0x11780;
	s5 =	sand.u32 $0x1, s0;
	s0 =	stileid.u32  }
0x5: {  	s18 =	simm.s32 $0x13F10;
	s19 =	simm.s32 $0x0;
	s8 =	smul.u32 $0xC800, s0  }
0x6: {  	[smem:$0x7FF] =	sst s3;
	s4 =	sadd.s32 $0x3200, s6;
	s9 =	smul.u32 $0x1900, s0  }
0x7: {  	s1 =	sshll.u32 s5, $0x4;
	s10 =	smul.u32 $0x19000, s5;
	s5 =	ssub.s32 $0x2, s5  }
0x8: {  	s31 =	sshll.u32 s0, $0x6;
	s1 =	sor.u32 s0, s1;
	s29 =	sshrl.u32 s5, $0x1  }
0x9: {  	s7 =	smul.u32 $0x500, s1;
	s1 =	rddreg [dreg:$0x2];
	_ =	strace $0x8000004D  }
0xa: {  	s28 =	sshrl.u32 s8, $0x3;
	s9 =	sadd.s32 s9, s10;
	s30 =	ssub.s32 s5, s29  }
0xb: {  	s12 =	sadd.s32 s8, s2;
	s9 =	sadd.s32 s9, s6;
	s10 =	smax.u32 s30, $0x1  }
0xc: {  	s11 =	sadd.s32 s7, s6;
	s7 =	sadd.s32 s28, s6;
	s6 =	sor.u32 $0x1C02, s31  }
0xd: {  	s9 =	sadd.s32 $0x5D200, s9;
	s5 =	sadd.s32 $0x30200, s7;
	s7 =	sadd.s32 $0x1C200, s11  }
0xe: {  	s8 =	sadd.s32 $0x26200, s11;
	s11 =	sshrl.u32 s12, $0x3;
	s12 =	simm.s32 $0x2  }
.LBB2_1:
0xf: {  	[spmem:s11], [sflag:s6] =	dma.local [hbm:s5], $0x1900  }
0x10: {  	_ =	swait.ge [sflag:s12], $0x1900  }
0x11: {  	[sflag:s12] =	ssyncset.done $0x0  }
0x12: {  	[sflag:s12] =	ssyncadd.s32 $0xFFFFE700  }
0x13: {  	[tilespmem:s13], [sflag:$0x2] =	stream.linear.gather [hbm4b:s7+s3], $0x2800, $0x38;
	[tilespmem:$0x16620] =	vst v63  }
0x14: {  	_ =	swait.ge [sflag:s12], $0x2800  }
0x15: {  	[sflag:s12] =	ssyncset.done $0x0  }
0x16: {  	s20 =	simm.s32 $0xF000;
	[sflag:s12] =	ssyncadd.s32 $0xFFFFD800  }
0x17: {  	[tilespmem:s20], [sflag:$0x2] =	stream.linear.gather [hbm4b:s8+s3], $0x2800, $0x38;
	[tilespmem:$0x16620] =	vst v63  }
0x18: {  	_ =	swait.ge [sflag:s12], $0x2800  }
0x19: {  	s21 =	sand.u32 $0x1, s3;
	[sflag:s12] =	ssyncset.done $0x0  }
0x1a: {  	s22 =	sxor.u32 $0x1, s21;
	[sflag:s12] =	ssyncadd.s32 $0xFFFFD800  }
0x1b: {  	s22 =	smul.u32 $0x9C40, s22;
	[bflag:$0x0] =	sbarrier.arrive $0xFFFF  }
0x1c: {  	[tilespmem:s15], [sflag:$0x1] =	stream.indirect.gather [hbm4b:s4+s14], $0x50, s13, s14, $0xb8;
	[tilespmem:$0x16620] =	vst v63  }
0x1d: {  	s23 =	simm.s32 $0xC880;
	s21 =	smul.u32 $0x9C40, s21;
	_ =	swait.ge [sflag:s16], $0x2710  }
0x1e: {  	s31 =	simm.s32 $0x1;
	s22 =	sshrl.u32 s22, $0x2;
	[sflag:s16] =	ssyncset.done $0x0  }
0x1f: {  	s21 =	sshrl.u32 s21, $0x2;
	s22 =	sadd.s32 $0x11800, s22;
	[sflag:s16] =	ssyncadd.s32 $0xFFFFD8F0  }
0x20: {  	[tilespmem:s22], [sflag:$0x1] =	stream.indirect.gather [hbm4b:s4+s14], $0x50, s23, s14, $0xb8;
	[tilespmem:$0x16620] =	vst v63  }
0x21: {  	s21 =	sadd.s32 $0x11800, s21;
	s23 =	simm.s32 $0x2;
	s22 =	sand.u32 $0x1, s31  }
0x22: {  	[spmem:s2] =	stream.indirect.scatter.add.f32 [tilespmem:s21], [sflag:$0x2], $0x50, s20, s14, $0xb8;
	[tilespmem:$0x16620] =	vst v63  }
0x23: {  	s20 =	simm.s32 $0xC900;
	s21 =	simm.s32 $0xF080;
	_ =	swait.ge [sflag:s12], $0x2710  }
.LBB2_2:
0x24: {  	s24 =	sxor.u32 $0x1, s22  }
0x25: {  	[sflag:s12] =	ssyncset.done $0x0;
	s25 =	smov.u32 s23;
	s26 =	sadd.s32 $0x1, s23  }
0x26: {  	p0 =	sne.s32 s23, $0x4E;
	s23 =	smul.u32 $0x9C40, s24;
	[sflag:s12] =	ssyncadd.s32 $0xFFFFD8F0  }
0x27: {  	_ =	swait.ge [sflag:s16], $0x2710  }
0x28: {  	s22 =	smul.u32 $0x9C40, s22;
	[sflag:s16] =	ssyncset.done $0x0;
	s23 =	sshrl.u32 s23, $0x2  }
0x29: {  	[sflag:s16] =	ssyncadd.s32 $0xFFFFD8F0;
	s23 =	sadd.s32 $0x11800, s23  }
0x2a: {  	[tilespmem:s23], [sflag:$0x1] =	stream.indirect.gather [hbm4b:s4+s14], $0x50, s20, s14, $0xb8;
	[tilespmem:$0x16620] =	vst v63  }
.Ltmp0:
0x2b: {  	_ = 	snop;
	(pc) =	sbr.rel @p0 .LBB2_2-.Ltmp0, $4  }
0x2c: {  	s22 =	sshrl.u32 s22, $0x2  }
0x2d: {  	s22 =	sadd.s32 $0x11800, s22;
	s20 =	sadd.s32 $0x80, s20;
	s23 =	smov.u32 s26  }
0x2e: {  	[spmem:s2] =	stream.indirect.scatter.add.f32 [tilespmem:s22], [sflag:$0x2], $0x50, s21, s14, $0xb8;
	[tilespmem:$0x16620] =	vst v63  }
0x2f: {  	s22 =	sand.u32 $0x1, s25;
	s21 =	sadd.s32 $0x80, s21;
	_ =	swait.ge [sflag:s12], $0x2710  }
0x30: {  	s23 =	sxor.u32 $0x1, s22;
	[sflag:s12] =	ssyncset.done $0x0  }
0x31: {  	s23 =	smul.u32 $0x9C40, s23;
	[sflag:s12] =	ssyncadd.s32 $0xFFFFD8F0  }
0x32: {  	s30 =	smul.u32 $0x9C40, s22;
	_ =	swait.ge [sflag:s16], $0x2710  }
0x33: {  	[sflag:s16] =	ssyncset.done $0x0;
	s23 =	sshrl.u32 s23, $0x2  }
0x34: {  	s31 =	sshrl.u32 s30, $0x2;
	[sflag:s16] =	ssyncadd.s32 $0xFFFFD8F0;
	s23 =	sadd.s32 $0x11800, s23  }
0x35: {  	[tilespmem:s23], [sflag:$0x1] =	stream.indirect.gather [hbm4b:s4+s14], $0x50, s20, s14, $0xb8;
	[tilespmem:$0x16620] =	vst v63  }
0x36: {  	s20 =	sadd.s32 $0x11800, s31  }
0x37: {  	[spmem:s2] =	stream.indirect.scatter.add.f32 [tilespmem:s20], [sflag:$0x2], $0x50, s21, s14, $0xb8;
	[tilespmem:$0x16620] =	vst v63  }
0x38: {  	_ =	swait.ge [sflag:s12], $0x2710  }
0x39: {  	[sflag:s12] =	ssyncset.done $0x0  }
0x3a: {  	[sflag:s12] =	ssyncadd.s32 $0xFFFFD8F0  }
0x3b: {  	_ =	swait.ge [sflag:s16], $0x2710  }
0x3c: {  	[sflag:s16] =	ssyncset.done $0x0  }
0x3d: {  	[sflag:s16] =	ssyncadd.s32 $0xFFFFD8F0  }
0x3e: {  	[spmem:s2] =	stream.indirect.scatter.add.f32 [tilespmem:s18], [sflag:$0x2], $0x50, s17, s14, $0xb8;
	[tilespmem:$0x16620] =	vst v63  }
0x3f: {  	_ =	swait.ge [sflag:s12], $0x2710  }
0x40: {  	s19 =	sadd.s32 $0x1, s19;
	[sflag:s12] =	ssyncset.done $0x0  }
0x41: {  	p0 =	sne.s32 s19, s10;
	[sflag:s12] =	ssyncadd.s32 $0xFFFFD8F0  }
.Ltmp1:
0x42: {  	[bflag:$0x0] =	sbarrier.arrive $0xFFFF;
	(pc) =	sbr.rel @p0 .LBB2_1-.Ltmp1, $4  }
0x43: {  	[hbm:s9], [sflag:s6] =	dma.local [spmem:s11], $0x1900  }
0x44: {  	_ =	swait.ge [sflag:s12], $0x1900  }
0x45: {  	[sflag:s12] =	ssyncset.done $0x0  }
0x46: {  	[sflag:s12] =	ssyncadd.s32 $0xFFFFE700  }
0x47: {  	_ =	sfence.sel $0x180000  }
0x48: {  	[bflag:$0x0] =	sbarrier.arrive $0xFFFF  }
0x49: {  	p0 =	sne.s32 s0, $0x0;
	_ =	strace $0x9000004D  }
0x4a: {  	s0 =	sadd.s32 @!p0 $0x100000, s1;
	[bflag:$0x2] =	sbarrier.arrive $0xFFFF  }
0x4b: {  	[sflag:s0] =	ssyncadd.tile.s32 @!p0 $0x1;
	_ =	shalt  }
.Lfunc_end2:
_tile_overlayer_lowered:
.L_overlay_start_2:
0x4c: {  	(tag) =	ssettag $0x2  }
0x4d: {  	s0 =	rddreg [dreg:$0x0];
	s2 =	stileid.u32  }
0x4e: {  	s1 =	rddreg [dreg:$0x1];
	p0 =	sne.s32 s2, $0x0  }
0x4f: {  	s3 =	rddreg [dreg:$0x2];
	[bflag:$0x3] =	sbarrier.arrive $0xFFFF;
	s2 =	simm.s32 @!p0 $0x1C02  }
0x50: {  	[timem:s3], [sflag:s2] =	dma.local @!p0 [hbm:s0], s1  }
0x51: {  	s0 =	simm.s32 @!p0 $0x2  }
0x52: {  	_ =	swait.ge @!p0 [sflag:s0], s1  }
0x53: {  	s1 =	ssub.s32 @!p0 $0x0, s1;
	[sflag:s0] =	ssyncset.done @!p0 $0x0  }
0x54: {  	[sflag:s0] =	ssyncadd.s32 @!p0 s1  }
0x55: {  	[bflag:$0x3] =	sbarrier.arrive $0xFFFF  }
0x56: {  	_ =	shalt  }

// kernel: kernel.23.cloned.1.call-start
scs
__scs_entry_jumppad:
0x0: {  	(pc) =	sbr.rel $0x88, $3  }
0x1: {  	(tag) =	ssettag $0x0;
	lr =	simm.s32 $0x1  }
0x2: {  	[smem:$0x3F8D] =	sst lr;
	_ =	strace $0xD0000000  }
0x3: {  	_ = 	snop  }
0x4: {  	_ = 	snop  }
0x5: {  	_ = 	snop  }
0x6: {  	_ = 	snop  }
0x7: {  	_ = 	snop  }
__scs_overlays_trampoline_lowered:
0x8: {  	[smem:$0x3F9C] =	sst s0  }
0x9: {  	[smem:$0x3F9D] =	sst s1  }
0xa: {  	[smem:$0x3F9E] =	sst s2  }
0xb: {  	[smem:$0x3F9F] =	sst s3  }
0xc: {  	[smem:$0x3FA0] =	sst s4  }
0xd: {  	[smem:$0x3FA1] =	sst s5  }
0xe: {  	[smem:$0x3FA2] =	sst s6  }
0xf: {  	[smem:$0x3FA3] =	sst s7  }
0x10: {  	[smem:$0x3FA4] =	sst s8  }
0x11: {  	[smem:$0x3FA5] =	sst s9;
	s0 =	simm.s32 @!p0 $0x0  }
0x12: {  	s1 =	sld [smem:$0x3F8B];
	s0 =	simm.s32 @p0 $0x1  }
0x13: {  	[smem:$0x3FA6] =	sst s0;
	s0 =	simm.s32 @!p1 $0x0  }
0x14: {  	s2 =	sld [smem:$0x3F8A];
	s0 =	simm.s32 @p1 $0x1  }
0x15: {  	[smem:$0x3FA7] =	sst s0;
	s0 =	simm.s32 @!p2 $0x0  }
0x16: {  	s3 =	sld [smem:$0x3FDB];
	s0 =	simm.s32 @p2 $0x1  }
0x17: {  	s4 =	simm.s32 $0x1BF5;
	[smem:$0x3FA9] =	sst s0  }
0x18: {  	s0 =	sld [smem:$0x3F8C];
	_ =	swait.ge [sflag:s4], $0x0  }
0x19: {  	s7 =	sld [smem:$0x3F8D]  }
0x1a: {  	s8 =	sadd.s32 $0xFFFFE003, lr  }
0x1b: {  	s9 =	sadd.s32 $0xFFFFFEF7, lr;
	s5 =	simm.s32 $0xFFFFFFFF;
	p2 =	slt.u32 s8, $0xFFFFF086  }
0x1c: {  	p1 =	slt.u32 s9, $0xF7A;
	s5 =	simm.s32 @!p2 $0x0  }
0x1d: {  	s5 =	simm.s32 @p1 $0x1;
	p0 =	seq.s32 s7, s2  }
0x1e: {  	s7 =	smul.u32 @!p0 $0xF7A, s2;
	p2 =	seq.s32 @!p0 s5, $0x0  }
0x1f: {  	s9 =	smul.u32 $0xF7A, s1;
	s8 =	simm.s32 @!p0 $0x1BF5;
	p2 =	por !p2, p0  }
0x20: {  	[sflag:s8] =	ssyncset.s32 @!p0 $0xFFFFF086;
	s6 =	sadd.s32 @!p0 s3, s7;
	s7 =	simm.s32 @!p0 $0x108  }
0x21: {  	s3 =	sadd.s32 s3, s9;
	s6 =	sadd.s32 @!p0 $0x88, s6;
	s7 =	simm.s32 @p2 $0x1082  }
0x22: {  	[simem:s7], [sflag:s8] =	dma.local @!p0 [hbm:s6], $0xF7A  }
0x23: {  	s9 =	sor.u32 $0xD0000000, s2;
	s6 =	simm.s32 $0x108;
	_ =	swait.ge @!p0 [sflag:s8], $0x0  }
0x24: {  	s3 =	sadd.s32 $0x88, s3;
	s6 =	simm.s32 @!p1 $0x1082;
	[sflag:s4] =	ssyncset.s32 $0xFFFFF086  }
0x25: {  	[simem:s6], [sflag:s4] =	dma.local [hbm:s3], $0xF7A  }
0x26: {  	[smem:$0x3F8D] =	sst s1;
	(tag) =	ssettag s2;
	_ =	strace s9  }
0x27: {  	s1 =	sld [smem:$0x3F9D]  }
0x28: {  	s2 =	sld [smem:$0x3F9E]  }
0x29: {  	s4 =	sld [smem:$0x3FA0]  }
0x2a: {  	p0 =	seq.s32 s5, $0x0;
	s5 =	sld [smem:$0x3FA1]  }
0x2b: {  	s6 =	sld [smem:$0x3FA2]  }
0x2c: {  	s7 =	sld [smem:$0x3FA3]  }
0x2d: {  	s3 =	simm.s32 $0x108;
	s8 =	sld [smem:$0x3FA4]  }
0x2e: {  	s3 =	simm.s32 @!p0 $0x1082;
	s9 =	sld [smem:$0x3FA5]  }
0x2f: {  	lr =	sadd.s32 s0, s3;
	s0 =	sld [smem:$0x3F9C]  }
0x30: {  	s3 =	sld [smem:$0x3F9F]  }
0x31: {  	[smem:$0x3FA8] =	sst s10  }
0x32: {  	s10 =	sld [smem:$0x3FA6];
	_ =	sdelay $0x3  }
0x33: {  	p0 =	seq.s32 s10, $0x1;
	s10 =	sld [smem:$0x3FA8];
	_ =	sdelay $0x3  }
0x34: {  	[smem:$0x3FA8] =	sst s10  }
0x35: {  	s10 =	sld [smem:$0x3FA7];
	_ =	sdelay $0x3  }
0x36: {  	p1 =	seq.s32 s10, $0x1;
	s10 =	sld [smem:$0x3FA8];
	_ =	sdelay $0x3  }
0x37: {  	[smem:$0x3FA8] =	sst s10  }
0x38: {  	s10 =	sld [smem:$0x3FA9]  }
0x39: {  	_ = 	snop;
	(pc) =	sbr.ind lr, $3  }
0x3a: {  	_ = 	snop  }
0x3b: {  	_ = 	snop  }
0x3c: {  	p2 =	seq.s32 s10, $0x1;
	s10 =	sld [smem:$0x3FA8]  }
0x3d: {  	_ =	shalt  }
0x3e: {  	_ =	shalt  }
0x3f: {  	_ =	shalt  }
0x40: {  	_ =	shalt  }
0x41: {  	_ =	shalt  }
0x42: {  	_ =	shalt  }
0x43: {  	_ =	shalt  }
0x44: {  	_ =	shalt  }
0x45: {  	_ =	shalt  }
0x46: {  	_ =	shalt  }
0x47: {  	_ =	shalt  }
0x48: {  	_ =	shalt  }
0x49: {  	_ =	shalt  }
0x4a: {  	_ =	shalt  }
0x4b: {  	_ =	shalt  }
0x4c: {  	_ =	shalt  }
0x4d: {  	_ =	shalt  }
0x4e: {  	_ =	shalt  }
0x4f: {  	_ =	shalt  }
0x50: {  	_ =	shalt  }
0x51: {  	_ =	shalt  }
0x52: {  	_ =	shalt  }
0x53: {  	_ =	shalt  }
0x54: {  	_ =	shalt  }
0x55: {  	_ =	shalt  }
0x56: {  	_ =	shalt  }
0x57: {  	_ =	shalt  }
0x58: {  	_ =	shalt  }
0x59: {  	_ =	shalt  }
0x5a: {  	_ =	shalt  }
0x5b: {  	_ =	shalt  }
0x5c: {  	_ =	shalt  }
0x5d: {  	_ =	shalt  }
0x5e: {  	_ =	shalt  }
0x5f: {  	_ =	shalt  }
0x60: {  	_ =	shalt  }
0x61: {  	_ =	shalt  }
0x62: {  	_ =	shalt  }
0x63: {  	_ =	shalt  }
0x64: {  	_ =	shalt  }
0x65: {  	_ =	shalt  }
0x66: {  	_ =	shalt  }
0x67: {  	_ =	shalt  }
0x68: {  	_ =	shalt  }
0x69: {  	_ =	shalt  }
0x6a: {  	_ =	shalt  }
0x6b: {  	_ =	shalt  }
0x6c: {  	_ =	shalt  }
0x6d: {  	_ =	shalt  }
0x6e: {  	_ =	shalt  }
0x6f: {  	_ =	shalt  }
0x70: {  	_ =	shalt  }
0x71: {  	_ =	shalt  }
0x72: {  	_ =	shalt  }
0x73: {  	_ =	shalt  }
0x74: {  	_ =	shalt  }
0x75: {  	_ =	shalt  }
0x76: {  	_ =	shalt  }
0x77: {  	_ =	shalt  }
0x78: {  	_ =	shalt  }
0x79: {  	_ =	shalt  }
0x7a: {  	_ =	shalt  }
0x7b: {  	_ =	shalt  }
0x7c: {  	_ =	shalt  }
0x7d: {  	_ =	shalt  }
0x7e: {  	_ =	shalt  }
0x7f: {  	_ =	shalt  }
0x80: {  	_ =	shalt  }
0x81: {  	_ =	shalt  }
0x82: {  	_ =	shalt  }
0x83: {  	_ =	shalt  }
0x84: {  	_ =	shalt  }
0x85: {  	_ =	shalt  }
0x86: {  	_ =	shalt  }
0x87: {  	_ =	shalt  }
.Lfunc_end0:
.L_simem_size_0:
called_computation.3_lowered:
.L_overlay_start_0:
0x88: {  	s2 =	sld [smem:$0x3FD9]  }
0x89: {  	s3 =	sld [smem:$0x3FFE];
	_ =	sdelay $0x1  }
0x8a: {  	s1 =	srdreg.scid  }
0x8b: {  	s0 =	sand.u32 $0x1, s1  }
0x8c: {  	s16 =	sshll.u32 s0, $0xA;
	s2 =	sadd.s32 s3, s2  }
0x8d: {  	s2 =	sadd.s32 s2, s16  }
0x8e: {  	[smem:$0x3FB4] =	sst s2  }
0x8f: {  	_ = 	snop  }
0x90: {  	(tm) =	ssettm $0x1  }
0x91: {  	s17 =	sld [smem:$0x3FFB];
	_ =	sdelay $0x3  }
0x92: {  	_ =	strace s17  }
0x93: {  	s2 =	sld [smem:$0x3FFC];
	_ =	sdelay $0x3  }
0x94: {  	_ =	strace s2  }
0x95: {  	s2 =	sld [smem:$0x3FFD];
	_ =	sdelay $0x3  }
0x96: {  	_ =	strace s2  }
0x97: {  	_ =	strace $0x8FFFFFFF  }
0x98: {  	s18 =	sld [smem:$0x3FDB];
	_ =	sdelay $0x1  }
0x99: {  	s19 =	simm.s32 $_scs_section_size  }
0x9a: {  	s4 =	simm.s32 $_size__tile_overlayer_lowered;
	s5 =	simm.s32 $_tile_overlayer_lowered  }
0x9b: {  	s22 =	simm.s32 $0x1BFF;
	s21 =	sshll.u32 s5, $0x1;
	s2 =	sadd.s32 s19, s18  }
0x9c: {  	s6 =	simm.s32 $0x0;
	s20 =	sshll.u32 s4, $0x1;
	s4 =	sadd.s32 s21, s2  }
0x9d: {  	[timem:s6], [sflag:s22] =	dma.local [hbm:s4], s20  }
0x9e: {  	_ =	swait.ge [sflag:s22], s20  }
0x9f: {  	s3 =	ssub.s32 $0x0, s20;
	[sflag:s22] =	ssyncset.done $0x0  }
0xa0: {  	[sflag:s22] =	ssyncadd.s32 s3;
	_ =	sdelay $0x1  }
0xa1: {  	s23 =	simm.s32 $0x1B8B  }
0xa2: {  	_ =	swait.ge [sflag:s23], $0x1  }
0xa3: {  	[sflag:s23] =	ssyncset.done $0x0  }
0xa4: {  	s25 =	simm.s32 $0x1B8E;
	s24 =	sld [smem:$0x3FFE];
	[sflag:s23] =	ssyncadd.s32 $0xFFFFFFFF  }
0xa5: {  	s26 =	simm.s32 $execute0_lowered;
	[smem:$0x3FD2] =	sst s25  }
0xa6: {  	s4 =	sshll.u32 s26, $0x1;
	_ =	strace $0x8000004F;
	[dreg:$0x1] =	wrdreg $0xFFFFFFFF  }
0xa7: {  	s28 =	simm.s32 $_size_execute0_lowered;
	s2 =	sadd.s32 s2, s4;
	[dreg:$0x0] =	wrdreg $0x0  }
0xa8: {  	s4 =	sshll.u32 s28, $0x1;
	[dreg:$0x2] =	wrdreg s2  }
0xa9: {  	[dreg:$0x3] =	wrdreg s4  }
0xaa: {  	[dreg:$0x4] =	wrdreg $0xC0  }
0xab: {  	_ =	task [dreg:s6], $0x5FFFF  }
0xac: {  	[dreg:$0x1] =	wrdreg $0xFFFFFFFF  }
0xad: {  	[dreg:$0x0] =	wrdreg $0x60  }
0xae: {  	[dreg:$0x2] =	wrdreg s24  }
0xaf: {  	[dreg:$0x3] =	wrdreg $0x0  }
0xb0: {  	[dreg:$0x4] =	wrdreg $0x9  }
0xb1: {  	_ =	task.clear_ibuf [dreg:s6], $0x5FFFF;
	_ =	strace $0x9000004F  }
0xb2: {  	s29 =	simm.s32 $0x9;
	_ =	strace $0x80000051  }
0xb3: {  	_ =	swait.ge [sflag:s29], $0x1  }
0xb4: {  	[sflag:s29] =	ssyncadd.s32 $0xFFFFFFFF  }
0xb5: {  	_ =	strace $0x90000051  }
0xb6: {  	_ =	sfence  }
0xb7: {  	s30 =	sld [smem:$0x0];
	_ =	sdelay $0x2  }
0xb8: {  	s31 =	sshll.u32 s1, $0xD;
	s1 =	sshrl.u32 s1, $0x2  }
0xb9: {  	s3 =	sand.u32 $0x4000, s31;
	s1 =	sadd.s32 s1, s30  }
0xba: {  	s0 =	sor.u32 s3, s0;
	s1 =	sshll.u32 s1, $0x11  }
0xbb: {  	s0 =	sor.u32 s1, s0  }
0xbc: {  	s0 =	sadd.s32 $0x8F2B, s0  }
0xbd: {  	[sflag:s0] =	ssyncadd.remote.s32 $0x1  }
0xbe: {  	_ =	sfence.sel $0xFFFF  }
0xbf: {  	[dreg:$0x0] =	wrdreg $0xFFFFFFFF;
	(pc) =	sbr.abs _section_cstart, $3  }
0xc0: {  	[dreg:$0x1] =	wrdreg $0xFFFFFFFF  }
0xc1: {  	_ =	task.clear_ibuf [dreg:s6], $0x2FFFF;
	_ =	strace $0x9FFFFFFF  }
0xc2: {  	(tm) =	ssettm $0x7FFFFFFF  }
0xc3: {  	_ =	shalt  }
tec
execute0_lowered:
.L_overlay_start_1:
0x0: {  	(tag) =	ssettag $0x1  }
0x1: {  	s0 =	srdreg.scid;
	s6 =	rddreg [dreg:$0x0]  }
0x2: {  	s2 =	rddreg [dreg:$0x1];
	s3 =	simm.s32 $0x0;
	s13 =	simm.s32 $0xA000  }
0x3: {  	s14 =	simm.s32 $0x7D;
	s15 =	simm.s32 $0xF000;
	s16 =	simm.s32 $0x1  }
0x4: {  	s17 =	simm.s32 $0xEF80;
	s5 =	sand.u32 $0x1, s0;
	s0 =	stileid.u32  }
0x5: {  	s18 =	simm.s32 $0x10F40;
	s19 =	simm.s32 $0x0;
	s8 =	smul.u32 $0xA000, s0  }
0x6: {  	[smem:$0x7FF] =	sst s3;
	s4 =	sadd.s32 $0x3200, s6;
	s9 =	smul.u32 $0x1400, s0  }
0x7: {  	s1 =	sshll.u32 s5, $0x4;
	s10 =	smul.u32 $0x14000, s5;
	s5 =	ssub.s32 $0x2, s5  }
0x8: {  	s31 =	sshll.u32 s0, $0x6;
	s1 =	sor.u32 s0, s1;
	s29 =	sshrl.u32 s5, $0x1  }
0x9: {  	s7 =	smul.u32 $0x500, s1;
	s1 =	rddreg [dreg:$0x2];
	_ =	strace $0x80000050  }
0xa: {  	s28 =	sshrl.u32 s8, $0x3;
	s9 =	sadd.s32 s9, s10;
	s30 =	ssub.s32 s5, s29  }
0xb: {  	s12 =	sadd.s32 s8, s2;
	s9 =	sadd.s32 s9, s6;
	s10 =	smax.u32 s30, $0x1  }
0xc: {  	s11 =	sadd.s32 s7, s6;
	s7 =	sadd.s32 s28, s6;
	s6 =	sor.u32 $0x1C02, s31  }
0xd: {  	s9 =	sadd.s32 $0x5D200, s9;
	s5 =	sadd.s32 $0x49200, s7;
	s7 =	sadd.s32 $0x1C200, s11  }
0xe: {  	s8 =	sadd.s32 $0x26200, s11;
	s11 =	sshrl.u32 s12, $0x3;
	s12 =	simm.s32 $0x2  }
.LBB2_1:
0xf: {  	[spmem:s11], [sflag:s6] =	dma.local [hbm:s5], $0x1400  }
0x10: {  	_ =	swait.ge [sflag:s12], $0x1400  }
0x11: {  	[sflag:s12] =	ssyncset.done $0x0  }
0x12: {  	[sflag:s12] =	ssyncadd.s32 $0xFFFFEC00  }
0x13: {  	[tilespmem:s13], [sflag:$0x2] =	stream.linear.gather [hbm4b:s7+s3], $0x2800, $0x38;
	[tilespmem:$0x12E80] =	vst v63  }
0x14: {  	_ =	swait.ge [sflag:s12], $0x2800  }
0x15: {  	[sflag:s12] =	ssyncset.done $0x0  }
0x16: {  	s20 =	simm.s32 $0xC800;
	[sflag:s12] =	ssyncadd.s32 $0xFFFFD800  }
0x17: {  	[tilespmem:s20], [sflag:$0x2] =	stream.linear.gather [hbm4b:s8+s3], $0x2800, $0x38;
	[tilespmem:$0x12E80] =	vst v63  }
0x18: {  	_ =	swait.ge [sflag:s12], $0x2800  }
0x19: {  	s21 =	sand.u32 $0x1, s3;
	[sflag:s12] =	ssyncset.done $0x0  }
0x1a: {  	s22 =	sxor.u32 $0x1, s21;
	[sflag:s12] =	ssyncadd.s32 $0xFFFFD800  }
0x1b: {  	s22 =	smul.u32 $0x7D00, s22;
	[bflag:$0x0] =	sbarrier.arrive $0xFFFF  }
0x1c: {  	[tilespmem:s15], [sflag:$0x1] =	stream.indirect.gather [hbm4b:s4+s14], $0x40, s13, s14, $0xb8;
	[tilespmem:$0x12E80] =	vst v63  }
0x1d: {  	s23 =	simm.s32 $0xA080;
	s21 =	smul.u32 $0x7D00, s21;
	_ =	swait.ge [sflag:s16], $0x1F40  }
0x1e: {  	s31 =	simm.s32 $0x1;
	s22 =	sshrl.u32 s22, $0x2;
	[sflag:s16] =	ssyncset.done $0x0  }
0x1f: {  	s21 =	sshrl.u32 s21, $0x2;
	s22 =	sadd.s32 $0xF000, s22;
	[sflag:s16] =	ssyncadd.s32 $0xFFFFE0C0  }
0x20: {  	[tilespmem:s22], [sflag:$0x1] =	stream.indirect.gather [hbm4b:s4+s14], $0x40, s23, s14, $0xb8;
	[tilespmem:$0x12E80] =	vst v63  }
0x21: {  	s21 =	sadd.s32 $0xF000, s21;
	s23 =	simm.s32 $0x2;
	s22 =	sand.u32 $0x1, s31  }
0x22: {  	[spmem:s2] =	stream.indirect.scatter.add.f32 [tilespmem:s21], [sflag:$0x2], $0x40, s20, s14, $0xb8;
	[tilespmem:$0x12E80] =	vst v63  }
0x23: {  	s20 =	simm.s32 $0xA100;
	s21 =	simm.s32 $0xC880;
	_ =	swait.ge [sflag:s12], $0x1F40  }
.LBB2_2:
0x24: {  	s24 =	sxor.u32 $0x1, s22  }
0x25: {  	[sflag:s12] =	ssyncset.done $0x0;
	s25 =	smov.u32 s23;
	s26 =	sadd.s32 $0x1, s23  }
0x26: {  	p0 =	sne.s32 s23, $0x4E;
	s23 =	smul.u32 $0x7D00, s24;
	[sflag:s12] =	ssyncadd.s32 $0xFFFFE0C0  }
0x27: {  	_ =	swait.ge [sflag:s16], $0x1F40  }
0x28: {  	s22 =	smul.u32 $0x7D00, s22;
	[sflag:s16] =	ssyncset.done $0x0;
	s23 =	sshrl.u32 s23, $0x2  }
0x29: {  	[sflag:s16] =	ssyncadd.s32 $0xFFFFE0C0;
	s23 =	sadd.s32 $0xF000, s23  }
0x2a: {  	[tilespmem:s23], [sflag:$0x1] =	stream.indirect.gather [hbm4b:s4+s14], $0x40, s20, s14, $0xb8;
	[tilespmem:$0x12E80] =	vst v63  }
.Ltmp0:
0x2b: {  	_ = 	snop;
	(pc) =	sbr.rel @p0 .LBB2_2-.Ltmp0, $4  }
0x2c: {  	s22 =	sshrl.u32 s22, $0x2  }
0x2d: {  	s22 =	sadd.s32 $0xF000, s22;
	s20 =	sadd.s32 $0x80, s20;
	s23 =	smov.u32 s26  }
0x2e: {  	[spmem:s2] =	stream.indirect.scatter.add.f32 [tilespmem:s22], [sflag:$0x2], $0x40, s21, s14, $0xb8;
	[tilespmem:$0x12E80] =	vst v63  }
0x2f: {  	s22 =	sand.u32 $0x1, s25;
	s21 =	sadd.s32 $0x80, s21;
	_ =	swait.ge [sflag:s12], $0x1F40  }
0x30: {  	s23 =	sxor.u32 $0x1, s22;
	[sflag:s12] =	ssyncset.done $0x0  }
0x31: {  	s23 =	smul.u32 $0x7D00, s23;
	[sflag:s12] =	ssyncadd.s32 $0xFFFFE0C0  }
0x32: {  	s30 =	smul.u32 $0x7D00, s22;
	_ =	swait.ge [sflag:s16], $0x1F40  }
0x33: {  	[sflag:s16] =	ssyncset.done $0x0;
	s23 =	sshrl.u32 s23, $0x2  }
0x34: {  	s31 =	sshrl.u32 s30, $0x2;
	[sflag:s16] =	ssyncadd.s32 $0xFFFFE0C0;
	s23 =	sadd.s32 $0xF000, s23  }
0x35: {  	[tilespmem:s23], [sflag:$0x1] =	stream.indirect.gather [hbm4b:s4+s14], $0x40, s20, s14, $0xb8;
	[tilespmem:$0x12E80] =	vst v63  }
0x36: {  	s20 =	sadd.s32 $0xF000, s31  }
0x37: {  	[spmem:s2] =	stream.indirect.scatter.add.f32 [tilespmem:s20], [sflag:$0x2], $0x40, s21, s14, $0xb8;
	[tilespmem:$0x12E80] =	vst v63  }
0x38: {  	_ =	swait.ge [sflag:s12], $0x1F40  }
0x39: {  	[sflag:s12] =	ssyncset.done $0x0  }
0x3a: {  	[sflag:s12] =	ssyncadd.s32 $0xFFFFE0C0  }
0x3b: {  	_ =	swait.ge [sflag:s16], $0x1F40  }
0x3c: {  	[sflag:s16] =	ssyncset.done $0x0  }
0x3d: {  	[sflag:s16] =	ssyncadd.s32 $0xFFFFE0C0  }
0x3e: {  	[spmem:s2] =	stream.indirect.scatter.add.f32 [tilespmem:s18], [sflag:$0x2], $0x40, s17, s14, $0xb8;
	[tilespmem:$0x12E80] =	vst v63  }
0x3f: {  	_ =	swait.ge [sflag:s12], $0x1F40  }
0x40: {  	s19 =	sadd.s32 $0x1, s19;
	[sflag:s12] =	ssyncset.done $0x0  }
0x41: {  	p0 =	sne.s32 s19, s10;
	[sflag:s12] =	ssyncadd.s32 $0xFFFFE0C0  }
.Ltmp1:
0x42: {  	[bflag:$0x0] =	sbarrier.arrive $0xFFFF;
	(pc) =	sbr.rel @p0 .LBB2_1-.Ltmp1, $4  }
0x43: {  	[hbm:s9], [sflag:s6] =	dma.local [spmem:s11], $0x1400  }
0x44: {  	_ =	swait.ge [sflag:s12], $0x1400  }
0x45: {  	[sflag:s12] =	ssyncset.done $0x0  }
0x46: {  	[sflag:s12] =	ssyncadd.s32 $0xFFFFEC00  }
0x47: {  	_ =	sfence.sel $0x180000  }
0x48: {  	[bflag:$0x0] =	sbarrier.arrive $0xFFFF  }
0x49: {  	p0 =	sne.s32 s0, $0x0;
	_ =	strace $0x90000050  }
0x4a: {  	s0 =	sadd.s32 @!p0 $0x100000, s1;
	[bflag:$0x2] =	sbarrier.arrive $0xFFFF  }
0x4b: {  	[sflag:s0] =	ssyncadd.tile.s32 @!p0 $0x1;
	_ =	shalt  }
.Lfunc_end2:
_tile_overlayer_lowered:
.L_overlay_start_2:
0x4c: {  	(tag) =	ssettag $0x2  }
0x4d: {  	s0 =	rddreg [dreg:$0x0];
	s2 =	stileid.u32  }
0x4e: {  	s1 =	rddreg [dreg:$0x1];
	p0 =	sne.s32 s2, $0x0  }
0x4f: {  	s3 =	rddreg [dreg:$0x2];
	[bflag:$0x3] =	sbarrier.arrive $0xFFFF;
	s2 =	simm.s32 @!p0 $0x1C02  }
0x50: {  	[timem:s3], [sflag:s2] =	dma.local @!p0 [hbm:s0], s1  }
0x51: {  	s0 =	simm.s32 @!p0 $0x2  }
0x52: {  	_ =	swait.ge @!p0 [sflag:s0], s1  }
0x53: {  	s1 =	ssub.s32 @!p0 $0x0, s1;
	[sflag:s0] =	ssyncset.done @!p0 $0x0  }
0x54: {  	[sflag:s0] =	ssyncadd.s32 @!p0 s1  }
0x55: {  	[bflag:$0x3] =	sbarrier.arrive $0xFFFF  }
0x56: {  	_ =	shalt  }

</sc_bundles>
